<compile_context>
chip_gen: v7x
topology: tpu7x:2x2x1
jax: 0.10.2.dev20260603
libtpu: 0.0.44.dev20260713+nightly
codegen_flags: <defaults>
</compile_context>

<pallas_src>
import functools

import jax
import jax.numpy as jnp
from jax import lax
from jax.experimental import pallas as pl
from jax.experimental.pallas import tpu as pltpu
from jax.experimental.pallas import tpu_sc as plsc

TOPK = 8


@functools.cache
def _make_sc_gather(V, D, B):
    info = plsc.get_sparse_core_info()
    NW = info.num_cores * info.num_subcores
    assert B % NW == 0
    b_per_w = B // NW
    CH = min(64, b_per_w)
    assert b_per_w % CH == 0
    n_ch = b_per_w // CH
    mesh = plsc.VectorSubcoreMesh(core_axis_name="c", subcore_axis_name="s")

    @functools.partial(
        pl.kernel,
        mesh=mesh,
        out_type=jax.ShapeDtypeStruct((B, D), jnp.float32),
        scratch_types=[
            pltpu.VMEM((b_per_w,), jnp.int32),
            pltpu.VMEM((2, CH, D), jnp.float32),
            pltpu.SemaphoreType.DMA((2,)),
            pltpu.SemaphoreType.DMA((2,)),
        ],
    )
    def gather_k(table_hbm, idx_hbm, out_hbm, idx_v, rows, gsem, osem):
        wid = lax.axis_index("s") * info.num_cores + lax.axis_index("c")
        base = wid * b_per_w
        pltpu.sync_copy(idx_hbm.at[pl.ds(base, b_per_w)], idx_v)

        def g_copy(c, slot):
            return pltpu.make_async_copy(
                table_hbm.at[idx_v.at[pl.ds(c * CH, CH)]],
                rows.at[slot],
                gsem.at[slot],
            )

        def o_copy(c, slot):
            return pltpu.make_async_copy(
                rows.at[slot],
                out_hbm.at[pl.ds(base + c * CH, CH)],
                osem.at[slot],
            )

        g_copy(0, 0).start()
        for c in range(n_ch):
            slot = c % 2
            if c + 1 < n_ch:
                if c >= 1:
                    o_copy(c - 1, 1 - slot).wait()
                g_copy(c + 1, 1 - slot).start()
            g_copy(c, slot).wait()
            o_copy(c, slot).start()
        if n_ch >= 2:
            o_copy(n_ch - 2, n_ch % 2).wait()
        o_copy(n_ch - 1, (n_ch - 1) % 2).wait()

    return gather_k


_SORT8 = (
    (0, 1), (2, 3), (4, 5), (6, 7),
    (0, 2), (1, 3), (4, 6), (5, 7),
    (1, 2), (5, 6),
    (0, 4), (1, 5), (2, 6), (3, 7),
    (2, 4), (3, 5),
    (1, 2), (3, 4), (5, 6),
)
_BITONIC8 = (
    (0, 4), (1, 5), (2, 6), (3, 7),
    (0, 2), (1, 3), (4, 6), (5, 7),
    (0, 1), (2, 3), (4, 5), (6, 7),
)


def _cmpswap(rows, net):
    for a, b in net:
        hi = jnp.maximum(rows[a], rows[b])
        lo = jnp.minimum(rows[a], rows[b])
        rows[a], rows[b] = hi, lo
    return rows


def _merge_top8(a, b):
    c = [jnp.maximum(a[i], b[7 - i]) for i in range(8)]
    return _cmpswap(c, _BITONIC8)


def _roll0(x, k):
    return jnp.concatenate([x[k:], x[:k]], axis=0)


def _top8_vals(xt):
    C, R = xt.shape
    nvr = C // 8
    rows = [xt[8 * v : 8 * v + 8] for v in range(nvr)]
    lists = []
    for g in range(nvr // 8):
        lists.append(_cmpswap(rows[8 * g : 8 * g + 8], _SORT8))
    while len(lists) > 1:
        lists = [
            _merge_top8(lists[i], lists[i + 1])
            for i in range(0, len(lists), 2)
        ]
    lst = lists[0]
    for d in (4, 2, 1):
        rolled = [_roll0(x, d) for x in lst]
        lst = _cmpswap(
            [jnp.maximum(lst[i], rolled[7 - i]) for i in range(8)], _BITONIC8
        )
    return lst[0], lst[7]


def _top8_softmax_weights_t(xt, tri, ew_ref):
    C, R = xt.shape
    v0, v8 = _top8_vals(xt)
    x3 = xt.reshape(C // 8, 8, R)
    sel = (x3 >= v8[None]).reshape(C, R)
    cnt = jnp.sum(sel.astype(jnp.float32), axis=0, keepdims=True)
    ew_ref[:C, :R] = jnp.where(
        sel, jnp.exp(x3 - v0[None]).reshape(C, R), 0.0
    )

    @pl.when(jnp.max(cnt) > TOPK)
    def _():
        eqm = (x3 == v8[None]).reshape(C, R).astype(jnp.float32)
        need = cnt - TOPK
        r = lax.dot_general(
            tri[:C, :C], eqm, (((1,), (0,)), ((), ())),
            preferred_element_type=jnp.float32,
        )
        drop = jnp.logical_and(eqm > 0.0, r <= need)
        ew_ref[:C, :R] = jnp.where(drop, 0.0, ew_ref[:C, :R])

    e = ew_ref[:C, :R]
    return e / jnp.sum(e, axis=0, keepdims=True)


_CONTRACT0 = (((0,), (0,)), ((), ()))


def _tc_body(g_ref, cm2_ref, root_ref, out_ref, l1_ref, tri_ref, ew_ref):
    E = out_ref.shape[1]

    @pl.when(pl.program_id(0) == 0)
    def _():
        C = tri_ref.shape[0]
        ri = lax.broadcasted_iota(jnp.int32, (C, C), 0)
        ci = lax.broadcasted_iota(jnp.int32, (C, C), 1)
        tri_ref[...] = (ri >= ci).astype(jnp.float32)
        w1t = _top8_softmax_weights_t(
            jnp.swapaxes(cm2_ref[...], 0, 1), tri_ref[...], ew_ref
        )
        l1_ref[...] = lax.dot_general(
            w1t, root_ref[...], _CONTRACT0, preferred_element_type=jnp.float32
        )

    wt = _top8_softmax_weights_t(
        jnp.swapaxes(g_ref[...], 0, 1), tri_ref[...], ew_ref
    )
    out_ref[...] = lax.dot_general(
        wt, l1_ref[...], _CONTRACT0, preferred_element_type=jnp.float32
    )


@functools.cache
def _make_tc_combine(B, C1, C2, E, blk):
    grid = (B // blk,)
    return pl.pallas_call(
        _tc_body,
        grid=grid,
        in_specs=[
            pl.BlockSpec((blk, C1), lambda i: (i, 0)),
            pl.BlockSpec((C1, C2), lambda i: (0, 0)),
            pl.BlockSpec((C2, E), lambda i: (0, 0)),
        ],
        out_specs=pl.BlockSpec((blk, E), lambda i: (i, 0)),
        out_shape=jax.ShapeDtypeStruct((B, E), jnp.float32),
        scratch_shapes=[
            pltpu.VMEM((C1, E), jnp.float32),
            pltpu.VMEM((C1, C1), jnp.float32),
            pltpu.VMEM((C1, blk), jnp.float32),
        ],
    )


def kernel(ids, rootMatrix, connectionMatrix_1, connectionMatrix_2):
    V, C1 = connectionMatrix_1.shape
    C1_, C2 = connectionMatrix_2.shape
    C2_, E = rootMatrix.shape
    (B,) = ids.shape
    ids32 = ids.astype(jnp.int32)
    nch = 2
    ch = B // nch
    outs = []
    for i in range(nch):
        g = _make_sc_gather(V, C1, ch)(
            connectionMatrix_1, ids32[i * ch : (i + 1) * ch]
        )
        outs.append(
            _make_tc_combine(ch, C1, C2, E, 4096)(
                g, connectionMatrix_2, rootMatrix
            )
        )
    return jnp.concatenate(outs, axis=0)

# --- scband reference (transcript-rebuilt; emitter-appended) ---
"""Pipeline reference for scband-he-24129126269531 (READ-ONLY COPY).

The authoritative reference and input builder live on the scoring server;
editing this copy changes nothing except your own understanding.
"""

import jax, jax.numpy as jnp
import numpy as np

OBJ_NUM = 100000
CLUSTER_NUMS = (512, 128)
EMBED_DIM = 64
TOPK = 8
BATCH = 16384


def setup_inputs(seed: int = 0) -> dict:
    key = jax.random.key(seed)
    k1, k2, k3, k4 = jax.random.split(key, 4)
    ids = jax.random.randint(k1, (BATCH,), 0, OBJ_NUM)
    rootMatrix = jax.random.normal(k2, (CLUSTER_NUMS[-1], EMBED_DIM), jnp.float32)
    connectionMatrix_1 = jax.random.normal(k3, (OBJ_NUM, CLUSTER_NUMS[0]), jnp.float32)
    connectionMatrix_2 = jax.random.normal(k4, (CLUSTER_NUMS[0], CLUSTER_NUMS[1]), jnp.float32)
    return {
        "ids": ids,
        "rootMatrix": rootMatrix,
        "connectionMatrix_1": connectionMatrix_1,
        "connectionMatrix_2": connectionMatrix_2,
    }


def reference(ids, rootMatrix, connectionMatrix_1, connectionMatrix_2):
    k = TOPK

    def topk_weighted_mean(connectionVector, parentMatrix):
        # Weighted averaging of parentMatrix rows based on connectionVector weights
        topk_indices = jnp.argsort(connectionVector)[-k:]
        return jax.nn.softmax(connectionVector[topk_indices]) @ parentMatrix[topk_indices]

    # getEmbedByLevel(1): vmap topkWeightedMean over connectionMatrix_2 rows with rootMatrix
    level1 = jax.vmap(topk_weighted_mean, in_axes=(0, None), out_axes=0)(
        connectionMatrix_2, rootMatrix
    )
    # getEmbed(ids): gather rows of connectionMatrix_1, then topk-weighted-mean over level1 embeds
    out = jax.vmap(topk_weighted_mean, in_axes=(0, None), out_axes=0)(
        connectionMatrix_1[ids], level1
    )
    return out

if __name__ == "__main__":
    import jax
    _d = setup_inputs()
    print(jax.jit(kernel)(*tuple(_d.values())))

</pallas_src>

<mosaic_0001>
#map = affine_map<(d0, d1) -> (0, 0)>
#map1 = affine_map<(d0, d1) -> (0)>
module attributes {stable_mosaic.version = 14 : i64} {
  func.func @gather_k(%arg0: i32, %arg1: i32, %arg2: memref<100000x512xf32, #tpu.memory_space<hbm>>, %arg3: memref<8192xi32, #tpu.memory_space<hbm>>, %arg4: memref<8192x512xf32, #tpu.memory_space<hbm>>, %arg5: memref<256xi32, #tpu.memory_space<vmem>>, %arg6: memref<2x64x512xf32, #tpu.memory_space<vmem>>, %arg7: memref<2x!tpu.dma_semaphore, #tpu.memory_space<semaphore_mem>>, %arg8: memref<2x!tpu.dma_semaphore, #tpu.memory_space<semaphore_mem>>) attributes {dimension_semantics = [#tpu.dimension_semantics<core_parallel>, #tpu.dimension_semantics<subcore_parallel>], iteration_bounds = array<i64: 2, 16>, scalar_prefetch = 0 : i64, scratch_operands = 4 : i64, tpu.core_type = #tpu.core_type<sc_vector_subcore>, window_params = [{transform_indices = #map}, {transform_indices = #map1}, {transform_indices = #map}]} {
    %mul3A = arith.constant 2 : i32
    %mul3A_0 = arith.muli %arg1, %mul3A : i32
    %add3A = arith.addi %mul3A_0, %arg0 : i32
    %mul3A_1 = arith.constant 256 : i32
    %mul3A_2 = arith.muli %add3A, %mul3A_1 : i32
    "tpu.region"() ({
      %run_scoped3A = tpu.sem_alloc : memref<!tpu.dma_semaphore, #tpu.memory_space<semaphore_mem>>
      %dma_start3A_249 = tpu.memref_slice %arg3[%mul3A_2] : memref<8192xi32, #tpu.memory_space<hbm>> -> memref<256xi32, #tpu.memory_space<hbm>>
      %dma_start3A_250 = tpu.memref_slice %arg3[%mul3A_2] : memref<8192xi32, #tpu.memory_space<hbm>> -> memref<256xi32, #tpu.memory_space<hbm>>
      tpu.enqueue_dma source(%dma_start3A_250 : memref<256xi32, #tpu.memory_space<hbm>>) target(%arg5 : memref<256xi32, #tpu.memory_space<vmem>>) target_semaphore(%run_scoped3A : memref<!tpu.dma_semaphore, #tpu.memory_space<semaphore_mem>>)
      %dma_wait3A_251 = tpu.memref_slice %arg3[%mul3A_2] : memref<8192xi32, #tpu.memory_space<hbm>> -> memref<256xi32, #tpu.memory_space<hbm>>
      %dma_wait3A_252 = tpu.memref_slice %arg3[%mul3A_2] : memref<8192xi32, #tpu.memory_space<hbm>> -> memref<256xi32, #tpu.memory_space<hbm>>
      tpu.wait_dma2 semaphore(%run_scoped3A : memref<!tpu.dma_semaphore, #tpu.memory_space<semaphore_mem>>) src(%dma_wait3A_252 : memref<256xi32, #tpu.memory_space<hbm>>) dst(%arg5 : memref<256xi32, #tpu.memory_space<vmem>>)
      tpu.yield
    }) : () -> ()
    %dma_start3A = arith.constant 0 : i32
    %dma_start3A_3 = arith.constant 0 : i32
    %dma_start3A_4 = arith.constant 0 : i32
    %dma_start3A_5 = arith.constant 0 : i32
    %dma_start3A_6 = tpu.memref_slice %arg6[%dma_start3A, %dma_start3A_4, %dma_start3A_5] : memref<2x64x512xf32, #tpu.memory_space<vmem>> -> memref<1x64x512xf32, #tpu.memory_space<vmem>>
    %dma_start3A_7 = tpu.memref_squeeze %dma_start3A_6 : memref<1x64x512xf32, #tpu.memory_space<vmem>> -> memref<64x512xf32, #tpu.memory_space<vmem>>
    %dma_start3A_8 = arith.constant 0 : i32
    %dma_start3A_9 = tpu.memref_slice %arg5[%dma_start3A_8] : memref<256xi32, #tpu.memory_space<vmem>> -> memref<64xi32, #tpu.memory_space<vmem>>
    %dma_start3A_10 = arith.constant 0 : i32
    %dma_start3A_11 = arith.constant 0 : i32
    %dma_start3A_12 = tpu.memref_slice %arg2[%dma_start3A_10, %dma_start3A_11] : memref<100000x512xf32, #tpu.memory_space<hbm>> -> memref<100000x512xf32, #tpu.memory_space<hbm>>
    %dma_start3A_13 = tpu.memref_slice %arg7[%dma_start3A_3] : memref<2x!tpu.dma_semaphore, #tpu.memory_space<semaphore_mem>> -> memref<1x!tpu.dma_semaphore, #tpu.memory_space<semaphore_mem>>
    %dma_start3A_14 = tpu.memref_squeeze %dma_start3A_13 : memref<1x!tpu.dma_semaphore, #tpu.memory_space<semaphore_mem>> -> memref<!tpu.dma_semaphore, #tpu.memory_space<semaphore_mem>>
    tpu.enqueue_indirect_dma source(%dma_start3A_12 : memref<100000x512xf32, #tpu.memory_space<hbm>>) target(%dma_start3A_7 : memref<64x512xf32, #tpu.memory_space<vmem>>) offsets(%dma_start3A_9 : memref<64xi32, #tpu.memory_space<vmem>>) semaphore(%dma_start3A_14 : memref<!tpu.dma_semaphore, #tpu.memory_space<semaphore_mem>>)
    %dma_start3A_15 = arith.constant 1 : i32
    %dma_start3A_16 = arith.constant 1 : i32
    %dma_start3A_17 = arith.constant 0 : i32
    %dma_start3A_18 = arith.constant 0 : i32
    %dma_start3A_19 = tpu.memref_slice %arg6[%dma_start3A_15, %dma_start3A_17, %dma_start3A_18] : memref<2x64x512xf32, #tpu.memory_space<vmem>> -> memref<1x64x512xf32, #tpu.memory_space<vmem>>
    %dma_start3A_20 = tpu.memref_squeeze %dma_start3A_19 : memref<1x64x512xf32, #tpu.memory_space<vmem>> -> memref<64x512xf32, #tpu.memory_space<vmem>>
    %dma_start3A_21 = arith.constant 64 : i32
    %dma_start3A_22 = tpu.memref_slice %arg5[%dma_start3A_21] : memref<256xi32, #tpu.memory_space<vmem>> -> memref<64xi32, #tpu.memory_space<vmem>>
    %dma_start3A_23 = arith.constant 0 : i32
    %dma_start3A_24 = arith.constant 0 : i32
    %dma_start3A_25 = tpu.memref_slice %arg2[%dma_start3A_23, %dma_start3A_24] : memref<100000x512xf32, #tpu.memory_space<hbm>> -> memref<100000x512xf32, #tpu.memory_space<hbm>>
    %dma_start3A_26 = tpu.memref_slice %arg7[%dma_start3A_16] : memref<2x!tpu.dma_semaphore, #tpu.memory_space<semaphore_mem>> -> memref<1x!tpu.dma_semaphore, #tpu.memory_space<semaphore_mem>>
    %dma_start3A_27 = tpu.memref_squeeze %dma_start3A_26 : memref<1x!tpu.dma_semaphore, #tpu.memory_space<semaphore_mem>> -> memref<!tpu.dma_semaphore, #tpu.memory_space<semaphore_mem>>
    tpu.enqueue_indirect_dma source(%dma_start3A_25 : memref<100000x512xf32, #tpu.memory_space<hbm>>) target(%dma_start3A_20 : memref<64x512xf32, #tpu.memory_space<vmem>>) offsets(%dma_start3A_22 : memref<64xi32, #tpu.memory_space<vmem>>) semaphore(%dma_start3A_27 : memref<!tpu.dma_semaphore, #tpu.memory_space<semaphore_mem>>)
    %dma_wait3A = arith.constant 0 : i32
    %dma_wait3A_28 = arith.constant 0 : i32
    %dma_wait3A_29 = arith.constant 0 : i32
    %dma_wait3A_30 = arith.constant 0 : i32
    %dma_wait3A_31 = tpu.memref_slice %arg6[%dma_wait3A, %dma_wait3A_29, %dma_wait3A_30] : memref<2x64x512xf32, #tpu.memory_space<vmem>> -> memref<1x64x512xf32, #tpu.memory_space<vmem>>
    %dma_wait3A_32 = tpu.memref_squeeze %dma_wait3A_31 : memref<1x64x512xf32, #tpu.memory_space<vmem>> -> memref<64x512xf32, #tpu.memory_space<vmem>>
    %dma_wait3A_33 = arith.constant 0 : i32
    %dma_wait3A_34 = tpu.memref_slice %arg5[%dma_wait3A_33] : memref<256xi32, #tpu.memory_space<vmem>> -> memref<64xi32, #tpu.memory_space<vmem>>
    %dma_wait3A_35 = arith.constant 0 : i32
    %dma_wait3A_36 = arith.constant 0 : i32
    %dma_wait3A_37 = tpu.memref_slice %arg2[%dma_wait3A_35, %dma_wait3A_36] : memref<100000x512xf32, #tpu.memory_space<hbm>> -> memref<100000x512xf32, #tpu.memory_space<hbm>>
    %dma_wait3A_38 = tpu.memref_slice %arg7[%dma_wait3A_28] : memref<2x!tpu.dma_semaphore, #tpu.memory_space<semaphore_mem>> -> memref<1x!tpu.dma_semaphore, #tpu.memory_space<semaphore_mem>>
    %dma_wait3A_39 = tpu.memref_squeeze %dma_wait3A_38 : memref<1x!tpu.dma_semaphore, #tpu.memory_space<semaphore_mem>> -> memref<!tpu.dma_semaphore, #tpu.memory_space<semaphore_mem>>
    tpu.wait_indirect_dma semaphore(%dma_wait3A_39 : memref<!tpu.dma_semaphore, #tpu.memory_space<semaphore_mem>>) src(%dma_wait3A_37 : memref<100000x512xf32, #tpu.memory_space<hbm>>) dst(%dma_wait3A_32 : memref<64x512xf32, #tpu.memory_space<vmem>>)
    %add3A_40 = arith.constant 0 : i32
    %add3A_41 = arith.addi %mul3A_2, %add3A_40 : i32
    %dma_start3A_42 = arith.constant 0 : i32
    %dma_start3A_43 = arith.constant 0 : i32
    %dma_start3A_44 = arith.constant 0 : i32
    %dma_start3A_45 = arith.constant 0 : i32
    %dma_start3A_46 = tpu.memref_slice %arg6[%dma_start3A_42, %dma_start3A_44, %dma_start3A_45] : memref<2x64x512xf32, #tpu.memory_space<vmem>> -> memref<1x64x512xf32, #tpu.memory_space<vmem>>
    %dma_start3A_47 = tpu.memref_squeeze %dma_start3A_46 : memref<1x64x512xf32, #tpu.memory_space<vmem>> -> memref<64x512xf32, #tpu.memory_space<vmem>>
    %dma_start3A_48 = arith.constant 0 : i32
    %dma_start3A_49 = tpu.memref_slice %arg4[%add3A_41, %dma_start3A_48] : memref<8192x512xf32, #tpu.memory_space<hbm>> -> memref<64x512xf32, #tpu.memory_space<hbm>>
    %dma_start3A_50 = tpu.memref_slice %arg8[%dma_start3A_43] : memref<2x!tpu.dma_semaphore, #tpu.memory_space<semaphore_mem>> -> memref<1x!tpu.dma_semaphore, #tpu.memory_space<semaphore_mem>>
    %dma_start3A_51 = tpu.memref_squeeze %dma_start3A_50 : memref<1x!tpu.dma_semaphore, #tpu.memory_space<semaphore_mem>> -> memref<!tpu.dma_semaphore, #tpu.memory_space<semaphore_mem>>
    %dma_start3A_52 = arith.constant 0 : i32
    %dma_start3A_53 = tpu.memref_slice %arg4[%add3A_41, %dma_start3A_52] : memref<8192x512xf32, #tpu.memory_space<hbm>> -> memref<64x512xf32, #tpu.memory_space<hbm>>
    %dma_start3A_54 = arith.constant 0 : i32
    %dma_start3A_55 = arith.constant 0 : i32
    %dma_start3A_56 = tpu.memref_slice %arg6[%dma_start3A_42, %dma_start3A_54, %dma_start3A_55] : memref<2x64x512xf32, #tpu.memory_space<vmem>> -> memref<1x64x512xf32, #tpu.memory_space<vmem>>
    %dma_start3A_57 = tpu.memref_squeeze %dma_start3A_56 : memref<1x64x512xf32, #tpu.memory_space<vmem>> -> memref<64x512xf32, #tpu.memory_space<vmem>>
    tpu.enqueue_dma source(%dma_start3A_57 : memref<64x512xf32, #tpu.memory_space<vmem>>) target(%dma_start3A_53 : memref<64x512xf32, #tpu.memory_space<hbm>>) target_semaphore(%dma_start3A_51 : memref<!tpu.dma_semaphore, #tpu.memory_space<semaphore_mem>>)
    %add3A_58 = arith.constant 0 : i32
    %add3A_59 = arith.addi %mul3A_2, %add3A_58 : i32
    %dma_wait3A_60 = arith.constant 0 : i32
    %dma_wait3A_61 = arith.constant 0 : i32
    %dma_wait3A_62 = arith.constant 0 : i32
    %dma_wait3A_63 = arith.constant 0 : i32
    %dma_wait3A_64 = tpu.memref_slice %arg6[%dma_wait3A_60, %dma_wait3A_62, %dma_wait3A_63] : memref<2x64x512xf32, #tpu.memory_space<vmem>> -> memref<1x64x512xf32, #tpu.memory_space<vmem>>
    %dma_wait3A_65 = tpu.memref_squeeze %dma_wait3A_64 : memref<1x64x512xf32, #tpu.memory_space<vmem>> -> memref<64x512xf32, #tpu.memory_space<vmem>>
    %dma_wait3A_66 = arith.constant 0 : i32
    %dma_wait3A_67 = tpu.memref_slice %arg4[%add3A_59, %dma_wait3A_66] : memref<8192x512xf32, #tpu.memory_space<hbm>> -> memref<64x512xf32, #tpu.memory_space<hbm>>
    %dma_wait3A_68 = tpu.memref_slice %arg8[%dma_wait3A_61] : memref<2x!tpu.dma_semaphore, #tpu.memory_space<semaphore_mem>> -> memref<1x!tpu.dma_semaphore, #tpu.memory_space<semaphore_mem>>
    %dma_wait3A_69 = tpu.memref_squeeze %dma_wait3A_68 : memref<1x!tpu.dma_semaphore, #tpu.memory_space<semaphore_mem>> -> memref<!tpu.dma_semaphore, #tpu.memory_space<semaphore_mem>>
    %dma_wait3A_70 = arith.constant 0 : i32
    %dma_wait3A_71 = tpu.memref_slice %arg4[%add3A_59, %dma_wait3A_70] : memref<8192x512xf32, #tpu.memory_space<hbm>> -> memref<64x512xf32, #tpu.memory_space<hbm>>
    %dma_wait3A_72 = arith.constant 0 : i32
    %dma_wait3A_73 = arith.constant 0 : i32
    %dma_wait3A_74 = tpu.memref_slice %arg6[%dma_wait3A_60, %dma_wait3A_72, %dma_wait3A_73] : memref<2x64x512xf32, #tpu.memory_space<vmem>> -> memref<1x64x512xf32, #tpu.memory_space<vmem>>
    %dma_wait3A_75 = tpu.memref_squeeze %dma_wait3A_74 : memref<1x64x512xf32, #tpu.memory_space<vmem>> -> memref<64x512xf32, #tpu.memory_space<vmem>>
    tpu.wait_dma2 semaphore(%dma_wait3A_69 : memref<!tpu.dma_semaphore, #tpu.memory_space<semaphore_mem>>) src(%dma_wait3A_75 : memref<64x512xf32, #tpu.memory_space<vmem>>) dst(%dma_wait3A_71 : memref<64x512xf32, #tpu.memory_space<hbm>>)
    %dma_start3A_76 = arith.constant 0 : i32
    %dma_start3A_77 = arith.constant 0 : i32
    %dma_start3A_78 = arith.constant 0 : i32
    %dma_start3A_79 = arith.constant 0 : i32
    %dma_start3A_80 = tpu.memref_slice %arg6[%dma_start3A_76, %dma_start3A_78, %dma_start3A_79] : memref<2x64x512xf32, #tpu.memory_space<vmem>> -> memref<1x64x512xf32, #tpu.memory_space<vmem>>
    %dma_start3A_81 = tpu.memref_squeeze %dma_start3A_80 : memref<1x64x512xf32, #tpu.memory_space<vmem>> -> memref<64x512xf32, #tpu.memory_space<vmem>>
    %dma_start3A_82 = arith.constant 128 : i32
    %dma_start3A_83 = tpu.memref_slice %arg5[%dma_start3A_82] : memref<256xi32, #tpu.memory_space<vmem>> -> memref<64xi32, #tpu.memory_space<vmem>>
    %dma_start3A_84 = arith.constant 0 : i32
    %dma_start3A_85 = arith.constant 0 : i32
    %dma_start3A_86 = tpu.memref_slice %arg2[%dma_start3A_84, %dma_start3A_85] : memref<100000x512xf32, #tpu.memory_space<hbm>> -> memref<100000x512xf32, #tpu.memory_space<hbm>>
    %dma_start3A_87 = tpu.memref_slice %arg7[%dma_start3A_77] : memref<2x!tpu.dma_semaphore, #tpu.memory_space<semaphore_mem>> -> memref<1x!tpu.dma_semaphore, #tpu.memory_space<semaphore_mem>>
    %dma_start3A_88 = tpu.memref_squeeze %dma_start3A_87 : memref<1x!tpu.dma_semaphore, #tpu.memory_space<semaphore_mem>> -> memref<!tpu.dma_semaphore, #tpu.memory_space<semaphore_mem>>
    tpu.enqueue_indirect_dma source(%dma_start3A_86 : memref<100000x512xf32, #tpu.memory_space<hbm>>) target(%dma_start3A_81 : memref<64x512xf32, #tpu.memory_space<vmem>>) offsets(%dma_start3A_83 : memref<64xi32, #tpu.memory_space<vmem>>) semaphore(%dma_start3A_88 : memref<!tpu.dma_semaphore, #tpu.memory_space<semaphore_mem>>)
    %dma_wait3A_89 = arith.constant 1 : i32
    %dma_wait3A_90 = arith.constant 1 : i32
    %dma_wait3A_91 = arith.constant 0 : i32
    %dma_wait3A_92 = arith.constant 0 : i32
    %dma_wait3A_93 = tpu.memref_slice %arg6[%dma_wait3A_89, %dma_wait3A_91, %dma_wait3A_92] : memref<2x64x512xf32, #tpu.memory_space<vmem>> -> memref<1x64x512xf32, #tpu.memory_space<vmem>>
    %dma_wait3A_94 = tpu.memref_squeeze %dma_wait3A_93 : memref<1x64x512xf32, #tpu.memory_space<vmem>> -> memref<64x512xf32, #tpu.memory_space<vmem>>
    %dma_wait3A_95 = arith.constant 64 : i32
    %dma_wait3A_96 = tpu.memref_slice %arg5[%dma_wait3A_95] : memref<256xi32, #tpu.memory_space<vmem>> -> memref<64xi32, #tpu.memory_space<vmem>>
    %dma_wait3A_97 = arith.constant 0 : i32
    %dma_wait3A_98 = arith.constant 0 : i32
    %dma_wait3A_99 = tpu.memref_slice %arg2[%dma_wait3A_97, %dma_wait3A_98] : memref<100000x512xf32, #tpu.memory_space<hbm>> -> memref<100000x512xf32, #tpu.memory_space<hbm>>
    %dma_wait3A_100 = tpu.memref_slice %arg7[%dma_wait3A_90] : memref<2x!tpu.dma_semaphore, #tpu.memory_space<semaphore_mem>> -> memref<1x!tpu.dma_semaphore, #tpu.memory_space<semaphore_mem>>
    %dma_wait3A_101 = tpu.memref_squeeze %dma_wait3A_100 : memref<1x!tpu.dma_semaphore, #tpu.memory_space<semaphore_mem>> -> memref<!tpu.dma_semaphore, #tpu.memory_space<semaphore_mem>>
    tpu.wait_indirect_dma semaphore(%dma_wait3A_101 : memref<!tpu.dma_semaphore, #tpu.memory_space<semaphore_mem>>) src(%dma_wait3A_99 : memref<100000x512xf32, #tpu.memory_space<hbm>>) dst(%dma_wait3A_94 : memref<64x512xf32, #tpu.memory_space<vmem>>)
    %add3A_102 = arith.constant 64 : i32
    %add3A_103 = arith.addi %mul3A_2, %add3A_102 : i32
    %dma_start3A_104 = arith.constant 1 : i32
    %dma_start3A_105 = arith.constant 1 : i32
    %dma_start3A_106 = arith.constant 0 : i32
    %dma_start3A_107 = arith.constant 0 : i32
    %dma_start3A_108 = tpu.memref_slice %arg6[%dma_start3A_104, %dma_start3A_106, %dma_start3A_107] : memref<2x64x512xf32, #tpu.memory_space<vmem>> -> memref<1x64x512xf32, #tpu.memory_space<vmem>>
    %dma_start3A_109 = tpu.memref_squeeze %dma_start3A_108 : memref<1x64x512xf32, #tpu.memory_space<vmem>> -> memref<64x512xf32, #tpu.memory_space<vmem>>
    %dma_start3A_110 = arith.constant 0 : i32
    %dma_start3A_111 = tpu.memref_slice %arg4[%add3A_103, %dma_start3A_110] : memref<8192x512xf32, #tpu.memory_space<hbm>> -> memref<64x512xf32, #tpu.memory_space<hbm>>
    %dma_start3A_112 = tpu.memref_slice %arg8[%dma_start3A_105] : memref<2x!tpu.dma_semaphore, #tpu.memory_space<semaphore_mem>> -> memref<1x!tpu.dma_semaphore, #tpu.memory_space<semaphore_mem>>
    %dma_start3A_113 = tpu.memref_squeeze %dma_start3A_112 : memref<1x!tpu.dma_semaphore, #tpu.memory_space<semaphore_mem>> -> memref<!tpu.dma_semaphore, #tpu.memory_space<semaphore_mem>>
    %dma_start3A_114 = arith.constant 0 : i32
    %dma_start3A_115 = tpu.memref_slice %arg4[%add3A_103, %dma_start3A_114] : memref<8192x512xf32, #tpu.memory_space<hbm>> -> memref<64x512xf32, #tpu.memory_space<hbm>>
    %dma_start3A_116 = arith.constant 0 : i32
    %dma_start3A_117 = arith.constant 0 : i32
    %dma_start3A_118 = tpu.memref_slice %arg6[%dma_start3A_104, %dma_start3A_116, %dma_start3A_117] : memref<2x64x512xf32, #tpu.memory_space<vmem>> -> memref<1x64x512xf32, #tpu.memory_space<vmem>>
    %dma_start3A_119 = tpu.memref_squeeze %dma_start3A_118 : memref<1x64x512xf32, #tpu.memory_space<vmem>> -> memref<64x512xf32, #tpu.memory_space<vmem>>
    tpu.enqueue_dma source(%dma_start3A_119 : memref<64x512xf32, #tpu.memory_space<vmem>>) target(%dma_start3A_115 : memref<64x512xf32, #tpu.memory_space<hbm>>) target_semaphore(%dma_start3A_113 : memref<!tpu.dma_semaphore, #tpu.memory_space<semaphore_mem>>)
    %add3A_120 = arith.constant 64 : i32
    %add3A_121 = arith.addi %mul3A_2, %add3A_120 : i32
    %dma_wait3A_122 = arith.constant 1 : i32
    %dma_wait3A_123 = arith.constant 1 : i32
    %dma_wait3A_124 = arith.constant 0 : i32
    %dma_wait3A_125 = arith.constant 0 : i32
    %dma_wait3A_126 = tpu.memref_slice %arg6[%dma_wait3A_122, %dma_wait3A_124, %dma_wait3A_125] : memref<2x64x512xf32, #tpu.memory_space<vmem>> -> memref<1x64x512xf32, #tpu.memory_space<vmem>>
    %dma_wait3A_127 = tpu.memref_squeeze %dma_wait3A_126 : memref<1x64x512xf32, #tpu.memory_space<vmem>> -> memref<64x512xf32, #tpu.memory_space<vmem>>
    %dma_wait3A_128 = arith.constant 0 : i32
    %dma_wait3A_129 = tpu.memref_slice %arg4[%add3A_121, %dma_wait3A_128] : memref<8192x512xf32, #tpu.memory_space<hbm>> -> memref<64x512xf32, #tpu.memory_space<hbm>>
    %dma_wait3A_130 = tpu.memref_slice %arg8[%dma_wait3A_123] : memref<2x!tpu.dma_semaphore, #tpu.memory_space<semaphore_mem>> -> memref<1x!tpu.dma_semaphore, #tpu.memory_space<semaphore_mem>>
    %dma_wait3A_131 = tpu.memref_squeeze %dma_wait3A_130 : memref<1x!tpu.dma_semaphore, #tpu.memory_space<semaphore_mem>> -> memref<!tpu.dma_semaphore, #tpu.memory_space<semaphore_mem>>
    %dma_wait3A_132 = arith.constant 0 : i32
    %dma_wait3A_133 = tpu.memref_slice %arg4[%add3A_121, %dma_wait3A_132] : memref<8192x512xf32, #tpu.memory_space<hbm>> -> memref<64x512xf32, #tpu.memory_space<hbm>>
    %dma_wait3A_134 = arith.constant 0 : i32
    %dma_wait3A_135 = arith.constant 0 : i32
    %dma_wait3A_136 = tpu.memref_slice %arg6[%dma_wait3A_122, %dma_wait3A_134, %dma_wait3A_135] : memref<2x64x512xf32, #tpu.memory_space<vmem>> -> memref<1x64x512xf32, #tpu.memory_space<vmem>>
    %dma_wait3A_137 = tpu.memref_squeeze %dma_wait3A_136 : memref<1x64x512xf32, #tpu.memory_space<vmem>> -> memref<64x512xf32, #tpu.memory_space<vmem>>
    tpu.wait_dma2 semaphore(%dma_wait3A_131 : memref<!tpu.dma_semaphore, #tpu.memory_space<semaphore_mem>>) src(%dma_wait3A_137 : memref<64x512xf32, #tpu.memory_space<vmem>>) dst(%dma_wait3A_133 : memref<64x512xf32, #tpu.memory_space<hbm>>)
    %dma_start3A_138 = arith.constant 1 : i32
    %dma_start3A_139 = arith.constant 1 : i32
    %dma_start3A_140 = arith.constant 0 : i32
    %dma_start3A_141 = arith.constant 0 : i32
    %dma_start3A_142 = tpu.memref_slice %arg6[%dma_start3A_138, %dma_start3A_140, %dma_start3A_141] : memref<2x64x512xf32, #tpu.memory_space<vmem>> -> memref<1x64x512xf32, #tpu.memory_space<vmem>>
    %dma_start3A_143 = tpu.memref_squeeze %dma_start3A_142 : memref<1x64x512xf32, #tpu.memory_space<vmem>> -> memref<64x512xf32, #tpu.memory_space<vmem>>
    %dma_start3A_144 = arith.constant 192 : i32
    %dma_start3A_145 = tpu.memref_slice %arg5[%dma_start3A_144] : memref<256xi32, #tpu.memory_space<vmem>> -> memref<64xi32, #tpu.memory_space<vmem>>
    %dma_start3A_146 = arith.constant 0 : i32
    %dma_start3A_147 = arith.constant 0 : i32
    %dma_start3A_148 = tpu.memref_slice %arg2[%dma_start3A_146, %dma_start3A_147] : memref<100000x512xf32, #tpu.memory_space<hbm>> -> memref<100000x512xf32, #tpu.memory_space<hbm>>
    %dma_start3A_149 = tpu.memref_slice %arg7[%dma_start3A_139] : memref<2x!tpu.dma_semaphore, #tpu.memory_space<semaphore_mem>> -> memref<1x!tpu.dma_semaphore, #tpu.memory_space<semaphore_mem>>
    %dma_start3A_150 = tpu.memref_squeeze %dma_start3A_149 : memref<1x!tpu.dma_semaphore, #tpu.memory_space<semaphore_mem>> -> memref<!tpu.dma_semaphore, #tpu.memory_space<semaphore_mem>>
    tpu.enqueue_indirect_dma source(%dma_start3A_148 : memref<100000x512xf32, #tpu.memory_space<hbm>>) target(%dma_start3A_143 : memref<64x512xf32, #tpu.memory_space<vmem>>) offsets(%dma_start3A_145 : memref<64xi32, #tpu.memory_space<vmem>>) semaphore(%dma_start3A_150 : memref<!tpu.dma_semaphore, #tpu.memory_space<semaphore_mem>>)
    %dma_wait3A_151 = arith.constant 0 : i32
    %dma_wait3A_152 = arith.constant 0 : i32
    %dma_wait3A_153 = arith.constant 0 : i32
    %dma_wait3A_154 = arith.constant 0 : i32
    %dma_wait3A_155 = tpu.memref_slice %arg6[%dma_wait3A_151, %dma_wait3A_153, %dma_wait3A_154] : memref<2x64x512xf32, #tpu.memory_space<vmem>> -> memref<1x64x512xf32, #tpu.memory_space<vmem>>
    %dma_wait3A_156 = tpu.memref_squeeze %dma_wait3A_155 : memref<1x64x512xf32, #tpu.memory_space<vmem>> -> memref<64x512xf32, #tpu.memory_space<vmem>>
    %dma_wait3A_157 = arith.constant 128 : i32
    %dma_wait3A_158 = tpu.memref_slice %arg5[%dma_wait3A_157] : memref<256xi32, #tpu.memory_space<vmem>> -> memref<64xi32, #tpu.memory_space<vmem>>
    %dma_wait3A_159 = arith.constant 0 : i32
    %dma_wait3A_160 = arith.constant 0 : i32
    %dma_wait3A_161 = tpu.memref_slice %arg2[%dma_wait3A_159, %dma_wait3A_160] : memref<100000x512xf32, #tpu.memory_space<hbm>> -> memref<100000x512xf32, #tpu.memory_space<hbm>>
    %dma_wait3A_162 = tpu.memref_slice %arg7[%dma_wait3A_152] : memref<2x!tpu.dma_semaphore, #tpu.memory_space<semaphore_mem>> -> memref<1x!tpu.dma_semaphore, #tpu.memory_space<semaphore_mem>>
    %dma_wait3A_163 = tpu.memref_squeeze %dma_wait3A_162 : memref<1x!tpu.dma_semaphore, #tpu.memory_space<semaphore_mem>> -> memref<!tpu.dma_semaphore, #tpu.memory_space<semaphore_mem>>
    tpu.wait_indirect_dma semaphore(%dma_wait3A_163 : memref<!tpu.dma_semaphore, #tpu.memory_space<semaphore_mem>>) src(%dma_wait3A_161 : memref<100000x512xf32, #tpu.memory_space<hbm>>) dst(%dma_wait3A_156 : memref<64x512xf32, #tpu.memory_space<vmem>>)
    %add3A_164 = arith.constant 128 : i32
    %add3A_165 = arith.addi %mul3A_2, %add3A_164 : i32
    %dma_start3A_166 = arith.constant 0 : i32
    %dma_start3A_167 = arith.constant 0 : i32
    %dma_start3A_168 = arith.constant 0 : i32
    %dma_start3A_169 = arith.constant 0 : i32
    %dma_start3A_170 = tpu.memref_slice %arg6[%dma_start3A_166, %dma_start3A_168, %dma_start3A_169] : memref<2x64x512xf32, #tpu.memory_space<vmem>> -> memref<1x64x512xf32, #tpu.memory_space<vmem>>
    %dma_start3A_171 = tpu.memref_squeeze %dma_start3A_170 : memref<1x64x512xf32, #tpu.memory_space<vmem>> -> memref<64x512xf32, #tpu.memory_space<vmem>>
    %dma_start3A_172 = arith.constant 0 : i32
    %dma_start3A_173 = tpu.memref_slice %arg4[%add3A_165, %dma_start3A_172] : memref<8192x512xf32, #tpu.memory_space<hbm>> -> memref<64x512xf32, #tpu.memory_space<hbm>>
    %dma_start3A_174 = tpu.memref_slice %arg8[%dma_start3A_167] : memref<2x!tpu.dma_semaphore, #tpu.memory_space<semaphore_mem>> -> memref<1x!tpu.dma_semaphore, #tpu.memory_space<semaphore_mem>>
    %dma_start3A_175 = tpu.memref_squeeze %dma_start3A_174 : memref<1x!tpu.dma_semaphore, #tpu.memory_space<semaphore_mem>> -> memref<!tpu.dma_semaphore, #tpu.memory_space<semaphore_mem>>
    %dma_start3A_176 = arith.constant 0 : i32
    %dma_start3A_177 = tpu.memref_slice %arg4[%add3A_165, %dma_start3A_176] : memref<8192x512xf32, #tpu.memory_space<hbm>> -> memref<64x512xf32, #tpu.memory_space<hbm>>
    %dma_start3A_178 = arith.constant 0 : i32
    %dma_start3A_179 = arith.constant 0 : i32
    %dma_start3A_180 = tpu.memref_slice %arg6[%dma_start3A_166, %dma_start3A_178, %dma_start3A_179] : memref<2x64x512xf32, #tpu.memory_space<vmem>> -> memref<1x64x512xf32, #tpu.memory_space<vmem>>
    %dma_start3A_181 = tpu.memref_squeeze %dma_start3A_180 : memref<1x64x512xf32, #tpu.memory_space<vmem>> -> memref<64x512xf32, #tpu.memory_space<vmem>>
    tpu.enqueue_dma source(%dma_start3A_181 : memref<64x512xf32, #tpu.memory_space<vmem>>) target(%dma_start3A_177 : memref<64x512xf32, #tpu.memory_space<hbm>>) target_semaphore(%dma_start3A_175 : memref<!tpu.dma_semaphore, #tpu.memory_space<semaphore_mem>>)
    %dma_wait3A_182 = arith.constant 1 : i32
    %dma_wait3A_183 = arith.constant 1 : i32
    %dma_wait3A_184 = arith.constant 0 : i32
    %dma_wait3A_185 = arith.constant 0 : i32
    %dma_wait3A_186 = tpu.memref_slice %arg6[%dma_wait3A_182, %dma_wait3A_184, %dma_wait3A_185] : memref<2x64x512xf32, #tpu.memory_space<vmem>> -> memref<1x64x512xf32, #tpu.memory_space<vmem>>
    %dma_wait3A_187 = tpu.memref_squeeze %dma_wait3A_186 : memref<1x64x512xf32, #tpu.memory_space<vmem>> -> memref<64x512xf32, #tpu.memory_space<vmem>>
    %dma_wait3A_188 = arith.constant 192 : i32
    %dma_wait3A_189 = tpu.memref_slice %arg5[%dma_wait3A_188] : memref<256xi32, #tpu.memory_space<vmem>> -> memref<64xi32, #tpu.memory_space<vmem>>
    %dma_wait3A_190 = arith.constant 0 : i32
    %dma_wait3A_191 = arith.constant 0 : i32
    %dma_wait3A_192 = tpu.memref_slice %arg2[%dma_wait3A_190, %dma_wait3A_191] : memref<100000x512xf32, #tpu.memory_space<hbm>> -> memref<100000x512xf32, #tpu.memory_space<hbm>>
    %dma_wait3A_193 = tpu.memref_slice %arg7[%dma_wait3A_183] : memref<2x!tpu.dma_semaphore, #tpu.memory_space<semaphore_mem>> -> memref<1x!tpu.dma_semaphore, #tpu.memory_space<semaphore_mem>>
    %dma_wait3A_194 = tpu.memref_squeeze %dma_wait3A_193 : memref<1x!tpu.dma_semaphore, #tpu.memory_space<semaphore_mem>> -> memref<!tpu.dma_semaphore, #tpu.memory_space<semaphore_mem>>
    tpu.wait_indirect_dma semaphore(%dma_wait3A_194 : memref<!tpu.dma_semaphore, #tpu.memory_space<semaphore_mem>>) src(%dma_wait3A_192 : memref<100000x512xf32, #tpu.memory_space<hbm>>) dst(%dma_wait3A_187 : memref<64x512xf32, #tpu.memory_space<vmem>>)
    %add3A_195 = arith.constant 192 : i32
    %add3A_196 = arith.addi %mul3A_2, %add3A_195 : i32
    %dma_start3A_197 = arith.constant 1 : i32
    %dma_start3A_198 = arith.constant 1 : i32
    %dma_start3A_199 = arith.constant 0 : i32
    %dma_start3A_200 = arith.constant 0 : i32
    %dma_start3A_201 = tpu.memref_slice %arg6[%dma_start3A_197, %dma_start3A_199, %dma_start3A_200] : memref<2x64x512xf32, #tpu.memory_space<vmem>> -> memref<1x64x512xf32, #tpu.memory_space<vmem>>
    %dma_start3A_202 = tpu.memref_squeeze %dma_start3A_201 : memref<1x64x512xf32, #tpu.memory_space<vmem>> -> memref<64x512xf32, #tpu.memory_space<vmem>>
    %dma_start3A_203 = arith.constant 0 : i32
    %dma_start3A_204 = tpu.memref_slice %arg4[%add3A_196, %dma_start3A_203] : memref<8192x512xf32, #tpu.memory_space<hbm>> -> memref<64x512xf32, #tpu.memory_space<hbm>>
    %dma_start3A_205 = tpu.memref_slice %arg8[%dma_start3A_198] : memref<2x!tpu.dma_semaphore, #tpu.memory_space<semaphore_mem>> -> memref<1x!tpu.dma_semaphore, #tpu.memory_space<semaphore_mem>>
    %dma_start3A_206 = tpu.memref_squeeze %dma_start3A_205 : memref<1x!tpu.dma_semaphore, #tpu.memory_space<semaphore_mem>> -> memref<!tpu.dma_semaphore, #tpu.memory_space<semaphore_mem>>
    %dma_start3A_207 = arith.constant 0 : i32
    %dma_start3A_208 = tpu.memref_slice %arg4[%add3A_196, %dma_start3A_207] : memref<8192x512xf32, #tpu.memory_space<hbm>> -> memref<64x512xf32, #tpu.memory_space<hbm>>
    %dma_start3A_209 = arith.constant 0 : i32
    %dma_start3A_210 = arith.constant 0 : i32
    %dma_start3A_211 = tpu.memref_slice %arg6[%dma_start3A_197, %dma_start3A_209, %dma_start3A_210] : memref<2x64x512xf32, #tpu.memory_space<vmem>> -> memref<1x64x512xf32, #tpu.memory_space<vmem>>
    %dma_start3A_212 = tpu.memref_squeeze %dma_start3A_211 : memref<1x64x512xf32, #tpu.memory_space<vmem>> -> memref<64x512xf32, #tpu.memory_space<vmem>>
    tpu.enqueue_dma source(%dma_start3A_212 : memref<64x512xf32, #tpu.memory_space<vmem>>) target(%dma_start3A_208 : memref<64x512xf32, #tpu.memory_space<hbm>>) target_semaphore(%dma_start3A_206 : memref<!tpu.dma_semaphore, #tpu.memory_space<semaphore_mem>>)
    %add3A_213 = arith.constant 128 : i32
    %add3A_214 = arith.addi %mul3A_2, %add3A_213 : i32
    %dma_wait3A_215 = arith.constant 0 : i32
    %dma_wait3A_216 = arith.constant 0 : i32
    %dma_wait3A_217 = arith.constant 0 : i32
    %dma_wait3A_218 = arith.constant 0 : i32
    %dma_wait3A_219 = tpu.memref_slice %arg6[%dma_wait3A_215, %dma_wait3A_217, %dma_wait3A_218] : memref<2x64x512xf32, #tpu.memory_space<vmem>> -> memref<1x64x512xf32, #tpu.memory_space<vmem>>
    %dma_wait3A_220 = tpu.memref_squeeze %dma_wait3A_219 : memref<1x64x512xf32, #tpu.memory_space<vmem>> -> memref<64x512xf32, #tpu.memory_space<vmem>>
    %dma_wait3A_221 = arith.constant 0 : i32
    %dma_wait3A_222 = tpu.memref_slice %arg4[%add3A_214, %dma_wait3A_221] : memref<8192x512xf32, #tpu.memory_space<hbm>> -> memref<64x512xf32, #tpu.memory_space<hbm>>
    %dma_wait3A_223 = tpu.memref_slice %arg8[%dma_wait3A_216] : memref<2x!tpu.dma_semaphore, #tpu.memory_space<semaphore_mem>> -> memref<1x!tpu.dma_semaphore, #tpu.memory_space<semaphore_mem>>
    %dma_wait3A_224 = tpu.memref_squeeze %dma_wait3A_223 : memref<1x!tpu.dma_semaphore, #tpu.memory_space<semaphore_mem>> -> memref<!tpu.dma_semaphore, #tpu.memory_space<semaphore_mem>>
    %dma_wait3A_225 = arith.constant 0 : i32
    %dma_wait3A_226 = tpu.memref_slice %arg4[%add3A_214, %dma_wait3A_225] : memref<8192x512xf32, #tpu.memory_space<hbm>> -> memref<64x512xf32, #tpu.memory_space<hbm>>
    %dma_wait3A_227 = arith.constant 0 : i32
    %dma_wait3A_228 = arith.constant 0 : i32
    %dma_wait3A_229 = tpu.memref_slice %arg6[%dma_wait3A_215, %dma_wait3A_227, %dma_wait3A_228] : memref<2x64x512xf32, #tpu.memory_space<vmem>> -> memref<1x64x512xf32, #tpu.memory_space<vmem>>
    %dma_wait3A_230 = tpu.memref_squeeze %dma_wait3A_229 : memref<1x64x512xf32, #tpu.memory_space<vmem>> -> memref<64x512xf32, #tpu.memory_space<vmem>>
    tpu.wait_dma2 semaphore(%dma_wait3A_224 : memref<!tpu.dma_semaphore, #tpu.memory_space<semaphore_mem>>) src(%dma_wait3A_230 : memref<64x512xf32, #tpu.memory_space<vmem>>) dst(%dma_wait3A_226 : memref<64x512xf32, #tpu.memory_space<hbm>>)
    %add3A_231 = arith.constant 192 : i32
    %add3A_232 = arith.addi %mul3A_2, %add3A_231 : i32
    %dma_wait3A_233 = arith.constant 1 : i32
    %dma_wait3A_234 = arith.constant 1 : i32
    %dma_wait3A_235 = arith.constant 0 : i32
    %dma_wait3A_236 = arith.constant 0 : i32
    %dma_wait3A_237 = tpu.memref_slice %arg6[%dma_wait3A_233, %dma_wait3A_235, %dma_wait3A_236] : memref<2x64x512xf32, #tpu.memory_space<vmem>> -> memref<1x64x512xf32, #tpu.memory_space<vmem>>
    %dma_wait3A_238 = tpu.memref_squeeze %dma_wait3A_237 : memref<1x64x512xf32, #tpu.memory_space<vmem>> -> memref<64x512xf32, #tpu.memory_space<vmem>>
    %dma_wait3A_239 = arith.constant 0 : i32
    %dma_wait3A_240 = tpu.memref_slice %arg4[%add3A_232, %dma_wait3A_239] : memref<8192x512xf32, #tpu.memory_space<hbm>> -> memref<64x512xf32, #tpu.memory_space<hbm>>
    %dma_wait3A_241 = tpu.memref_slice %arg8[%dma_wait3A_234] : memref<2x!tpu.dma_semaphore, #tpu.memory_space<semaphore_mem>> -> memref<1x!tpu.dma_semaphore, #tpu.memory_space<semaphore_mem>>
    %dma_wait3A_242 = tpu.memref_squeeze %dma_wait3A_241 : memref<1x!tpu.dma_semaphore, #tpu.memory_space<semaphore_mem>> -> memref<!tpu.dma_semaphore, #tpu.memory_space<semaphore_mem>>
    %dma_wait3A_243 = arith.constant 0 : i32
    %dma_wait3A_244 = tpu.memref_slice %arg4[%add3A_232, %dma_wait3A_243] : memref<8192x512xf32, #tpu.memory_space<hbm>> -> memref<64x512xf32, #tpu.memory_space<hbm>>
    %dma_wait3A_245 = arith.constant 0 : i32
    %dma_wait3A_246 = arith.constant 0 : i32
    %dma_wait3A_247 = tpu.memref_slice %arg6[%dma_wait3A_233, %dma_wait3A_245, %dma_wait3A_246] : memref<2x64x512xf32, #tpu.memory_space<vmem>> -> memref<1x64x512xf32, #tpu.memory_space<vmem>>
    %dma_wait3A_248 = tpu.memref_squeeze %dma_wait3A_247 : memref<1x64x512xf32, #tpu.memory_space<vmem>> -> memref<64x512xf32, #tpu.memory_space<vmem>>
    tpu.wait_dma2 semaphore(%dma_wait3A_242 : memref<!tpu.dma_semaphore, #tpu.memory_space<semaphore_mem>>) src(%dma_wait3A_248 : memref<64x512xf32, #tpu.memory_space<vmem>>) dst(%dma_wait3A_244 : memref<64x512xf32, #tpu.memory_space<hbm>>)
    return
  }
}

#map = affine_map<(d0, d1) -> (0, 0)>
#map1 = affine_map<(d0, d1) -> (0)>
module attributes {stable_mosaic.version = 14 : i64} {
  func.func @gather_k(%arg0: i32, %arg1: i32, %arg2: memref<100000x512xf32, #tpu.memory_space<hbm>>, %arg3: memref<8192xi32, #tpu.memory_space<hbm>>, %arg4: memref<8192x512xf32, #tpu.memory_space<hbm>>, %arg5: memref<256xi32, #tpu.memory_space<vmem>>, %arg6: memref<2x64x512xf32, #tpu.memory_space<vmem>>, %arg7: memref<2x!tpu.dma_semaphore, #tpu.memory_space<semaphore_mem>>, %arg8: memref<2x!tpu.dma_semaphore, #tpu.memory_space<semaphore_mem>>) attributes {dimension_semantics = [#tpu.dimension_semantics<core_parallel>, #tpu.dimension_semantics<subcore_parallel>], iteration_bounds = array<i64: 2, 16>, scalar_prefetch = 0 : i64, scratch_operands = 4 : i64, tpu.core_type = #tpu.core_type<sc_vector_subcore>, window_params = [{transform_indices = #map}, {transform_indices = #map1}, {transform_indices = #map}]} {
    %mul3A = arith.constant 2 : i32
    %mul3A_0 = arith.muli %arg1, %mul3A : i32
    %add3A = arith.addi %mul3A_0, %arg0 : i32
    %mul3A_1 = arith.constant 256 : i32
    %mul3A_2 = arith.muli %add3A, %mul3A_1 : i32
    "tpu.region"() ({
      %run_scoped3A = tpu.sem_alloc : memref<!tpu.dma_semaphore, #tpu.memory_space<semaphore_mem>>
      %dma_start3A_249 = tpu.memref_slice %arg3[%mul3A_2] : memref<8192xi32, #tpu.memory_space<hbm>> -> memref<256xi32, #tpu.memory_space<hbm>>
      %dma_start3A_250 = tpu.memref_slice %arg3[%mul3A_2] : memref<8192xi32, #tpu.memory_space<hbm>> -> memref<256xi32, #tpu.memory_space<hbm>>
      tpu.enqueue_dma source(%dma_start3A_250 : memref<256xi32, #tpu.memory_space<hbm>>) target(%arg5 : memref<256xi32, #tpu.memory_space<vmem>>) target_semaphore(%run_scoped3A : memref<!tpu.dma_semaphore, #tpu.memory_space<semaphore_mem>>)
      %dma_wait3A_251 = tpu.memref_slice %arg3[%mul3A_2] : memref<8192xi32, #tpu.memory_space<hbm>> -> memref<256xi32, #tpu.memory_space<hbm>>
      %dma_wait3A_252 = tpu.memref_slice %arg3[%mul3A_2] : memref<8192xi32, #tpu.memory_space<hbm>> -> memref<256xi32, #tpu.memory_space<hbm>>
      tpu.wait_dma2 semaphore(%run_scoped3A : memref<!tpu.dma_semaphore, #tpu.memory_space<semaphore_mem>>) src(%dma_wait3A_252 : memref<256xi32, #tpu.memory_space<hbm>>) dst(%arg5 : memref<256xi32, #tpu.memory_space<vmem>>)
      tpu.yield
    }) : () -> ()
    %dma_start3A = arith.constant 0 : i32
    %dma_start3A_3 = arith.constant 0 : i32
    %dma_start3A_4 = arith.constant 0 : i32
    %dma_start3A_5 = arith.constant 0 : i32
    %dma_start3A_6 = tpu.memref_slice %arg6[%dma_start3A, %dma_start3A_4, %dma_start3A_5] : memref<2x64x512xf32, #tpu.memory_space<vmem>> -> memref<1x64x512xf32, #tpu.memory_space<vmem>>
    %dma_start3A_7 = tpu.memref_squeeze %dma_start3A_6 : memref<1x64x512xf32, #tpu.memory_space<vmem>> -> memref<64x512xf32, #tpu.memory_space<vmem>>
    %dma_start3A_8 = arith.constant 0 : i32
    %dma_start3A_9 = tpu.memref_slice %arg5[%dma_start3A_8] : memref<256xi32, #tpu.memory_space<vmem>> -> memref<64xi32, #tpu.memory_space<vmem>>
    %dma_start3A_10 = arith.constant 0 : i32
    %dma_start3A_11 = arith.constant 0 : i32
    %dma_start3A_12 = tpu.memref_slice %arg2[%dma_start3A_10, %dma_start3A_11] : memref<100000x512xf32, #tpu.memory_space<hbm>> -> memref<100000x512xf32, #tpu.memory_space<hbm>>
    %dma_start3A_13 = tpu.memref_slice %arg7[%dma_start3A_3] : memref<2x!tpu.dma_semaphore, #tpu.memory_space<semaphore_mem>> -> memref<1x!tpu.dma_semaphore, #tpu.memory_space<semaphore_mem>>
    %dma_start3A_14 = tpu.memref_squeeze %dma_start3A_13 : memref<1x!tpu.dma_semaphore, #tpu.memory_space<semaphore_mem>> -> memref<!tpu.dma_semaphore, #tpu.memory_space<semaphore_mem>>
    tpu.enqueue_indirect_dma source(%dma_start3A_12 : memref<100000x512xf32, #tpu.memory_space<hbm>>) target(%dma_start3A_7 : memref<64x512xf32, #tpu.memory_space<vmem>>) offsets(%dma_start3A_9 : memref<64xi32, #tpu.memory_space<vmem>>) semaphore(%dma_start3A_14 : memref<!tpu.dma_semaphore, #tpu.memory_space<semaphore_mem>>)
    %dma_start3A_15 = arith.constant 1 : i32
    %dma_start3A_16 = arith.constant 1 : i32
    %dma_start3A_17 = arith.constant 0 : i32
    %dma_start3A_18 = arith.constant 0 : i32
    %dma_start3A_19 = tpu.memref_slice %arg6[%dma_start3A_15, %dma_start3A_17, %dma_start3A_18] : memref<2x64x512xf32, #tpu.memory_space<vmem>> -> memref<1x64x512xf32, #tpu.memory_space<vmem>>
    %dma_start3A_20 = tpu.memref_squeeze %dma_start3A_19 : memref<1x64x512xf32, #tpu.memory_space<vmem>> -> memref<64x512xf32, #tpu.memory_space<vmem>>
    %dma_start3A_21 = arith.constant 64 : i32
    %dma_start3A_22 = tpu.memref_slice %arg5[%dma_start3A_21] : memref<256xi32, #tpu.memory_space<vmem>> -> memref<64xi32, #tpu.memory_space<vmem>>
    %dma_start3A_23 = arith.constant 0 : i32
    %dma_start3A_24 = arith.constant 0 : i32
    %dma_start3A_25 = tpu.memref_slice %arg2[%dma_start3A_23, %dma_start3A_24] : memref<100000x512xf32, #tpu.memory_space<hbm>> -> memref<100000x512xf32, #tpu.memory_space<hbm>>
    %dma_start3A_26 = tpu.memref_slice %arg7[%dma_start3A_16] : memref<2x!tpu.dma_semaphore, #tpu.memory_space<semaphore_mem>> -> memref<1x!tpu.dma_semaphore, #tpu.memory_space<semaphore_mem>>
    %dma_start3A_27 = tpu.memref_squeeze %dma_start3A_26 : memref<1x!tpu.dma_semaphore, #tpu.memory_space<semaphore_mem>> -> memref<!tpu.dma_semaphore, #tpu.memory_space<semaphore_mem>>
    tpu.enqueue_indirect_dma source(%dma_start3A_25 : memref<100000x512xf32, #tpu.memory_space<hbm>>) target(%dma_start3A_20 : memref<64x512xf32, #tpu.memory_space<vmem>>) offsets(%dma_start3A_22 : memref<64xi32, #tpu.memory_space<vmem>>) semaphore(%dma_start3A_27 : memref<!tpu.dma_semaphore, #tpu.memory_space<semaphore_mem>>)
    %dma_wait3A = arith.constant 0 : i32
    %dma_wait3A_28 = arith.constant 0 : i32
    %dma_wait3A_29 = arith.constant 0 : i32
    %dma_wait3A_30 = arith.constant 0 : i32
    %dma_wait3A_31 = tpu.memref_slice %arg6[%dma_wait3A, %dma_wait3A_29, %dma_wait3A_30] : memref<2x64x512xf32, #tpu.memory_space<vmem>> -> memref<1x64x512xf32, #tpu.memory_space<vmem>>
    %dma_wait3A_32 = tpu.memref_squeeze %dma_wait3A_31 : memref<1x64x512xf32, #tpu.memory_space<vmem>> -> memref<64x512xf32, #tpu.memory_space<vmem>>
    %dma_wait3A_33 = arith.constant 0 : i32
    %dma_wait3A_34 = tpu.memref_slice %arg5[%dma_wait3A_33] : memref<256xi32, #tpu.memory_space<vmem>> -> memref<64xi32, #tpu.memory_space<vmem>>
    %dma_wait3A_35 = arith.constant 0 : i32
    %dma_wait3A_36 = arith.constant 0 : i32
    %dma_wait3A_37 = tpu.memref_slice %arg2[%dma_wait3A_35, %dma_wait3A_36] : memref<100000x512xf32, #tpu.memory_space<hbm>> -> memref<100000x512xf32, #tpu.memory_space<hbm>>
    %dma_wait3A_38 = tpu.memref_slice %arg7[%dma_wait3A_28] : memref<2x!tpu.dma_semaphore, #tpu.memory_space<semaphore_mem>> -> memref<1x!tpu.dma_semaphore, #tpu.memory_space<semaphore_mem>>
    %dma_wait3A_39 = tpu.memref_squeeze %dma_wait3A_38 : memref<1x!tpu.dma_semaphore, #tpu.memory_space<semaphore_mem>> -> memref<!tpu.dma_semaphore, #tpu.memory_space<semaphore_mem>>
    tpu.wait_indirect_dma semaphore(%dma_wait3A_39 : memref<!tpu.dma_semaphore, #tpu.memory_space<semaphore_mem>>) src(%dma_wait3A_37 : memref<100000x512xf32, #tpu.memory_space<hbm>>) dst(%dma_wait3A_32 : memref<64x512xf32, #tpu.memory_space<vmem>>)
    %add3A_40 = arith.constant 0 : i32
    %add3A_41 = arith.addi %mul3A_2, %add3A_40 : i32
    %dma_start3A_42 = arith.constant 0 : i32
    %dma_start3A_43 = arith.constant 0 : i32
    %dma_start3A_44 = arith.constant 0 : i32
    %dma_start3A_45 = arith.constant 0 : i32
    %dma_start3A_46 = tpu.memref_slice %arg6[%dma_start3A_42, %dma_start3A_44, %dma_start3A_45] : memref<2x64x512xf32, #tpu.memory_space<vmem>> -> memref<1x64x512xf32, #tpu.memory_space<vmem>>
    %dma_start3A_47 = tpu.memref_squeeze %dma_start3A_46 : memref<1x64x512xf32, #tpu.memory_space<vmem>> -> memref<64x512xf32, #tpu.memory_space<vmem>>
    %dma_start3A_48 = arith.constant 0 : i32
    %dma_start3A_49 = tpu.memref_slice %arg4[%add3A_41, %dma_start3A_48] : memref<8192x512xf32, #tpu.memory_space<hbm>> -> memref<64x512xf32, #tpu.memory_space<hbm>>
    %dma_start3A_50 = tpu.memref_slice %arg8[%dma_start3A_43] : memref<2x!tpu.dma_semaphore, #tpu.memory_space<semaphore_mem>> -> memref<1x!tpu.dma_semaphore, #tpu.memory_space<semaphore_mem>>
    %dma_start3A_51 = tpu.memref_squeeze %dma_start3A_50 : memref<1x!tpu.dma_semaphore, #tpu.memory_space<semaphore_mem>> -> memref<!tpu.dma_semaphore, #tpu.memory_space<semaphore_mem>>
    %dma_start3A_52 = arith.constant 0 : i32
    %dma_start3A_53 = tpu.memref_slice %arg4[%add3A_41, %dma_start3A_52] : memref<8192x512xf32, #tpu.memory_space<hbm>> -> memref<64x512xf32, #tpu.memory_space<hbm>>
    %dma_start3A_54 = arith.constant 0 : i32
    %dma_start3A_55 = arith.constant 0 : i32
    %dma_start3A_56 = tpu.memref_slice %arg6[%dma_start3A_42, %dma_start3A_54, %dma_start3A_55] : memref<2x64x512xf32, #tpu.memory_space<vmem>> -> memref<1x64x512xf32, #tpu.memory_space<vmem>>
    %dma_start3A_57 = tpu.memref_squeeze %dma_start3A_56 : memref<1x64x512xf32, #tpu.memory_space<vmem>> -> memref<64x512xf32, #tpu.memory_space<vmem>>
    tpu.enqueue_dma source(%dma_start3A_57 : memref<64x512xf32, #tpu.memory_space<vmem>>) target(%dma_start3A_53 : memref<64x512xf32, #tpu.memory_space<hbm>>) target_semaphore(%dma_start3A_51 : memref<!tpu.dma_semaphore, #tpu.memory_space<semaphore_mem>>)
    %add3A_58 = arith.constant 0 : i32
    %add3A_59 = arith.addi %mul3A_2, %add3A_58 : i32
    %dma_wait3A_60 = arith.constant 0 : i32
    %dma_wait3A_61 = arith.constant 0 : i32
    %dma_wait3A_62 = arith.constant 0 : i32
    %dma_wait3A_63 = arith.constant 0 : i32
    %dma_wait3A_64 = tpu.memref_slice %arg6[%dma_wait3A_60, %dma_wait3A_62, %dma_wait3A_63] : memref<2x64x512xf32, #tpu.memory_space<vmem>> -> memref<1x64x512xf32, #tpu.memory_space<vmem>>
    %dma_wait3A_65 = tpu.memref_squeeze %dma_wait3A_64 : memref<1x64x512xf32, #tpu.memory_space<vmem>> -> memref<64x512xf32, #tpu.memory_space<vmem>>
    %dma_wait3A_66 = arith.constant 0 : i32
    %dma_wait3A_67 = tpu.memref_slice %arg4[%add3A_59, %dma_wait3A_66] : memref<8192x512xf32, #tpu.memory_space<hbm>> -> memref<64x512xf32, #tpu.memory_space<hbm>>
    %dma_wait3A_68 = tpu.memref_slice %arg8[%dma_wait3A_61] : memref<2x!tpu.dma_semaphore, #tpu.memory_space<semaphore_mem>> -> memref<1x!tpu.dma_semaphore, #tpu.memory_space<semaphore_mem>>
    %dma_wait3A_69 = tpu.memref_squeeze %dma_wait3A_68 : memref<1x!tpu.dma_semaphore, #tpu.memory_space<semaphore_mem>> -> memref<!tpu.dma_semaphore, #tpu.memory_space<semaphore_mem>>
    %dma_wait3A_70 = arith.constant 0 : i32
    %dma_wait3A_71 = tpu.memref_slice %arg4[%add3A_59, %dma_wait3A_70] : memref<8192x512xf32, #tpu.memory_space<hbm>> -> memref<64x512xf32, #tpu.memory_space<hbm>>
    %dma_wait3A_72 = arith.constant 0 : i32
    %dma_wait3A_73 = arith.constant 0 : i32
    %dma_wait3A_74 = tpu.memref_slice %arg6[%dma_wait3A_60, %dma_wait3A_72, %dma_wait3A_73] : memref<2x64x512xf32, #tpu.memory_space<vmem>> -> memref<1x64x512xf32, #tpu.memory_space<vmem>>
    %dma_wait3A_75 = tpu.memref_squeeze %dma_wait3A_74 : memref<1x64x512xf32, #tpu.memory_space<vmem>> -> memref<64x512xf32, #tpu.memory_space<vmem>>
    tpu.wait_dma2 semaphore(%dma_wait3A_69 : memref<!tpu.dma_semaphore, #tpu.memory_space<semaphore_mem>>) src(%dma_wait3A_75 : memref<64x512xf32, #tpu.memory_space<vmem>>) dst(%dma_wait3A_71 : memref<64x512xf32, #tpu.memory_space<hbm>>)
    %dma_start3A_76 = arith.constant 0 : i32
    %dma_start3A_77 = arith.constant 0 : i32
    %dma_start3A_78 = arith.constant 0 : i32
    %dma_start3A_79 = arith.constant 0 : i32
    %dma_start3A_80 = tpu.memref_slice %arg6[%dma_start3A_76, %dma_start3A_78, %dma_start3A_79] : memref<2x64x512xf32, #tpu.memory_space<vmem>> -> memref<1x64x512xf32, #tpu.memory_space<vmem>>
    %dma_start3A_81 = tpu.memref_squeeze %dma_start3A_80 : memref<1x64x512xf32, #tpu.memory_space<vmem>> -> memref<64x512xf32, #tpu.memory_space<vmem>>
    %dma_start3A_82 = arith.constant 128 : i32
    %dma_start3A_83 = tpu.memref_slice %arg5[%dma_start3A_82] : memref<256xi32, #tpu.memory_space<vmem>> -> memref<64xi32, #tpu.memory_space<vmem>>
    %dma_start3A_84 = arith.constant 0 : i32
    %dma_start3A_85 = arith.constant 0 : i32
    %dma_start3A_86 = tpu.memref_slice %arg2[%dma_start3A_84, %dma_start3A_85] : memref<100000x512xf32, #tpu.memory_space<hbm>> -> memref<100000x512xf32, #tpu.memory_space<hbm>>
    %dma_start3A_87 = tpu.memref_slice %arg7[%dma_start3A_77] : memref<2x!tpu.dma_semaphore, #tpu.memory_space<semaphore_mem>> -> memref<1x!tpu.dma_semaphore, #tpu.memory_space<semaphore_mem>>
    %dma_start3A_88 = tpu.memref_squeeze %dma_start3A_87 : memref<1x!tpu.dma_semaphore, #tpu.memory_space<semaphore_mem>> -> memref<!tpu.dma_semaphore, #tpu.memory_space<semaphore_mem>>
    tpu.enqueue_indirect_dma source(%dma_start3A_86 : memref<100000x512xf32, #tpu.memory_space<hbm>>) target(%dma_start3A_81 : memref<64x512xf32, #tpu.memory_space<vmem>>) offsets(%dma_start3A_83 : memref<64xi32, #tpu.memory_space<vmem>>) semaphore(%dma_start3A_88 : memref<!tpu.dma_semaphore, #tpu.memory_space<semaphore_mem>>)
    %dma_wait3A_89 = arith.constant 1 : i32
    %dma_wait3A_90 = arith.constant 1 : i32
    %dma_wait3A_91 = arith.constant 0 : i32
    %dma_wait3A_92 = arith.constant 0 : i32
    %dma_wait3A_93 = tpu.memref_slice %arg6[%dma_wait3A_89, %dma_wait3A_91, %dma_wait3A_92] : memref<2x64x512xf32, #tpu.memory_space<vmem>> -> memref<1x64x512xf32, #tpu.memory_space<vmem>>
    %dma_wait3A_94 = tpu.memref_squeeze %dma_wait3A_93 : memref<1x64x512xf32, #tpu.memory_space<vmem>> -> memref<64x512xf32, #tpu.memory_space<vmem>>
    %dma_wait3A_95 = arith.constant 64 : i32
    %dma_wait3A_96 = tpu.memref_slice %arg5[%dma_wait3A_95] : memref<256xi32, #tpu.memory_space<vmem>> -> memref<64xi32, #tpu.memory_space<vmem>>
    %dma_wait3A_97 = arith.constant 0 : i32
    %dma_wait3A_98 = arith.constant 0 : i32
    %dma_wait3A_99 = tpu.memref_slice %arg2[%dma_wait3A_97, %dma_wait3A_98] : memref<100000x512xf32, #tpu.memory_space<hbm>> -> memref<100000x512xf32, #tpu.memory_space<hbm>>
    %dma_wait3A_100 = tpu.memref_slice %arg7[%dma_wait3A_90] : memref<2x!tpu.dma_semaphore, #tpu.memory_space<semaphore_mem>> -> memref<1x!tpu.dma_semaphore, #tpu.memory_space<semaphore_mem>>
    %dma_wait3A_101 = tpu.memref_squeeze %dma_wait3A_100 : memref<1x!tpu.dma_semaphore, #tpu.memory_space<semaphore_mem>> -> memref<!tpu.dma_semaphore, #tpu.memory_space<semaphore_mem>>
    tpu.wait_indirect_dma semaphore(%dma_wait3A_101 : memref<!tpu.dma_semaphore, #tpu.memory_space<semaphore_mem>>) src(%dma_wait3A_99 : memref<100000x512xf32, #tpu.memory_space<hbm>>) dst(%dma_wait3A_94 : memref<64x512xf32, #tpu.memory_space<vmem>>)
    %add3A_102 = arith.constant 64 : i32
    %add3A_103 = arith.addi %mul3A_2, %add3A_102 : i32
    %dma_start3A_104 = arith.constant 1 : i32
    %dma_start3A_105 = arith.constant 1 : i32
    %dma_start3A_106 = arith.constant 0 : i32
    %dma_start3A_107 = arith.constant 0 : i32
    %dma_start3A_108 = tpu.memref_slice %arg6[%dma_start3A_104, %dma_start3A_106, %dma_start3A_107] : memref<2x64x512xf32, #tpu.memory_space<vmem>> -> memref<1x64x512xf32, #tpu.memory_space<vmem>>
    %dma_start3A_109 = tpu.memref_squeeze %dma_start3A_108 : memref<1x64x512xf32, #tpu.memory_space<vmem>> -> memref<64x512xf32, #tpu.memory_space<vmem>>
    %dma_start3A_110 = arith.constant 0 : i32
    %dma_start3A_111 = tpu.memref_slice %arg4[%add3A_103, %dma_start3A_110] : memref<8192x512xf32, #tpu.memory_space<hbm>> -> memref<64x512xf32, #tpu.memory_space<hbm>>
    %dma_start3A_112 = tpu.memref_slice %arg8[%dma_start3A_105] : memref<2x!tpu.dma_semaphore, #tpu.memory_space<semaphore_mem>> -> memref<1x!tpu.dma_semaphore, #tpu.memory_space<semaphore_mem>>
    %dma_start3A_113 = tpu.memref_squeeze %dma_start3A_112 : memref<1x!tpu.dma_semaphore, #tpu.memory_space<semaphore_mem>> -> memref<!tpu.dma_semaphore, #tpu.memory_space<semaphore_mem>>
    %dma_start3A_114 = arith.constant 0 : i32
    %dma_start3A_115 = tpu.memref_slice %arg4[%add3A_103, %dma_start3A_114] : memref<8192x512xf32, #tpu.memory_space<hbm>> -> memref<64x512xf32, #tpu.memory_space<hbm>>
    %dma_start3A_116 = arith.constant 0 : i32
    %dma_start3A_117 = arith.constant 0 : i32
    %dma_start3A_118 = tpu.memref_slice %arg6[%dma_start3A_104, %dma_start3A_116, %dma_start3A_117] : memref<2x64x512xf32, #tpu.memory_space<vmem>> -> memref<1x64x512xf32, #tpu.memory_space<vmem>>
    %dma_start3A_119 = tpu.memref_squeeze %dma_start3A_118 : memref<1x64x512xf32, #tpu.memory_space<vmem>> -> memref<64x512xf32, #tpu.memory_space<vmem>>
    tpu.enqueue_dma source(%dma_start3A_119 : memref<64x512xf32, #tpu.memory_space<vmem>>) target(%dma_start3A_115 : memref<64x512xf32, #tpu.memory_space<hbm>>) target_semaphore(%dma_start3A_113 : memref<!tpu.dma_semaphore, #tpu.memory_space<semaphore_mem>>)
    %add3A_120 = arith.constant 64 : i32
    %add3A_121 = arith.addi %mul3A_2, %add3A_120 : i32
    %dma_wait3A_122 = arith.constant 1 : i32
    %dma_wait3A_123 = arith.constant 1 : i32
    %dma_wait3A_124 = arith.constant 0 : i32
    %dma_wait3A_125 = arith.constant 0 : i32
    %dma_wait3A_126 = tpu.memref_slice %arg6[%dma_wait3A_122, %dma_wait3A_124, %dma_wait3A_125] : memref<2x64x512xf32, #tpu.memory_space<vmem>> -> memref<1x64x512xf32, #tpu.memory_space<vmem>>
    %dma_wait3A_127 = tpu.memref_squeeze %dma_wait3A_126 : memref<1x64x512xf32, #tpu.memory_space<vmem>> -> memref<64x512xf32, #tpu.memory_space<vmem>>
    %dma_wait3A_128 = arith.constant 0 : i32
    %dma_wait3A_129 = tpu.memref_slice %arg4[%add3A_121, %dma_wait3A_128] : memref<8192x512xf32, #tpu.memory_space<hbm>> -> memref<64x512xf32, #tpu.memory_space<hbm>>
    %dma_wait3A_130 = tpu.memref_slice %arg8[%dma_wait3A_123] : memref<2x!tpu.dma_semaphore, #tpu.memory_space<semaphore_mem>> -> memref<1x!tpu.dma_semaphore, #tpu.memory_space<semaphore_mem>>
    %dma_wait3A_131 = tpu.memref_squeeze %dma_wait3A_130 : memref<1x!tpu.dma_semaphore, #tpu.memory_space<semaphore_mem>> -> memref<!tpu.dma_semaphore, #tpu.memory_space<semaphore_mem>>
    %dma_wait3A_132 = arith.constant 0 : i32
    %dma_wait3A_133 = tpu.memref_slice %arg4[%add3A_121, %dma_wait3A_132] : memref<8192x512xf32, #tpu.memory_space<hbm>> -> memref<64x512xf32, #tpu.memory_space<hbm>>
    %dma_wait3A_134 = arith.constant 0 : i32
    %dma_wait3A_135 = arith.constant 0 : i32
    %dma_wait3A_136 = tpu.memref_slice %arg6[%dma_wait3A_122, %dma_wait3A_134, %dma_wait3A_135] : memref<2x64x512xf32, #tpu.memory_space<vmem>> -> memref<1x64x512xf32, #tpu.memory_space<vmem>>
    %dma_wait3A_137 = tpu.memref_squeeze %dma_wait3A_136 : memref<1x64x512xf32, #tpu.memory_space<vmem>> -> memref<64x512xf32, #tpu.memory_space<vmem>>
    tpu.wait_dma2 semaphore(%dma_wait3A_131 : memref<!tpu.dma_semaphore, #tpu.memory_space<semaphore_mem>>) src(%dma_wait3A_137 : memref<64x512xf32, #tpu.memory_space<vmem>>) dst(%dma_wait3A_133 : memref<64x512xf32, #tpu.memory_space<hbm>>)
    %dma_start3A_138 = arith.constant 1 : i32
    %dma_start3A_139 = arith.constant 1 : i32
    %dma_start3A_140 = arith.constant 0 : i32
    %dma_start3A_141 = arith.constant 0 : i32
    %dma_start3A_142 = tpu.memref_slice %arg6[%dma_start3A_138, %dma_start3A_140, %dma_start3A_141] : memref<2x64x512xf32, #tpu.memory_space<vmem>> -> memref<1x64x512xf32, #tpu.memory_space<vmem>>
    %dma_start3A_143 = tpu.memref_squeeze %dma_start3A_142 : memref<1x64x512xf32, #tpu.memory_space<vmem>> -> memref<64x512xf32, #tpu.memory_space<vmem>>
    %dma_start3A_144 = arith.constant 192 : i32
    %dma_start3A_145 = tpu.memref_slice %arg5[%dma_start3A_144] : memref<256xi32, #tpu.memory_space<vmem>> -> memref<64xi32, #tpu.memory_space<vmem>>
    %dma_start3A_146 = arith.constant 0 : i32
    %dma_start3A_147 = arith.constant 0 : i32
    %dma_start3A_148 = tpu.memref_slice %arg2[%dma_start3A_146, %dma_start3A_147] : memref<100000x512xf32, #tpu.memory_space<hbm>> -> memref<100000x512xf32, #tpu.memory_space<hbm>>
    %dma_start3A_149 = tpu.memref_slice %arg7[%dma_start3A_139] : memref<2x!tpu.dma_semaphore, #tpu.memory_space<semaphore_mem>> -> memref<1x!tpu.dma_semaphore, #tpu.memory_space<semaphore_mem>>
    %dma_start3A_150 = tpu.memref_squeeze %dma_start3A_149 : memref<1x!tpu.dma_semaphore, #tpu.memory_space<semaphore_mem>> -> memref<!tpu.dma_semaphore, #tpu.memory_space<semaphore_mem>>
    tpu.enqueue_indirect_dma source(%dma_start3A_148 : memref<100000x512xf32, #tpu.memory_space<hbm>>) target(%dma_start3A_143 : memref<64x512xf32, #tpu.memory_space<vmem>>) offsets(%dma_start3A_145 : memref<64xi32, #tpu.memory_space<vmem>>) semaphore(%dma_start3A_150 : memref<!tpu.dma_semaphore, #tpu.memory_space<semaphore_mem>>)
    %dma_wait3A_151 = arith.constant 0 : i32
    %dma_wait3A_152 = arith.constant 0 : i32
    %dma_wait3A_153 = arith.constant 0 : i32
    %dma_wait3A_154 = arith.constant 0 : i32
    %dma_wait3A_155 = tpu.memref_slice %arg6[%dma_wait3A_151, %dma_wait3A_153, %dma_wait3A_154] : memref<2x64x512xf32, #tpu.memory_space<vmem>> -> memref<1x64x512xf32, #tpu.memory_space<vmem>>
    %dma_wait3A_156 = tpu.memref_squeeze %dma_wait3A_155 : memref<1x64x512xf32, #tpu.memory_space<vmem>> -> memref<64x512xf32, #tpu.memory_space<vmem>>
    %dma_wait3A_157 = arith.constant 128 : i32
    %dma_wait3A_158 = tpu.memref_slice %arg5[%dma_wait3A_157] : memref<256xi32, #tpu.memory_space<vmem>> -> memref<64xi32, #tpu.memory_space<vmem>>
    %dma_wait3A_159 = arith.constant 0 : i32
    %dma_wait3A_160 = arith.constant 0 : i32
    %dma_wait3A_161 = tpu.memref_slice %arg2[%dma_wait3A_159, %dma_wait3A_160] : memref<100000x512xf32, #tpu.memory_space<hbm>> -> memref<100000x512xf32, #tpu.memory_space<hbm>>
    %dma_wait3A_162 = tpu.memref_slice %arg7[%dma_wait3A_152] : memref<2x!tpu.dma_semaphore, #tpu.memory_space<semaphore_mem>> -> memref<1x!tpu.dma_semaphore, #tpu.memory_space<semaphore_mem>>
    %dma_wait3A_163 = tpu.memref_squeeze %dma_wait3A_162 : memref<1x!tpu.dma_semaphore, #tpu.memory_space<semaphore_mem>> -> memref<!tpu.dma_semaphore, #tpu.memory_space<semaphore_mem>>
    tpu.wait_indirect_dma semaphore(%dma_wait3A_163 : memref<!tpu.dma_semaphore, #tpu.memory_space<semaphore_mem>>) src(%dma_wait3A_161 : memref<100000x512xf32, #tpu.memory_space<hbm>>) dst(%dma_wait3A_156 : memref<64x512xf32, #tpu.memory_space<vmem>>)
    %add3A_164 = arith.constant 128 : i32
    %add3A_165 = arith.addi %mul3A_2, %add3A_164 : i32
    %dma_start3A_166 = arith.constant 0 : i32
    %dma_start3A_167 = arith.constant 0 : i32
    %dma_start3A_168 = arith.constant 0 : i32
    %dma_start3A_169 = arith.constant 0 : i32
    %dma_start3A_170 = tpu.memref_slice %arg6[%dma_start3A_166, %dma_start3A_168, %dma_start3A_169] : memref<2x64x512xf32, #tpu.memory_space<vmem>> -> memref<1x64x512xf32, #tpu.memory_space<vmem>>
    %dma_start3A_171 = tpu.memref_squeeze %dma_start3A_170 : memref<1x64x512xf32, #tpu.memory_space<vmem>> -> memref<64x512xf32, #tpu.memory_space<vmem>>
    %dma_start3A_172 = arith.constant 0 : i32
    %dma_start3A_173 = tpu.memref_slice %arg4[%add3A_165, %dma_start3A_172] : memref<8192x512xf32, #tpu.memory_space<hbm>> -> memref<64x512xf32, #tpu.memory_space<hbm>>
    %dma_start3A_174 = tpu.memref_slice %arg8[%dma_start3A_167] : memref<2x!tpu.dma_semaphore, #tpu.memory_space<semaphore_mem>> -> memref<1x!tpu.dma_semaphore, #tpu.memory_space<semaphore_mem>>
    %dma_start3A_175 = tpu.memref_squeeze %dma_start3A_174 : memref<1x!tpu.dma_semaphore, #tpu.memory_space<semaphore_mem>> -> memref<!tpu.dma_semaphore, #tpu.memory_space<semaphore_mem>>
    %dma_start3A_176 = arith.constant 0 : i32
    %dma_start3A_177 = tpu.memref_slice %arg4[%add3A_165, %dma_start3A_176] : memref<8192x512xf32, #tpu.memory_space<hbm>> -> memref<64x512xf32, #tpu.memory_space<hbm>>
    %dma_start3A_178 = arith.constant 0 : i32
    %dma_start3A_179 = arith.constant 0 : i32
    %dma_start3A_180 = tpu.memref_slice %arg6[%dma_start3A_166, %dma_start3A_178, %dma_start3A_179] : memref<2x64x512xf32, #tpu.memory_space<vmem>> -> memref<1x64x512xf32, #tpu.memory_space<vmem>>
    %dma_start3A_181 = tpu.memref_squeeze %dma_start3A_180 : memref<1x64x512xf32, #tpu.memory_space<vmem>> -> memref<64x512xf32, #tpu.memory_space<vmem>>
    tpu.enqueue_dma source(%dma_start3A_181 : memref<64x512xf32, #tpu.memory_space<vmem>>) target(%dma_start3A_177 : memref<64x512xf32, #tpu.memory_space<hbm>>) target_semaphore(%dma_start3A_175 : memref<!tpu.dma_semaphore, #tpu.memory_space<semaphore_mem>>)
    %dma_wait3A_182 = arith.constant 1 : i32
    %dma_wait3A_183 = arith.constant 1 : i32
    %dma_wait3A_184 = arith.constant 0 : i32
    %dma_wait3A_185 = arith.constant 0 : i32
    %dma_wait3A_186 = tpu.memref_slice %arg6[%dma_wait3A_182, %dma_wait3A_184, %dma_wait3A_185] : memref<2x64x512xf32, #tpu.memory_space<vmem>> -> memref<1x64x512xf32, #tpu.memory_space<vmem>>
    %dma_wait3A_187 = tpu.memref_squeeze %dma_wait3A_186 : memref<1x64x512xf32, #tpu.memory_space<vmem>> -> memref<64x512xf32, #tpu.memory_space<vmem>>
    %dma_wait3A_188 = arith.constant 192 : i32
    %dma_wait3A_189 = tpu.memref_slice %arg5[%dma_wait3A_188] : memref<256xi32, #tpu.memory_space<vmem>> -> memref<64xi32, #tpu.memory_space<vmem>>
    %dma_wait3A_190 = arith.constant 0 : i32
    %dma_wait3A_191 = arith.constant 0 : i32
    %dma_wait3A_192 = tpu.memref_slice %arg2[%dma_wait3A_190, %dma_wait3A_191] : memref<100000x512xf32, #tpu.memory_space<hbm>> -> memref<100000x512xf32, #tpu.memory_space<hbm>>
    %dma_wait3A_193 = tpu.memref_slice %arg7[%dma_wait3A_183] : memref<2x!tpu.dma_semaphore, #tpu.memory_space<semaphore_mem>> -> memref<1x!tpu.dma_semaphore, #tpu.memory_space<semaphore_mem>>
    %dma_wait3A_194 = tpu.memref_squeeze %dma_wait3A_193 : memref<1x!tpu.dma_semaphore, #tpu.memory_space<semaphore_mem>> -> memref<!tpu.dma_semaphore, #tpu.memory_space<semaphore_mem>>
    tpu.wait_indirect_dma semaphore(%dma_wait3A_194 : memref<!tpu.dma_semaphore, #tpu.memory_space<semaphore_mem>>) src(%dma_wait3A_192 : memref<100000x512xf32, #tpu.memory_space<hbm>>) dst(%dma_wait3A_187 : memref<64x512xf32, #tpu.memory_space<vmem>>)
    %add3A_195 = arith.constant 192 : i32
    %add3A_196 = arith.addi %mul3A_2, %add3A_195 : i32
    %dma_start3A_197 = arith.constant 1 : i32
    %dma_start3A_198 = arith.constant 1 : i32
    %dma_start3A_199 = arith.constant 0 : i32
    %dma_start3A_200 = arith.constant 0 : i32
    %dma_start3A_201 = tpu.memref_slice %arg6[%dma_start3A_197, %dma_start3A_199, %dma_start3A_200] : memref<2x64x512xf32, #tpu.memory_space<vmem>> -> memref<1x64x512xf32, #tpu.memory_space<vmem>>
    %dma_start3A_202 = tpu.memref_squeeze %dma_start3A_201 : memref<1x64x512xf32, #tpu.memory_space<vmem>> -> memref<64x512xf32, #tpu.memory_space<vmem>>
    %dma_start3A_203 = arith.constant 0 : i32
    %dma_start3A_204 = tpu.memref_slice %arg4[%add3A_196, %dma_start3A_203] : memref<8192x512xf32, #tpu.memory_space<hbm>> -> memref<64x512xf32, #tpu.memory_space<hbm>>
    %dma_start3A_205 = tpu.memref_slice %arg8[%dma_start3A_198] : memref<2x!tpu.dma_semaphore, #tpu.memory_space<semaphore_mem>> -> memref<1x!tpu.dma_semaphore, #tpu.memory_space<semaphore_mem>>
    %dma_start3A_206 = tpu.memref_squeeze %dma_start3A_205 : memref<1x!tpu.dma_semaphore, #tpu.memory_space<semaphore_mem>> -> memref<!tpu.dma_semaphore, #tpu.memory_space<semaphore_mem>>
    %dma_start3A_207 = arith.constant 0 : i32
    %dma_start3A_208 = tpu.memref_slice %arg4[%add3A_196, %dma_start3A_207] : memref<8192x512xf32, #tpu.memory_space<hbm>> -> memref<64x512xf32, #tpu.memory_space<hbm>>
    %dma_start3A_209 = arith.constant 0 : i32
    %dma_start3A_210 = arith.constant 0 : i32
    %dma_start3A_211 = tpu.memref_slice %arg6[%dma_start3A_197, %dma_start3A_209, %dma_start3A_210] : memref<2x64x512xf32, #tpu.memory_space<vmem>> -> memref<1x64x512xf32, #tpu.memory_space<vmem>>
    %dma_start3A_212 = tpu.memref_squeeze %dma_start3A_211 : memref<1x64x512xf32, #tpu.memory_space<vmem>> -> memref<64x512xf32, #tpu.memory_space<vmem>>
    tpu.enqueue_dma source(%dma_start3A_212 : memref<64x512xf32, #tpu.memory_space<vmem>>) target(%dma_start3A_208 : memref<64x512xf32, #tpu.memory_space<hbm>>) target_semaphore(%dma_start3A_206 : memref<!tpu.dma_semaphore, #tpu.memory_space<semaphore_mem>>)
    %add3A_213 = arith.constant 128 : i32
    %add3A_214 = arith.addi %mul3A_2, %add3A_213 : i32
    %dma_wait3A_215 = arith.constant 0 : i32
    %dma_wait3A_216 = arith.constant 0 : i32
    %dma_wait3A_217 = arith.constant 0 : i32
    %dma_wait3A_218 = arith.constant 0 : i32
    %dma_wait3A_219 = tpu.memref_slice %arg6[%dma_wait3A_215, %dma_wait3A_217, %dma_wait3A_218] : memref<2x64x512xf32, #tpu.memory_space<vmem>> -> memref<1x64x512xf32, #tpu.memory_space<vmem>>
    %dma_wait3A_220 = tpu.memref_squeeze %dma_wait3A_219 : memref<1x64x512xf32, #tpu.memory_space<vmem>> -> memref<64x512xf32, #tpu.memory_space<vmem>>
    %dma_wait3A_221 = arith.constant 0 : i32
    %dma_wait3A_222 = tpu.memref_slice %arg4[%add3A_214, %dma_wait3A_221] : memref<8192x512xf32, #tpu.memory_space<hbm>> -> memref<64x512xf32, #tpu.memory_space<hbm>>
    %dma_wait3A_223 = tpu.memref_slice %arg8[%dma_wait3A_216] : memref<2x!tpu.dma_semaphore, #tpu.memory_space<semaphore_mem>> -> memref<1x!tpu.dma_semaphore, #tpu.memory_space<semaphore_mem>>
    %dma_wait3A_224 = tpu.memref_squeeze %dma_wait3A_223 : memref<1x!tpu.dma_semaphore, #tpu.memory_space<semaphore_mem>> -> memref<!tpu.dma_semaphore, #tpu.memory_space<semaphore_mem>>
    %dma_wait3A_225 = arith.constant 0 : i32
    %dma_wait3A_226 = tpu.memref_slice %arg4[%add3A_214, %dma_wait3A_225] : memref<8192x512xf32, #tpu.memory_space<hbm>> -> memref<64x512xf32, #tpu.memory_space<hbm>>
    %dma_wait3A_227 = arith.constant 0 : i32
    %dma_wait3A_228 = arith.constant 0 : i32
    %dma_wait3A_229 = tpu.memref_slice %arg6[%dma_wait3A_215, %dma_wait3A_227, %dma_wait3A_228] : memref<2x64x512xf32, #tpu.memory_space<vmem>> -> memref<1x64x512xf32, #tpu.memory_space<vmem>>
    %dma_wait3A_230 = tpu.memref_squeeze %dma_wait3A_229 : memref<1x64x512xf32, #tpu.memory_space<vmem>> -> memref<64x512xf32, #tpu.memory_space<vmem>>
    tpu.wait_dma2 semaphore(%dma_wait3A_224 : memref<!tpu.dma_semaphore, #tpu.memory_space<semaphore_mem>>) src(%dma_wait3A_230 : memref<64x512xf32, #tpu.memory_space<vmem>>) dst(%dma_wait3A_226 : memref<64x512xf32, #tpu.memory_space<hbm>>)
    %add3A_231 = arith.constant 192 : i32
    %add3A_232 = arith.addi %mul3A_2, %add3A_231 : i32
    %dma_wait3A_233 = arith.constant 1 : i32
    %dma_wait3A_234 = arith.constant 1 : i32
    %dma_wait3A_235 = arith.constant 0 : i32
    %dma_wait3A_236 = arith.constant 0 : i32
    %dma_wait3A_237 = tpu.memref_slice %arg6[%dma_wait3A_233, %dma_wait3A_235, %dma_wait3A_236] : memref<2x64x512xf32, #tpu.memory_space<vmem>> -> memref<1x64x512xf32, #tpu.memory_space<vmem>>
    %dma_wait3A_238 = tpu.memref_squeeze %dma_wait3A_237 : memref<1x64x512xf32, #tpu.memory_space<vmem>> -> memref<64x512xf32, #tpu.memory_space<vmem>>
    %dma_wait3A_239 = arith.constant 0 : i32
    %dma_wait3A_240 = tpu.memref_slice %arg4[%add3A_232, %dma_wait3A_239] : memref<8192x512xf32, #tpu.memory_space<hbm>> -> memref<64x512xf32, #tpu.memory_space<hbm>>
    %dma_wait3A_241 = tpu.memref_slice %arg8[%dma_wait3A_234] : memref<2x!tpu.dma_semaphore, #tpu.memory_space<semaphore_mem>> -> memref<1x!tpu.dma_semaphore, #tpu.memory_space<semaphore_mem>>
    %dma_wait3A_242 = tpu.memref_squeeze %dma_wait3A_241 : memref<1x!tpu.dma_semaphore, #tpu.memory_space<semaphore_mem>> -> memref<!tpu.dma_semaphore, #tpu.memory_space<semaphore_mem>>
    %dma_wait3A_243 = arith.constant 0 : i32
    %dma_wait3A_244 = tpu.memref_slice %arg4[%add3A_232, %dma_wait3A_243] : memref<8192x512xf32, #tpu.memory_space<hbm>> -> memref<64x512xf32, #tpu.memory_space<hbm>>
    %dma_wait3A_245 = arith.constant 0 : i32
    %dma_wait3A_246 = arith.constant 0 : i32
    %dma_wait3A_247 = tpu.memref_slice %arg6[%dma_wait3A_233, %dma_wait3A_245, %dma_wait3A_246] : memref<2x64x512xf32, #tpu.memory_space<vmem>> -> memref<1x64x512xf32, #tpu.memory_space<vmem>>
    %dma_wait3A_248 = tpu.memref_squeeze %dma_wait3A_247 : memref<1x64x512xf32, #tpu.memory_space<vmem>> -> memref<64x512xf32, #tpu.memory_space<vmem>>
    tpu.wait_dma2 semaphore(%dma_wait3A_242 : memref<!tpu.dma_semaphore, #tpu.memory_space<semaphore_mem>>) src(%dma_wait3A_248 : memref<64x512xf32, #tpu.memory_space<vmem>>) dst(%dma_wait3A_244 : memref<64x512xf32, #tpu.memory_space<hbm>>)
    return
  }
}

module attributes {stable_mosaic.version = 14 : i64} {
  func.func @_tc_body(%arg0: i32, %arg1: memref<4096x512xf32, #tpu.memory_space<vmem>>, %arg2: memref<512x128xf32, #tpu.memory_space<vmem>>, %arg3: memref<128x64xf32, #tpu.memory_space<vmem>>, %arg4: memref<4096x64xf32, #tpu.memory_space<vmem>>, %arg5: memref<512x64xf32, #tpu.memory_space<vmem>>, %arg6: memref<512x512xf32, #tpu.memory_space<vmem>>, %arg7: memref<512x4096xf32, #tpu.memory_space<vmem>>) attributes {dimension_semantics = [#tpu.dimension_semantics<arbitrary>], iteration_bounds = array<i64: 2>, scalar_prefetch = 0 : i64, scratch_operands = 3 : i64, tpu.core_type = #tpu.core_type<tc>, window_params = [{transform_indices = @transform_0, window_bounds = array<i64: 4096, 512>}, {pipeline_mode = #tpu.pipeline_mode<synchronous>, transform_indices = @transform_1, window_bounds = array<i64: 512, 128>}, {pipeline_mode = #tpu.pipeline_mode<synchronous>, transform_indices = @transform_2, window_bounds = array<i64: 128, 64>}, {transform_indices = @transform_3, window_bounds = array<i64: 4096, 64>}]} {
    %eq3A = arith.constant 0 : i32
    %eq3A_0 = arith.cmpi eq, %arg0, %eq3A : i32
    %convert_element_type3A = arith.extui %eq3A_0 : i1 to i32
    %cond3A = arith.constant 0 : i32
    %cond3A_1 = arith.cmpi ne, %convert_element_type3A, %cond3A : i32
    scf.if %cond3A_1 {
      %iota3A = tpu.iota {dimensions = array<i32: 0>} : vector<512x512xi32>
      %iota3A_787 = tpu.iota {dimensions = array<i32: 1>} : vector<512x512xi32>
      %ge3A_788 = arith.cmpi sge, %iota3A, %iota3A_787 : vector<512x512xi32>
      %convert_element_type3A_789 = arith.extui %ge3A_788 : vector<512x512xi1> to vector<512x512xi32>
      %convert_element_type3A_790 = arith.sitofp %convert_element_type3A_789 : vector<512x512xi32> to vector<512x512xf32>
      %swap3A_791 = arith.constant 0 : index
      %swap3A_792 = arith.constant 0 : index
      %swap3A_793 = vector.load %arg6[%swap3A_791, %swap3A_792] : memref<512x512xf32, #tpu.memory_space<vmem>>, vector<512x512xf32>
      tpu.vector_store %arg6[%swap3A_791, %swap3A_792], %convert_element_type3A_790 {strides = array<i32>} : memref<512x512xf32, #tpu.memory_space<vmem>>, vector<512x512xf32>,
      %get3A_794 = arith.constant 0 : index
      %get3A_795 = arith.constant 0 : index
      %get3A_796 = vector.load %arg2[%get3A_794, %get3A_795] : memref<512x128xf32, #tpu.memory_space<vmem>>, vector<512x128xf32>
      %transpose3A_797 = tpu.transpose %get3A_796, [1, 0] : vector<512x128xf32> -> vector<128x512xf32>
      %get3A_798 = arith.constant 0 : index
      %get3A_799 = arith.constant 0 : index
      %get3A_800 = vector.load %arg6[%get3A_798, %get3A_799] : memref<512x512xf32, #tpu.memory_space<vmem>>, vector<512x512xf32>
      %slice3A_801 = vector.extract_strided_slice %transpose3A_797 {offsets = [0, 0], sizes = [8, 512], strides = [1, 1]} : vector<128x512xf32> to vector<8x512xf32>
      %slice3A_802 = vector.extract_strided_slice %transpose3A_797 {offsets = [8, 0], sizes = [8, 512], strides = [1, 1]} : vector<128x512xf32> to vector<8x512xf32>
      %slice3A_803 = vector.extract_strided_slice %transpose3A_797 {offsets = [16, 0], sizes = [8, 512], strides = [1, 1]} : vector<128x512xf32> to vector<8x512xf32>
      %slice3A_804 = vector.extract_strided_slice %transpose3A_797 {offsets = [24, 0], sizes = [8, 512], strides = [1, 1]} : vector<128x512xf32> to vector<8x512xf32>
      %slice3A_805 = vector.extract_strided_slice %transpose3A_797 {offsets = [32, 0], sizes = [8, 512], strides = [1, 1]} : vector<128x512xf32> to vector<8x512xf32>
      %slice3A_806 = vector.extract_strided_slice %transpose3A_797 {offsets = [40, 0], sizes = [8, 512], strides = [1, 1]} : vector<128x512xf32> to vector<8x512xf32>
      %slice3A_807 = vector.extract_strided_slice %transpose3A_797 {offsets = [48, 0], sizes = [8, 512], strides = [1, 1]} : vector<128x512xf32> to vector<8x512xf32>
      %slice3A_808 = vector.extract_strided_slice %transpose3A_797 {offsets = [56, 0], sizes = [8, 512], strides = [1, 1]} : vector<128x512xf32> to vector<8x512xf32>
      %slice3A_809 = vector.extract_strided_slice %transpose3A_797 {offsets = [64, 0], sizes = [8, 512], strides = [1, 1]} : vector<128x512xf32> to vector<8x512xf32>
      %slice3A_810 = vector.extract_strided_slice %transpose3A_797 {offsets = [72, 0], sizes = [8, 512], strides = [1, 1]} : vector<128x512xf32> to vector<8x512xf32>
      %slice3A_811 = vector.extract_strided_slice %transpose3A_797 {offsets = [80, 0], sizes = [8, 512], strides = [1, 1]} : vector<128x512xf32> to vector<8x512xf32>
      %slice3A_812 = vector.extract_strided_slice %transpose3A_797 {offsets = [88, 0], sizes = [8, 512], strides = [1, 1]} : vector<128x512xf32> to vector<8x512xf32>
      %slice3A_813 = vector.extract_strided_slice %transpose3A_797 {offsets = [96, 0], sizes = [8, 512], strides = [1, 1]} : vector<128x512xf32> to vector<8x512xf32>
      %slice3A_814 = vector.extract_strided_slice %transpose3A_797 {offsets = [104, 0], sizes = [8, 512], strides = [1, 1]} : vector<128x512xf32> to vector<8x512xf32>
      %slice3A_815 = vector.extract_strided_slice %transpose3A_797 {offsets = [112, 0], sizes = [8, 512], strides = [1, 1]} : vector<128x512xf32> to vector<8x512xf32>
      %slice3A_816 = vector.extract_strided_slice %transpose3A_797 {offsets = [120, 0], sizes = [8, 512], strides = [1, 1]} : vector<128x512xf32> to vector<8x512xf32>
      %max3A_817 = arith.maximumf %slice3A_801, %slice3A_802 : vector<8x512xf32>
      %min3A_818 = arith.minimumf %slice3A_801, %slice3A_802 : vector<8x512xf32>
      %max3A_819 = arith.maximumf %slice3A_803, %slice3A_804 : vector<8x512xf32>
      %min3A_820 = arith.minimumf %slice3A_803, %slice3A_804 : vector<8x512xf32>
      %max3A_821 = arith.maximumf %slice3A_805, %slice3A_806 : vector<8x512xf32>
      %min3A_822 = arith.minimumf %slice3A_805, %slice3A_806 : vector<8x512xf32>
      %max3A_823 = arith.maximumf %slice3A_807, %slice3A_808 : vector<8x512xf32>
      %min3A_824 = arith.minimumf %slice3A_807, %slice3A_808 : vector<8x512xf32>
      %max3A_825 = arith.maximumf %max3A_817, %max3A_819 : vector<8x512xf32>
      %min3A_826 = arith.minimumf %max3A_817, %max3A_819 : vector<8x512xf32>
      %max3A_827 = arith.maximumf %min3A_818, %min3A_820 : vector<8x512xf32>
      %min3A_828 = arith.minimumf %min3A_818, %min3A_820 : vector<8x512xf32>
      %max3A_829 = arith.maximumf %max3A_821, %max3A_823 : vector<8x512xf32>
      %min3A_830 = arith.minimumf %max3A_821, %max3A_823 : vector<8x512xf32>
      %max3A_831 = arith.maximumf %min3A_822, %min3A_824 : vector<8x512xf32>
      %min3A_832 = arith.minimumf %min3A_822, %min3A_824 : vector<8x512xf32>
      %max3A_833 = arith.maximumf %max3A_827, %min3A_826 : vector<8x512xf32>
      %min3A_834 = arith.minimumf %max3A_827, %min3A_826 : vector<8x512xf32>
      %max3A_835 = arith.maximumf %max3A_831, %min3A_830 : vector<8x512xf32>
      %min3A_836 = arith.minimumf %max3A_831, %min3A_830 : vector<8x512xf32>
      %max3A_837 = arith.maximumf %max3A_825, %max3A_829 : vector<8x512xf32>
      %min3A_838 = arith.minimumf %max3A_825, %max3A_829 : vector<8x512xf32>
      %max3A_839 = arith.maximumf %max3A_833, %max3A_835 : vector<8x512xf32>
      %min3A_840 = arith.minimumf %max3A_833, %max3A_835 : vector<8x512xf32>
      %max3A_841 = arith.maximumf %min3A_834, %min3A_836 : vector<8x512xf32>
      %min3A_842 = arith.minimumf %min3A_834, %min3A_836 : vector<8x512xf32>
      %max3A_843 = arith.maximumf %min3A_828, %min3A_832 : vector<8x512xf32>
      %min3A_844 = arith.minimumf %min3A_828, %min3A_832 : vector<8x512xf32>
      %max3A_845 = arith.maximumf %max3A_841, %min3A_838 : vector<8x512xf32>
      %min3A_846 = arith.minimumf %max3A_841, %min3A_838 : vector<8x512xf32>
      %max3A_847 = arith.maximumf %max3A_843, %min3A_840 : vector<8x512xf32>
      %min3A_848 = arith.minimumf %max3A_843, %min3A_840 : vector<8x512xf32>
      %max3A_849 = arith.maximumf %max3A_839, %max3A_845 : vector<8x512xf32>
      %min3A_850 = arith.minimumf %max3A_839, %max3A_845 : vector<8x512xf32>
      %max3A_851 = arith.maximumf %max3A_847, %min3A_846 : vector<8x512xf32>
      %min3A_852 = arith.minimumf %max3A_847, %min3A_846 : vector<8x512xf32>
      %max3A_853 = arith.maximumf %min3A_848, %min3A_842 : vector<8x512xf32>
      %min3A_854 = arith.minimumf %min3A_848, %min3A_842 : vector<8x512xf32>
      %max3A_855 = arith.maximumf %slice3A_809, %slice3A_810 : vector<8x512xf32>
      %min3A_856 = arith.minimumf %slice3A_809, %slice3A_810 : vector<8x512xf32>
      %max3A_857 = arith.maximumf %slice3A_811, %slice3A_812 : vector<8x512xf32>
      %min3A_858 = arith.minimumf %slice3A_811, %slice3A_812 : vector<8x512xf32>
      %max3A_859 = arith.maximumf %slice3A_813, %slice3A_814 : vector<8x512xf32>
      %min3A_860 = arith.minimumf %slice3A_813, %slice3A_814 : vector<8x512xf32>
      %max3A_861 = arith.maximumf %slice3A_815, %slice3A_816 : vector<8x512xf32>
      %min3A_862 = arith.minimumf %slice3A_815, %slice3A_816 : vector<8x512xf32>
      %max3A_863 = arith.maximumf %max3A_855, %max3A_857 : vector<8x512xf32>
      %min3A_864 = arith.minimumf %max3A_855, %max3A_857 : vector<8x512xf32>
      %max3A_865 = arith.maximumf %min3A_856, %min3A_858 : vector<8x512xf32>
      %min3A_866 = arith.minimumf %min3A_856, %min3A_858 : vector<8x512xf32>
      %max3A_867 = arith.maximumf %max3A_859, %max3A_861 : vector<8x512xf32>
      %min3A_868 = arith.minimumf %max3A_859, %max3A_861 : vector<8x512xf32>
      %max3A_869 = arith.maximumf %min3A_860, %min3A_862 : vector<8x512xf32>
      %min3A_870 = arith.minimumf %min3A_860, %min3A_862 : vector<8x512xf32>
      %max3A_871 = arith.maximumf %max3A_865, %min3A_864 : vector<8x512xf32>
      %min3A_872 = arith.minimumf %max3A_865, %min3A_864 : vector<8x512xf32>
      %max3A_873 = arith.maximumf %max3A_869, %min3A_868 : vector<8x512xf32>
      %min3A_874 = arith.minimumf %max3A_869, %min3A_868 : vector<8x512xf32>
      %max3A_875 = arith.maximumf %max3A_863, %max3A_867 : vector<8x512xf32>
      %min3A_876 = arith.minimumf %max3A_863, %max3A_867 : vector<8x512xf32>
      %max3A_877 = arith.maximumf %max3A_871, %max3A_873 : vector<8x512xf32>
      %min3A_878 = arith.minimumf %max3A_871, %max3A_873 : vector<8x512xf32>
      %max3A_879 = arith.maximumf %min3A_872, %min3A_874 : vector<8x512xf32>
      %min3A_880 = arith.minimumf %min3A_872, %min3A_874 : vector<8x512xf32>
      %max3A_881 = arith.maximumf %min3A_866, %min3A_870 : vector<8x512xf32>
      %min3A_882 = arith.minimumf %min3A_866, %min3A_870 : vector<8x512xf32>
      %max3A_883 = arith.maximumf %max3A_879, %min3A_876 : vector<8x512xf32>
      %min3A_884 = arith.minimumf %max3A_879, %min3A_876 : vector<8x512xf32>
      %max3A_885 = arith.maximumf %max3A_881, %min3A_878 : vector<8x512xf32>
      %min3A_886 = arith.minimumf %max3A_881, %min3A_878 : vector<8x512xf32>
      %max3A_887 = arith.maximumf %max3A_877, %max3A_883 : vector<8x512xf32>
      %min3A_888 = arith.minimumf %max3A_877, %max3A_883 : vector<8x512xf32>
      %max3A_889 = arith.maximumf %max3A_885, %min3A_884 : vector<8x512xf32>
      %min3A_890 = arith.minimumf %max3A_885, %min3A_884 : vector<8x512xf32>
      %max3A_891 = arith.maximumf %min3A_886, %min3A_880 : vector<8x512xf32>
      %min3A_892 = arith.minimumf %min3A_886, %min3A_880 : vector<8x512xf32>
      %max3A_893 = arith.maximumf %max3A_837, %min3A_882 : vector<8x512xf32>
      %max3A_894 = arith.maximumf %max3A_849, %min3A_892 : vector<8x512xf32>
      %max3A_895 = arith.maximumf %min3A_850, %max3A_891 : vector<8x512xf32>
      %max3A_896 = arith.maximumf %max3A_851, %min3A_890 : vector<8x512xf32>
      %max3A_897 = arith.maximumf %min3A_852, %max3A_889 : vector<8x512xf32>
      %max3A_898 = arith.maximumf %max3A_853, %min3A_888 : vector<8x512xf32>
      %max3A_899 = arith.maximumf %min3A_854, %max3A_887 : vector<8x512xf32>
      %max3A_900 = arith.maximumf %min3A_844, %max3A_875 : vector<8x512xf32>
      %max3A_901 = arith.maximumf %max3A_893, %max3A_897 : vector<8x512xf32>
      %min3A_902 = arith.minimumf %max3A_893, %max3A_897 : vector<8x512xf32>
      %max3A_903 = arith.maximumf %max3A_894, %max3A_898 : vector<8x512xf32>
      %min3A_904 = arith.minimumf %max3A_894, %max3A_898 : vector<8x512xf32>
      %max3A_905 = arith.maximumf %max3A_895, %max3A_899 : vector<8x512xf32>
      %min3A_906 = arith.minimumf %max3A_895, %max3A_899 : vector<8x512xf32>
      %max3A_907 = arith.maximumf %max3A_896, %max3A_900 : vector<8x512xf32>
      %min3A_908 = arith.minimumf %max3A_896, %max3A_900 : vector<8x512xf32>
      %max3A_909 = arith.maximumf %max3A_901, %max3A_905 : vector<8x512xf32>
      %min3A_910 = arith.minimumf %max3A_901, %max3A_905 : vector<8x512xf32>
      %max3A_911 = arith.maximumf %max3A_903, %max3A_907 : vector<8x512xf32>
      %min3A_912 = arith.minimumf %max3A_903, %max3A_907 : vector<8x512xf32>
      %max3A_913 = arith.maximumf %min3A_902, %min3A_906 : vector<8x512xf32>
      %min3A_914 = arith.minimumf %min3A_902, %min3A_906 : vector<8x512xf32>
      %max3A_915 = arith.maximumf %min3A_904, %min3A_908 : vector<8x512xf32>
      %min3A_916 = arith.minimumf %min3A_904, %min3A_908 : vector<8x512xf32>
      %max3A_917 = arith.maximumf %max3A_909, %max3A_911 : vector<8x512xf32>
      %min3A_918 = arith.minimumf %max3A_909, %max3A_911 : vector<8x512xf32>
      %max3A_919 = arith.maximumf %min3A_910, %min3A_912 : vector<8x512xf32>
      %min3A_920 = arith.minimumf %min3A_910, %min3A_912 : vector<8x512xf32>
      %max3A_921 = arith.maximumf %max3A_913, %max3A_915 : vector<8x512xf32>
      %min3A_922 = arith.minimumf %max3A_913, %max3A_915 : vector<8x512xf32>
      %max3A_923 = arith.maximumf %min3A_914, %min3A_916 : vector<8x512xf32>
      %min3A_924 = arith.minimumf %min3A_914, %min3A_916 : vector<8x512xf32>
      %slice3A_925 = vector.extract_strided_slice %max3A_917 {offsets = [4, 0], sizes = [4, 512], strides = [1, 1]} : vector<8x512xf32> to vector<4x512xf32>
      %slice3A_926 = vector.extract_strided_slice %max3A_917 {offsets = [0, 0], sizes = [4, 512], strides = [1, 1]} : vector<8x512xf32> to vector<4x512xf32>
      %concatenate3A_927 = tpu.concatenate %slice3A_925, %slice3A_926 in 0 : vector<4x512xf32>, vector<4x512xf32> -> vector<8x512xf32>
      %slice3A_928 = vector.extract_strided_slice %min3A_918 {offsets = [4, 0], sizes = [4, 512], strides = [1, 1]} : vector<8x512xf32> to vector<4x512xf32>
      %slice3A_929 = vector.extract_strided_slice %min3A_918 {offsets = [0, 0], sizes = [4, 512], strides = [1, 1]} : vector<8x512xf32> to vector<4x512xf32>
      %concatenate3A_930 = tpu.concatenate %slice3A_928, %slice3A_929 in 0 : vector<4x512xf32>, vector<4x512xf32> -> vector<8x512xf32>
      %slice3A_931 = vector.extract_strided_slice %max3A_919 {offsets = [4, 0], sizes = [4, 512], strides = [1, 1]} : vector<8x512xf32> to vector<4x512xf32>
      %slice3A_932 = vector.extract_strided_slice %max3A_919 {offsets = [0, 0], sizes = [4, 512], strides = [1, 1]} : vector<8x512xf32> to vector<4x512xf32>
      %concatenate3A_933 = tpu.concatenate %slice3A_931, %slice3A_932 in 0 : vector<4x512xf32>, vector<4x512xf32> -> vector<8x512xf32>
      %slice3A_934 = vector.extract_strided_slice %min3A_920 {offsets = [4, 0], sizes = [4, 512], strides = [1, 1]} : vector<8x512xf32> to vector<4x512xf32>
      %slice3A_935 = vector.extract_strided_slice %min3A_920 {offsets = [0, 0], sizes = [4, 512], strides = [1, 1]} : vector<8x512xf32> to vector<4x512xf32>
      %concatenate3A_936 = tpu.concatenate %slice3A_934, %slice3A_935 in 0 : vector<4x512xf32>, vector<4x512xf32> -> vector<8x512xf32>
      %slice3A_937 = vector.extract_strided_slice %max3A_921 {offsets = [4, 0], sizes = [4, 512], strides = [1, 1]} : vector<8x512xf32> to vector<4x512xf32>
      %slice3A_938 = vector.extract_strided_slice %max3A_921 {offsets = [0, 0], sizes = [4, 512], strides = [1, 1]} : vector<8x512xf32> to vector<4x512xf32>
      %concatenate3A_939 = tpu.concatenate %slice3A_937, %slice3A_938 in 0 : vector<4x512xf32>, vector<4x512xf32> -> vector<8x512xf32>
      %slice3A_940 = vector.extract_strided_slice %min3A_922 {offsets = [4, 0], sizes = [4, 512], strides = [1, 1]} : vector<8x512xf32> to vector<4x512xf32>
      %slice3A_941 = vector.extract_strided_slice %min3A_922 {offsets = [0, 0], sizes = [4, 512], strides = [1, 1]} : vector<8x512xf32> to vector<4x512xf32>
      %concatenate3A_942 = tpu.concatenate %slice3A_940, %slice3A_941 in 0 : vector<4x512xf32>, vector<4x512xf32> -> vector<8x512xf32>
      %slice3A_943 = vector.extract_strided_slice %max3A_923 {offsets = [4, 0], sizes = [4, 512], strides = [1, 1]} : vector<8x512xf32> to vector<4x512xf32>
      %slice3A_944 = vector.extract_strided_slice %max3A_923 {offsets = [0, 0], sizes = [4, 512], strides = [1, 1]} : vector<8x512xf32> to vector<4x512xf32>
      %concatenate3A_945 = tpu.concatenate %slice3A_943, %slice3A_944 in 0 : vector<4x512xf32>, vector<4x512xf32> -> vector<8x512xf32>
      %slice3A_946 = vector.extract_strided_slice %min3A_924 {offsets = [4, 0], sizes = [4, 512], strides = [1, 1]} : vector<8x512xf32> to vector<4x512xf32>
      %slice3A_947 = vector.extract_strided_slice %min3A_924 {offsets = [0, 0], sizes = [4, 512], strides = [1, 1]} : vector<8x512xf32> to vector<4x512xf32>
      %concatenate3A_948 = tpu.concatenate %slice3A_946, %slice3A_947 in 0 : vector<4x512xf32>, vector<4x512xf32> -> vector<8x512xf32>
      %max3A_949 = arith.maximumf %max3A_917, %concatenate3A_948 : vector<8x512xf32>
      %max3A_950 = arith.maximumf %min3A_918, %concatenate3A_945 : vector<8x512xf32>
      %max3A_951 = arith.maximumf %max3A_919, %concatenate3A_942 : vector<8x512xf32>
      %max3A_952 = arith.maximumf %min3A_920, %concatenate3A_939 : vector<8x512xf32>
      %max3A_953 = arith.maximumf %max3A_921, %concatenate3A_936 : vector<8x512xf32>
      %max3A_954 = arith.maximumf %min3A_922, %concatenate3A_933 : vector<8x512xf32>
      %max3A_955 = arith.maximumf %max3A_923, %concatenate3A_930 : vector<8x512xf32>
      %max3A_956 = arith.maximumf %min3A_924, %concatenate3A_927 : vector<8x512xf32>
      %max3A_957 = arith.maximumf %max3A_949, %max3A_953 : vector<8x512xf32>
      %min3A_958 = arith.minimumf %max3A_949, %max3A_953 : vector<8x512xf32>
      %max3A_959 = arith.maximumf %max3A_950, %max3A_954 : vector<8x512xf32>
      %min3A_960 = arith.minimumf %max3A_950, %max3A_954 : vector<8x512xf32>
      %max3A_961 = arith.maximumf %max3A_951, %max3A_955 : vector<8x512xf32>
      %min3A_962 = arith.minimumf %max3A_951, %max3A_955 : vector<8x512xf32>
      %max3A_963 = arith.maximumf %max3A_952, %max3A_956 : vector<8x512xf32>
      %min3A_964 = arith.minimumf %max3A_952, %max3A_956 : vector<8x512xf32>
      %max3A_965 = arith.maximumf %max3A_957, %max3A_961 : vector<8x512xf32>
      %min3A_966 = arith.minimumf %max3A_957, %max3A_961 : vector<8x512xf32>
      %max3A_967 = arith.maximumf %max3A_959, %max3A_963 : vector<8x512xf32>
      %min3A_968 = arith.minimumf %max3A_959, %max3A_963 : vector<8x512xf32>
      %max3A_969 = arith.maximumf %min3A_958, %min3A_962 : vector<8x512xf32>
      %min3A_970 = arith.minimumf %min3A_958, %min3A_962 : vector<8x512xf32>
      %max3A_971 = arith.maximumf %min3A_960, %min3A_964 : vector<8x512xf32>
      %min3A_972 = arith.minimumf %min3A_960, %min3A_964 : vector<8x512xf32>
      %max3A_973 = arith.maximumf %max3A_965, %max3A_967 : vector<8x512xf32>
      %min3A_974 = arith.minimumf %max3A_965, %max3A_967 : vector<8x512xf32>
      %max3A_975 = arith.maximumf %min3A_966, %min3A_968 : vector<8x512xf32>
      %min3A_976 = arith.minimumf %min3A_966, %min3A_968 : vector<8x512xf32>
      %max3A_977 = arith.maximumf %max3A_969, %max3A_971 : vector<8x512xf32>
      %min3A_978 = arith.minimumf %max3A_969, %max3A_971 : vector<8x512xf32>
      %max3A_979 = arith.maximumf %min3A_970, %min3A_972 : vector<8x512xf32>
      %min3A_980 = arith.minimumf %min3A_970, %min3A_972 : vector<8x512xf32>
      %slice3A_981 = vector.extract_strided_slice %max3A_973 {offsets = [2, 0], sizes = [6, 512], strides = [1, 1]} : vector<8x512xf32> to vector<6x512xf32>
      %slice3A_982 = vector.extract_strided_slice %max3A_973 {offsets = [0, 0], sizes = [2, 512], strides = [1, 1]} : vector<8x512xf32> to vector<2x512xf32>
      %concatenate3A_983 = tpu.concatenate %slice3A_981, %slice3A_982 in 0 : vector<6x512xf32>, vector<2x512xf32> -> vector<8x512xf32>
      %slice3A_984 = vector.extract_strided_slice %min3A_974 {offsets = [2, 0], sizes = [6, 512], strides = [1, 1]} : vector<8x512xf32> to vector<6x512xf32>
      %slice3A_985 = vector.extract_strided_slice %min3A_974 {offsets = [0, 0], sizes = [2, 512], strides = [1, 1]} : vector<8x512xf32> to vector<2x512xf32>
      %concatenate3A_986 = tpu.concatenate %slice3A_984, %slice3A_985 in 0 : vector<6x512xf32>, vector<2x512xf32> -> vector<8x512xf32>
      %slice3A_987 = vector.extract_strided_slice %max3A_975 {offsets = [2, 0], sizes = [6, 512], strides = [1, 1]} : vector<8x512xf32> to vector<6x512xf32>
      %slice3A_988 = vector.extract_strided_slice %max3A_975 {offsets = [0, 0], sizes = [2, 512], strides = [1, 1]} : vector<8x512xf32> to vector<2x512xf32>
      %concatenate3A_989 = tpu.concatenate %slice3A_987, %slice3A_988 in 0 : vector<6x512xf32>, vector<2x512xf32> -> vector<8x512xf32>
      %slice3A_990 = vector.extract_strided_slice %min3A_976 {offsets = [2, 0], sizes = [6, 512], strides = [1, 1]} : vector<8x512xf32> to vector<6x512xf32>
      %slice3A_991 = vector.extract_strided_slice %min3A_976 {offsets = [0, 0], sizes = [2, 512], strides = [1, 1]} : vector<8x512xf32> to vector<2x512xf32>
      %concatenate3A_992 = tpu.concatenate %slice3A_990, %slice3A_991 in 0 : vector<6x512xf32>, vector<2x512xf32> -> vector<8x512xf32>
      %slice3A_993 = vector.extract_strided_slice %max3A_977 {offsets = [2, 0], sizes = [6, 512], strides = [1, 1]} : vector<8x512xf32> to vector<6x512xf32>
      %slice3A_994 = vector.extract_strided_slice %max3A_977 {offsets = [0, 0], sizes = [2, 512], strides = [1, 1]} : vector<8x512xf32> to vector<2x512xf32>
      %concatenate3A_995 = tpu.concatenate %slice3A_993, %slice3A_994 in 0 : vector<6x512xf32>, vector<2x512xf32> -> vector<8x512xf32>
      %slice3A_996 = vector.extract_strided_slice %min3A_978 {offsets = [2, 0], sizes = [6, 512], strides = [1, 1]} : vector<8x512xf32> to vector<6x512xf32>
      %slice3A_997 = vector.extract_strided_slice %min3A_978 {offsets = [0, 0], sizes = [2, 512], strides = [1, 1]} : vector<8x512xf32> to vector<2x512xf32>
      %concatenate3A_998 = tpu.concatenate %slice3A_996, %slice3A_997 in 0 : vector<6x512xf32>, vector<2x512xf32> -> vector<8x512xf32>
      %slice3A_999 = vector.extract_strided_slice %max3A_979 {offsets = [2, 0], sizes = [6, 512], strides = [1, 1]} : vector<8x512xf32> to vector<6x512xf32>
      %slice3A_1000 = vector.extract_strided_slice %max3A_979 {offsets = [0, 0], sizes = [2, 512], strides = [1, 1]} : vector<8x512xf32> to vector<2x512xf32>
      %concatenate3A_1001 = tpu.concatenate %slice3A_999, %slice3A_1000 in 0 : vector<6x512xf32>, vector<2x512xf32> -> vector<8x512xf32>
      %slice3A_1002 = vector.extract_strided_slice %min3A_980 {offsets = [2, 0], sizes = [6, 512], strides = [1, 1]} : vector<8x512xf32> to vector<6x512xf32>
      %slice3A_1003 = vector.extract_strided_slice %min3A_980 {offsets = [0, 0], sizes = [2, 512], strides = [1, 1]} : vector<8x512xf32> to vector<2x512xf32>
      %concatenate3A_1004 = tpu.concatenate %slice3A_1002, %slice3A_1003 in 0 : vector<6x512xf32>, vector<2x512xf32> -> vector<8x512xf32>
      %max3A_1005 = arith.maximumf %max3A_973, %concatenate3A_1004 : vector<8x512xf32>
      %max3A_1006 = arith.maximumf %min3A_974, %concatenate3A_1001 : vector<8x512xf32>
      %max3A_1007 = arith.maximumf %max3A_975, %concatenate3A_998 : vector<8x512xf32>
      %max3A_1008 = arith.maximumf %min3A_976, %concatenate3A_995 : vector<8x512xf32>
      %max3A_1009 = arith.maximumf %max3A_977, %concatenate3A_992 : vector<8x512xf32>
      %max3A_1010 = arith.maximumf %min3A_978, %concatenate3A_989 : vector<8x512xf32>
      %max3A_1011 = arith.maximumf %max3A_979, %concatenate3A_986 : vector<8x512xf32>
      %max3A_1012 = arith.maximumf %min3A_980, %concatenate3A_983 : vector<8x512xf32>
      %max3A_1013 = arith.maximumf %max3A_1005, %max3A_1009 : vector<8x512xf32>
      %min3A_1014 = arith.minimumf %max3A_1005, %max3A_1009 : vector<8x512xf32>
      %max3A_1015 = arith.maximumf %max3A_1006, %max3A_1010 : vector<8x512xf32>
      %min3A_1016 = arith.minimumf %max3A_1006, %max3A_1010 : vector<8x512xf32>
      %max3A_1017 = arith.maximumf %max3A_1007, %max3A_1011 : vector<8x512xf32>
      %min3A_1018 = arith.minimumf %max3A_1007, %max3A_1011 : vector<8x512xf32>
      %max3A_1019 = arith.maximumf %max3A_1008, %max3A_1012 : vector<8x512xf32>
      %min3A_1020 = arith.minimumf %max3A_1008, %max3A_1012 : vector<8x512xf32>
      %max3A_1021 = arith.maximumf %max3A_1013, %max3A_1017 : vector<8x512xf32>
      %min3A_1022 = arith.minimumf %max3A_1013, %max3A_1017 : vector<8x512xf32>
      %max3A_1023 = arith.maximumf %max3A_1015, %max3A_1019 : vector<8x512xf32>
      %min3A_1024 = arith.minimumf %max3A_1015, %max3A_1019 : vector<8x512xf32>
      %max3A_1025 = arith.maximumf %min3A_1014, %min3A_1018 : vector<8x512xf32>
      %min3A_1026 = arith.minimumf %min3A_1014, %min3A_1018 : vector<8x512xf32>
      %max3A_1027 = arith.maximumf %min3A_1016, %min3A_1020 : vector<8x512xf32>
      %min3A_1028 = arith.minimumf %min3A_1016, %min3A_1020 : vector<8x512xf32>
      %max3A_1029 = arith.maximumf %max3A_1021, %max3A_1023 : vector<8x512xf32>
      %min3A_1030 = arith.minimumf %max3A_1021, %max3A_1023 : vector<8x512xf32>
      %max3A_1031 = arith.maximumf %min3A_1022, %min3A_1024 : vector<8x512xf32>
      %min3A_1032 = arith.minimumf %min3A_1022, %min3A_1024 : vector<8x512xf32>
      %max3A_1033 = arith.maximumf %max3A_1025, %max3A_1027 : vector<8x512xf32>
      %min3A_1034 = arith.minimumf %max3A_1025, %max3A_1027 : vector<8x512xf32>
      %max3A_1035 = arith.maximumf %min3A_1026, %min3A_1028 : vector<8x512xf32>
      %min3A_1036 = arith.minimumf %min3A_1026, %min3A_1028 : vector<8x512xf32>
      %slice3A_1037 = vector.extract_strided_slice %max3A_1029 {offsets = [1, 0], sizes = [7, 512], strides = [1, 1]} : vector<8x512xf32> to vector<7x512xf32>
      %slice3A_1038 = vector.extract_strided_slice %max3A_1029 {offsets = [0, 0], sizes = [1, 512], strides = [1, 1]} : vector<8x512xf32> to vector<1x512xf32>
      %concatenate3A_1039 = tpu.concatenate %slice3A_1037, %slice3A_1038 in 0 : vector<7x512xf32>, vector<1x512xf32> -> vector<8x512xf32>
      %slice3A_1040 = vector.extract_strided_slice %min3A_1030 {offsets = [1, 0], sizes = [7, 512], strides = [1, 1]} : vector<8x512xf32> to vector<7x512xf32>
      %slice3A_1041 = vector.extract_strided_slice %min3A_1030 {offsets = [0, 0], sizes = [1, 512], strides = [1, 1]} : vector<8x512xf32> to vector<1x512xf32>
      %concatenate3A_1042 = tpu.concatenate %slice3A_1040, %slice3A_1041 in 0 : vector<7x512xf32>, vector<1x512xf32> -> vector<8x512xf32>
      %slice3A_1043 = vector.extract_strided_slice %max3A_1031 {offsets = [1, 0], sizes = [7, 512], strides = [1, 1]} : vector<8x512xf32> to vector<7x512xf32>
      %slice3A_1044 = vector.extract_strided_slice %max3A_1031 {offsets = [0, 0], sizes = [1, 512], strides = [1, 1]} : vector<8x512xf32> to vector<1x512xf32>
      %concatenate3A_1045 = tpu.concatenate %slice3A_1043, %slice3A_1044 in 0 : vector<7x512xf32>, vector<1x512xf32> -> vector<8x512xf32>
      %slice3A_1046 = vector.extract_strided_slice %min3A_1032 {offsets = [1, 0], sizes = [7, 512], strides = [1, 1]} : vector<8x512xf32> to vector<7x512xf32>
      %slice3A_1047 = vector.extract_strided_slice %min3A_1032 {offsets = [0, 0], sizes = [1, 512], strides = [1, 1]} : vector<8x512xf32> to vector<1x512xf32>
      %concatenate3A_1048 = tpu.concatenate %slice3A_1046, %slice3A_1047 in 0 : vector<7x512xf32>, vector<1x512xf32> -> vector<8x512xf32>
      %slice3A_1049 = vector.extract_strided_slice %max3A_1033 {offsets = [1, 0], sizes = [7, 512], strides = [1, 1]} : vector<8x512xf32> to vector<7x512xf32>
      %slice3A_1050 = vector.extract_strided_slice %max3A_1033 {offsets = [0, 0], sizes = [1, 512], strides = [1, 1]} : vector<8x512xf32> to vector<1x512xf32>
      %concatenate3A_1051 = tpu.concatenate %slice3A_1049, %slice3A_1050 in 0 : vector<7x512xf32>, vector<1x512xf32> -> vector<8x512xf32>
      %slice3A_1052 = vector.extract_strided_slice %min3A_1034 {offsets = [1, 0], sizes = [7, 512], strides = [1, 1]} : vector<8x512xf32> to vector<7x512xf32>
      %slice3A_1053 = vector.extract_strided_slice %min3A_1034 {offsets = [0, 0], sizes = [1, 512], strides = [1, 1]} : vector<8x512xf32> to vector<1x512xf32>
      %concatenate3A_1054 = tpu.concatenate %slice3A_1052, %slice3A_1053 in 0 : vector<7x512xf32>, vector<1x512xf32> -> vector<8x512xf32>
      %slice3A_1055 = vector.extract_strided_slice %max3A_1035 {offsets = [1, 0], sizes = [7, 512], strides = [1, 1]} : vector<8x512xf32> to vector<7x512xf32>
      %slice3A_1056 = vector.extract_strided_slice %max3A_1035 {offsets = [0, 0], sizes = [1, 512], strides = [1, 1]} : vector<8x512xf32> to vector<1x512xf32>
      %concatenate3A_1057 = tpu.concatenate %slice3A_1055, %slice3A_1056 in 0 : vector<7x512xf32>, vector<1x512xf32> -> vector<8x512xf32>
      %slice3A_1058 = vector.extract_strided_slice %min3A_1036 {offsets = [1, 0], sizes = [7, 512], strides = [1, 1]} : vector<8x512xf32> to vector<7x512xf32>
      %slice3A_1059 = vector.extract_strided_slice %min3A_1036 {offsets = [0, 0], sizes = [1, 512], strides = [1, 1]} : vector<8x512xf32> to vector<1x512xf32>
      %concatenate3A_1060 = tpu.concatenate %slice3A_1058, %slice3A_1059 in 0 : vector<7x512xf32>, vector<1x512xf32> -> vector<8x512xf32>
      %max3A_1061 = arith.maximumf %max3A_1029, %concatenate3A_1060 : vector<8x512xf32>
      %max3A_1062 = arith.maximumf %min3A_1030, %concatenate3A_1057 : vector<8x512xf32>
      %max3A_1063 = arith.maximumf %max3A_1031, %concatenate3A_1054 : vector<8x512xf32>
      %max3A_1064 = arith.maximumf %min3A_1032, %concatenate3A_1051 : vector<8x512xf32>
      %max3A_1065 = arith.maximumf %max3A_1033, %concatenate3A_1048 : vector<8x512xf32>
      %max3A_1066 = arith.maximumf %min3A_1034, %concatenate3A_1045 : vector<8x512xf32>
      %max3A_1067 = arith.maximumf %max3A_1035, %concatenate3A_1042 : vector<8x512xf32>
      %max3A_1068 = arith.maximumf %min3A_1036, %concatenate3A_1039 : vector<8x512xf32>
      %max3A_1069 = arith.maximumf %max3A_1061, %max3A_1065 : vector<8x512xf32>
      %min3A_1070 = arith.minimumf %max3A_1061, %max3A_1065 : vector<8x512xf32>
      %max3A_1071 = arith.maximumf %max3A_1062, %max3A_1066 : vector<8x512xf32>
      %min3A_1072 = arith.minimumf %max3A_1062, %max3A_1066 : vector<8x512xf32>
      %max3A_1073 = arith.maximumf %max3A_1063, %max3A_1067 : vector<8x512xf32>
      %min3A_1074 = arith.minimumf %max3A_1063, %max3A_1067 : vector<8x512xf32>
      %max3A_1075 = arith.maximumf %max3A_1064, %max3A_1068 : vector<8x512xf32>
      %min3A_1076 = arith.minimumf %max3A_1064, %max3A_1068 : vector<8x512xf32>
      %max3A_1077 = arith.maximumf %max3A_1069, %max3A_1073 : vector<8x512xf32>
      %max3A_1078 = arith.maximumf %max3A_1071, %max3A_1075 : vector<8x512xf32>
      %min3A_1079 = arith.minimumf %min3A_1070, %min3A_1074 : vector<8x512xf32>
      %min3A_1080 = arith.minimumf %min3A_1072, %min3A_1076 : vector<8x512xf32>
      %max3A_1081 = arith.maximumf %max3A_1077, %max3A_1078 : vector<8x512xf32>
      %min3A_1082 = arith.minimumf %min3A_1079, %min3A_1080 : vector<8x512xf32>
      %reshape3A_1083 = vector.shape_cast %transpose3A_797 : vector<128x512xf32> to vector<16x8x512xf32>
      %broadcast_in_dim3A_1084 = vector.shape_cast %min3A_1082 : vector<8x512xf32> to vector<1x8x512xf32>
      %ge3A_1085 = vector.broadcast %broadcast_in_dim3A_1084 : vector<1x8x512xf32> to vector<16x8x512xf32>
      %ge3A_1086 = arith.cmpf oge, %reshape3A_1083, %ge3A_1085 : vector<16x8x512xf32>
      %reshape3A_1087 = vector.shape_cast %ge3A_1086 : vector<16x8x512xi1> to vector<128x512xi1>
      %convert_element_type3A_1088 = arith.extui %reshape3A_1087 : vector<128x512xi1> to vector<128x512xi32>
      %convert_element_type3A_1089 = arith.sitofp %convert_element_type3A_1088 : vector<128x512xi32> to vector<128x512xf32>
      %reduce_sum3A_1090 = arith.constant dense<0.000000e+00> : vector<512xf32>
      %reduce_sum3A_1091 = vector.multi_reduction <add>, %convert_element_type3A_1089, %reduce_sum3A_1090 [0] : vector<128x512xf32> to vector<512xf32>
      %broadcast_in_dim3A_1092 = vector.shape_cast %reduce_sum3A_1091 : vector<512xf32> to vector<1x512xf32>
      %broadcast_in_dim3A_1093 = vector.shape_cast %max3A_1081 : vector<8x512xf32> to vector<1x8x512xf32>
      %sub3A_1094 = vector.broadcast %broadcast_in_dim3A_1093 : vector<1x8x512xf32> to vector<16x8x512xf32>
      %sub3A_1095 = arith.subf %reshape3A_1083, %sub3A_1094 : vector<16x8x512xf32>
      %exp3A_1096 = math.exp %sub3A_1095 : vector<16x8x512xf32>
      %reshape3A_1097 = vector.shape_cast %exp3A_1096 : vector<16x8x512xf32> to vector<128x512xf32>
      %jit3A_1098 = arith.constant 0.000000e+00 : f32
      %broadcast_in_dim3A_1099 = vector.broadcast %jit3A_1098 : f32 to vector<128x512xf32>
      %select_n3A_1100 = arith.select %reshape3A_1087, %reshape3A_1097, %broadcast_in_dim3A_1099 : vector<128x512xi1>, vector<128x512xf32>
      %swap3A_1101 = arith.constant 0 : index
      %swap3A_1102 = arith.constant 0 : index
      %swap3A_1103 = vector.load %arg7[%swap3A_1101, %swap3A_1102] : memref<512x4096xf32, #tpu.memory_space<vmem>>, vector<128x512xf32>
      tpu.vector_store %arg7[%swap3A_1101, %swap3A_1102], %select_n3A_1100 {strides = array<i32>} : memref<512x4096xf32, #tpu.memory_space<vmem>>, vector<128x512xf32>,
      %reduce_max3A_1104 = vector.shape_cast %broadcast_in_dim3A_1092 : vector<1x512xf32> to vector<1x1x512xf32>
      %reduce_max3A_1105 = arith.constant dense<0xFF800000> : vector<1xf32>
      %reduce_max3A_1106 = vector.multi_reduction <maximumf>, %reduce_max3A_1104, %reduce_max3A_1105 [1, 2] : vector<1x1x512xf32> to vector<1xf32>
      %reduce_max3A_1107 = vector.shape_cast %reduce_max3A_1106 : vector<1xf32> to vector<1x1x1xf32>
      %reduce_max3A_1108 = vector.extract %reduce_max3A_1107[0, 0, 0] : f32 from vector<1x1x1xf32>
      %gt3A_1109 = arith.constant 8.000000e+00 : f32
      %gt3A_1110 = arith.cmpf ogt, %reduce_max3A_1108, %gt3A_1109 : f32
      %convert_element_type3A_1111 = arith.extui %gt3A_1110 : i1 to i32
      %cond3A_1112 = arith.constant 0 : i32
      %cond3A_1113 = arith.cmpi ne, %convert_element_type3A_1111, %cond3A_1112 : i32
      scf.if %cond3A_1113 {
        %broadcast_in_dim3A_1130 = vector.shape_cast %min3A_1082 : vector<8x512xf32> to vector<1x8x512xf32>
        %eq3A_1131 = vector.broadcast %broadcast_in_dim3A_1130 : vector<1x8x512xf32> to vector<16x8x512xf32>
        %eq3A_1132 = arith.cmpf oeq, %reshape3A_1083, %eq3A_1131 : vector<16x8x512xf32>
        %reshape3A_1133 = vector.shape_cast %eq3A_1132 : vector<16x8x512xi1> to vector<128x512xi1>
        %convert_element_type3A_1134 = arith.extui %reshape3A_1133 : vector<128x512xi1> to vector<128x512xi32>
        %convert_element_type3A_1135 = arith.sitofp %convert_element_type3A_1134 : vector<128x512xi32> to vector<128x512xf32>
        %sub3A_1136 = arith.constant 8.000000e+00 : f32
        %sub3A_1137 = vector.broadcast %sub3A_1136 : f32 to vector<1x512xf32>
        %sub3A_1138 = arith.subf %broadcast_in_dim3A_1092, %sub3A_1137 : vector<1x512xf32>
        %slice3A_1139 = vector.extract_strided_slice %get3A_800 {offsets = [0, 0], sizes = [128, 128], strides = [1, 1]} : vector<512x512xf32> to vector<128x128xf32>
        %dot_general3A_1140 = arith.constant dense<0.000000e+00> : vector<128x512xf32>
        %dot_general3A_1141 = tpu.matmul %slice3A_1139, %convert_element_type3A_1135, %dot_general3A_1140 {dimension_numbers = #tpu.dot_dimension_numbers<[1], [0], [0], [1], [0, 0, 1, 1], [], []>, transpose_lhs_hint = false} : vector<128x128xf32>, vector<128x512xf32>, vector<128x512xf32> -> vector<128x512xf32>
        %gt3A_1142 = arith.constant 0.000000e+00 : f32
        %gt3A_1143 = vector.broadcast %gt3A_1142 : f32 to vector<128x512xf32>
        %gt3A_1144 = arith.cmpf ogt, %convert_element_type3A_1135, %gt3A_1143 : vector<128x512xf32>
        %le3A = vector.broadcast %sub3A_1138 : vector<1x512xf32> to vector<128x512xf32>
        %le3A_1145 = arith.cmpf ole, %dot_general3A_1141, %le3A : vector<128x512xf32>
        %and3A = arith.andi %gt3A_1144, %le3A_1145 : vector<128x512xi1>
        %get3A_1146 = arith.constant 0 : index
        %get3A_1147 = arith.constant 0 : index
        %get3A_1148 = vector.load %arg7[%get3A_1146, %get3A_1147] : memref<512x4096xf32, #tpu.memory_space<vmem>>, vector<128x512xf32>
        %jit3A_1149 = arith.constant 0.000000e+00 : f32
        %broadcast_in_dim3A_1150 = vector.broadcast %jit3A_1149 : f32 to vector<128x512xf32>
        %select_n3A_1151 = arith.select %and3A, %broadcast_in_dim3A_1150, %get3A_1148 : vector<128x512xi1>, vector<128x512xf32>
        %swap3A_1152 = arith.constant 0 : index
        %swap3A_1153 = arith.constant 0 : index
        %swap3A_1154 = vector.load %arg7[%swap3A_1152, %swap3A_1153] : memref<512x4096xf32, #tpu.memory_space<vmem>>, vector<128x512xf32>
        tpu.vector_store %arg7[%swap3A_1152, %swap3A_1153], %select_n3A_1151 {strides = array<i32>} : memref<512x4096xf32, #tpu.memory_space<vmem>>, vector<128x512xf32>,
      } else {
      }
      %get3A_1114 = arith.constant 0 : index
      %get3A_1115 = arith.constant 0 : index
      %get3A_1116 = vector.load %arg7[%get3A_1114, %get3A_1115] : memref<512x4096xf32, #tpu.memory_space<vmem>>, vector<128x512xf32>
      %reduce_sum3A_1117 = arith.constant dense<0.000000e+00> : vector<512xf32>
      %reduce_sum3A_1118 = vector.multi_reduction <add>, %get3A_1116, %reduce_sum3A_1117 [0] : vector<128x512xf32> to vector<512xf32>
      %broadcast_in_dim3A_1119 = vector.shape_cast %reduce_sum3A_1118 : vector<512xf32> to vector<1x512xf32>
      %div3A_1120 = vector.broadcast %broadcast_in_dim3A_1119 : vector<1x512xf32> to vector<128x512xf32>
      %div3A_1121 = arith.divf %get3A_1116, %div3A_1120 : vector<128x512xf32>
      %get3A_1122 = arith.constant 0 : index
      %get3A_1123 = arith.constant 0 : index
      %get3A_1124 = vector.load %arg3[%get3A_1122, %get3A_1123] : memref<128x64xf32, #tpu.memory_space<vmem>>, vector<128x64xf32>
      %dot_general3A_1125 = arith.constant dense<0.000000e+00> : vector<512x64xf32>
      %dot_general3A_1126 = tpu.matmul %div3A_1121, %get3A_1124, %dot_general3A_1125 {dimension_numbers = #tpu.dot_dimension_numbers<[0], [0], [1], [1], [0, 1, 1, 1], [], []>, transpose_lhs_hint = false} : vector<128x512xf32>, vector<128x64xf32>, vector<512x64xf32> -> vector<512x64xf32>
      %swap3A_1127 = arith.constant 0 : index
      %swap3A_1128 = arith.constant 0 : index
      %swap3A_1129 = vector.load %arg5[%swap3A_1127, %swap3A_1128] : memref<512x64xf32, #tpu.memory_space<vmem>>, vector<512x64xf32>
      tpu.vector_store %arg5[%swap3A_1127, %swap3A_1128], %dot_general3A_1126 {strides = array<i32>} : memref<512x64xf32, #tpu.memory_space<vmem>>, vector<512x64xf32>,
    } else {
    }
    %get3A = arith.constant 0 : index
    %get3A_2 = arith.constant 0 : index
    %get3A_3 = vector.load %arg1[%get3A, %get3A_2] : memref<4096x512xf32, #tpu.memory_space<vmem>>, vector<4096x512xf32>
    %transpose3A = tpu.transpose %get3A_3, [1, 0] : vector<4096x512xf32> -> vector<512x4096xf32>
    %get3A_4 = arith.constant 0 : index
    %get3A_5 = arith.constant 0 : index
    %get3A_6 = vector.load %arg6[%get3A_4, %get3A_5] : memref<512x512xf32, #tpu.memory_space<vmem>>, vector<512x512xf32>
    %slice3A = vector.extract_strided_slice %transpose3A {offsets = [0, 0], sizes = [8, 4096], strides = [1, 1]} : vector<512x4096xf32> to vector<8x4096xf32>
    %slice3A_7 = vector.extract_strided_slice %transpose3A {offsets = [8, 0], sizes = [8, 4096], strides = [1, 1]} : vector<512x4096xf32> to vector<8x4096xf32>
    %slice3A_8 = vector.extract_strided_slice %transpose3A {offsets = [16, 0], sizes = [8, 4096], strides = [1, 1]} : vector<512x4096xf32> to vector<8x4096xf32>
    %slice3A_9 = vector.extract_strided_slice %transpose3A {offsets = [24, 0], sizes = [8, 4096], strides = [1, 1]} : vector<512x4096xf32> to vector<8x4096xf32>
    %slice3A_10 = vector.extract_strided_slice %transpose3A {offsets = [32, 0], sizes = [8, 4096], strides = [1, 1]} : vector<512x4096xf32> to vector<8x4096xf32>
    %slice3A_11 = vector.extract_strided_slice %transpose3A {offsets = [40, 0], sizes = [8, 4096], strides = [1, 1]} : vector<512x4096xf32> to vector<8x4096xf32>
    %slice3A_12 = vector.extract_strided_slice %transpose3A {offsets = [48, 0], sizes = [8, 4096], strides = [1, 1]} : vector<512x4096xf32> to vector<8x4096xf32>
    %slice3A_13 = vector.extract_strided_slice %transpose3A {offsets = [56, 0], sizes = [8, 4096], strides = [1, 1]} : vector<512x4096xf32> to vector<8x4096xf32>
    %slice3A_14 = vector.extract_strided_slice %transpose3A {offsets = [64, 0], sizes = [8, 4096], strides = [1, 1]} : vector<512x4096xf32> to vector<8x4096xf32>
    %slice3A_15 = vector.extract_strided_slice %transpose3A {offsets = [72, 0], sizes = [8, 4096], strides = [1, 1]} : vector<512x4096xf32> to vector<8x4096xf32>
    %slice3A_16 = vector.extract_strided_slice %transpose3A {offsets = [80, 0], sizes = [8, 4096], strides = [1, 1]} : vector<512x4096xf32> to vector<8x4096xf32>
    %slice3A_17 = vector.extract_strided_slice %transpose3A {offsets = [88, 0], sizes = [8, 4096], strides = [1, 1]} : vector<512x4096xf32> to vector<8x4096xf32>
    %slice3A_18 = vector.extract_strided_slice %transpose3A {offsets = [96, 0], sizes = [8, 4096], strides = [1, 1]} : vector<512x4096xf32> to vector<8x4096xf32>
    %slice3A_19 = vector.extract_strided_slice %transpose3A {offsets = [104, 0], sizes = [8, 4096], strides = [1, 1]} : vector<512x4096xf32> to vector<8x4096xf32>
    %slice3A_20 = vector.extract_strided_slice %transpose3A {offsets = [112, 0], sizes = [8, 4096], strides = [1, 1]} : vector<512x4096xf32> to vector<8x4096xf32>
    %slice3A_21 = vector.extract_strided_slice %transpose3A {offsets = [120, 0], sizes = [8, 4096], strides = [1, 1]} : vector<512x4096xf32> to vector<8x4096xf32>
    %slice3A_22 = vector.extract_strided_slice %transpose3A {offsets = [128, 0], sizes = [8, 4096], strides = [1, 1]} : vector<512x4096xf32> to vector<8x4096xf32>
    %slice3A_23 = vector.extract_strided_slice %transpose3A {offsets = [136, 0], sizes = [8, 4096], strides = [1, 1]} : vector<512x4096xf32> to vector<8x4096xf32>
    %slice3A_24 = vector.extract_strided_slice %transpose3A {offsets = [144, 0], sizes = [8, 4096], strides = [1, 1]} : vector<512x4096xf32> to vector<8x4096xf32>
    %slice3A_25 = vector.extract_strided_slice %transpose3A {offsets = [152, 0], sizes = [8, 4096], strides = [1, 1]} : vector<512x4096xf32> to vector<8x4096xf32>
    %slice3A_26 = vector.extract_strided_slice %transpose3A {offsets = [160, 0], sizes = [8, 4096], strides = [1, 1]} : vector<512x4096xf32> to vector<8x4096xf32>
    %slice3A_27 = vector.extract_strided_slice %transpose3A {offsets = [168, 0], sizes = [8, 4096], strides = [1, 1]} : vector<512x4096xf32> to vector<8x4096xf32>
    %slice3A_28 = vector.extract_strided_slice %transpose3A {offsets = [176, 0], sizes = [8, 4096], strides = [1, 1]} : vector<512x4096xf32> to vector<8x4096xf32>
    %slice3A_29 = vector.extract_strided_slice %transpose3A {offsets = [184, 0], sizes = [8, 4096], strides = [1, 1]} : vector<512x4096xf32> to vector<8x4096xf32>
    %slice3A_30 = vector.extract_strided_slice %transpose3A {offsets = [192, 0], sizes = [8, 4096], strides = [1, 1]} : vector<512x4096xf32> to vector<8x4096xf32>
    %slice3A_31 = vector.extract_strided_slice %transpose3A {offsets = [200, 0], sizes = [8, 4096], strides = [1, 1]} : vector<512x4096xf32> to vector<8x4096xf32>
    %slice3A_32 = vector.extract_strided_slice %transpose3A {offsets = [208, 0], sizes = [8, 4096], strides = [1, 1]} : vector<512x4096xf32> to vector<8x4096xf32>
    %slice3A_33 = vector.extract_strided_slice %transpose3A {offsets = [216, 0], sizes = [8, 4096], strides = [1, 1]} : vector<512x4096xf32> to vector<8x4096xf32>
    %slice3A_34 = vector.extract_strided_slice %transpose3A {offsets = [224, 0], sizes = [8, 4096], strides = [1, 1]} : vector<512x4096xf32> to vector<8x4096xf32>
    %slice3A_35 = vector.extract_strided_slice %transpose3A {offsets = [232, 0], sizes = [8, 4096], strides = [1, 1]} : vector<512x4096xf32> to vector<8x4096xf32>
    %slice3A_36 = vector.extract_strided_slice %transpose3A {offsets = [240, 0], sizes = [8, 4096], strides = [1, 1]} : vector<512x4096xf32> to vector<8x4096xf32>
    %slice3A_37 = vector.extract_strided_slice %transpose3A {offsets = [248, 0], sizes = [8, 4096], strides = [1, 1]} : vector<512x4096xf32> to vector<8x4096xf32>
    %slice3A_38 = vector.extract_strided_slice %transpose3A {offsets = [256, 0], sizes = [8, 4096], strides = [1, 1]} : vector<512x4096xf32> to vector<8x4096xf32>
    %slice3A_39 = vector.extract_strided_slice %transpose3A {offsets = [264, 0], sizes = [8, 4096], strides = [1, 1]} : vector<512x4096xf32> to vector<8x4096xf32>
    %slice3A_40 = vector.extract_strided_slice %transpose3A {offsets = [272, 0], sizes = [8, 4096], strides = [1, 1]} : vector<512x4096xf32> to vector<8x4096xf32>
    %slice3A_41 = vector.extract_strided_slice %transpose3A {offsets = [280, 0], sizes = [8, 4096], strides = [1, 1]} : vector<512x4096xf32> to vector<8x4096xf32>
    %slice3A_42 = vector.extract_strided_slice %transpose3A {offsets = [288, 0], sizes = [8, 4096], strides = [1, 1]} : vector<512x4096xf32> to vector<8x4096xf32>
    %slice3A_43 = vector.extract_strided_slice %transpose3A {offsets = [296, 0], sizes = [8, 4096], strides = [1, 1]} : vector<512x4096xf32> to vector<8x4096xf32>
    %slice3A_44 = vector.extract_strided_slice %transpose3A {offsets = [304, 0], sizes = [8, 4096], strides = [1, 1]} : vector<512x4096xf32> to vector<8x4096xf32>
    %slice3A_45 = vector.extract_strided_slice %transpose3A {offsets = [312, 0], sizes = [8, 4096], strides = [1, 1]} : vector<512x4096xf32> to vector<8x4096xf32>
    %slice3A_46 = vector.extract_strided_slice %transpose3A {offsets = [320, 0], sizes = [8, 4096], strides = [1, 1]} : vector<512x4096xf32> to vector<8x4096xf32>
    %slice3A_47 = vector.extract_strided_slice %transpose3A {offsets = [328, 0], sizes = [8, 4096], strides = [1, 1]} : vector<512x4096xf32> to vector<8x4096xf32>
    %slice3A_48 = vector.extract_strided_slice %transpose3A {offsets = [336, 0], sizes = [8, 4096], strides = [1, 1]} : vector<512x4096xf32> to vector<8x4096xf32>
    %slice3A_49 = vector.extract_strided_slice %transpose3A {offsets = [344, 0], sizes = [8, 4096], strides = [1, 1]} : vector<512x4096xf32> to vector<8x4096xf32>
    %slice3A_50 = vector.extract_strided_slice %transpose3A {offsets = [352, 0], sizes = [8, 4096], strides = [1, 1]} : vector<512x4096xf32> to vector<8x4096xf32>
    %slice3A_51 = vector.extract_strided_slice %transpose3A {offsets = [360, 0], sizes = [8, 4096], strides = [1, 1]} : vector<512x4096xf32> to vector<8x4096xf32>
    %slice3A_52 = vector.extract_strided_slice %transpose3A {offsets = [368, 0], sizes = [8, 4096], strides = [1, 1]} : vector<512x4096xf32> to vector<8x4096xf32>
    %slice3A_53 = vector.extract_strided_slice %transpose3A {offsets = [376, 0], sizes = [8, 4096], strides = [1, 1]} : vector<512x4096xf32> to vector<8x4096xf32>
    %slice3A_54 = vector.extract_strided_slice %transpose3A {offsets = [384, 0], sizes = [8, 4096], strides = [1, 1]} : vector<512x4096xf32> to vector<8x4096xf32>
    %slice3A_55 = vector.extract_strided_slice %transpose3A {offsets = [392, 0], sizes = [8, 4096], strides = [1, 1]} : vector<512x4096xf32> to vector<8x4096xf32>
    %slice3A_56 = vector.extract_strided_slice %transpose3A {offsets = [400, 0], sizes = [8, 4096], strides = [1, 1]} : vector<512x4096xf32> to vector<8x4096xf32>
    %slice3A_57 = vector.extract_strided_slice %transpose3A {offsets = [408, 0], sizes = [8, 4096], strides = [1, 1]} : vector<512x4096xf32> to vector<8x4096xf32>
    %slice3A_58 = vector.extract_strided_slice %transpose3A {offsets = [416, 0], sizes = [8, 4096], strides = [1, 1]} : vector<512x4096xf32> to vector<8x4096xf32>
    %slice3A_59 = vector.extract_strided_slice %transpose3A {offsets = [424, 0], sizes = [8, 4096], strides = [1, 1]} : vector<512x4096xf32> to vector<8x4096xf32>
    %slice3A_60 = vector.extract_strided_slice %transpose3A {offsets = [432, 0], sizes = [8, 4096], strides = [1, 1]} : vector<512x4096xf32> to vector<8x4096xf32>
    %slice3A_61 = vector.extract_strided_slice %transpose3A {offsets = [440, 0], sizes = [8, 4096], strides = [1, 1]} : vector<512x4096xf32> to vector<8x4096xf32>
    %slice3A_62 = vector.extract_strided_slice %transpose3A {offsets = [448, 0], sizes = [8, 4096], strides = [1, 1]} : vector<512x4096xf32> to vector<8x4096xf32>
    %slice3A_63 = vector.extract_strided_slice %transpose3A {offsets = [456, 0], sizes = [8, 4096], strides = [1, 1]} : vector<512x4096xf32> to vector<8x4096xf32>
    %slice3A_64 = vector.extract_strided_slice %transpose3A {offsets = [464, 0], sizes = [8, 4096], strides = [1, 1]} : vector<512x4096xf32> to vector<8x4096xf32>
    %slice3A_65 = vector.extract_strided_slice %transpose3A {offsets = [472, 0], sizes = [8, 4096], strides = [1, 1]} : vector<512x4096xf32> to vector<8x4096xf32>
    %slice3A_66 = vector.extract_strided_slice %transpose3A {offsets = [480, 0], sizes = [8, 4096], strides = [1, 1]} : vector<512x4096xf32> to vector<8x4096xf32>
    %slice3A_67 = vector.extract_strided_slice %transpose3A {offsets = [488, 0], sizes = [8, 4096], strides = [1, 1]} : vector<512x4096xf32> to vector<8x4096xf32>
    %slice3A_68 = vector.extract_strided_slice %transpose3A {offsets = [496, 0], sizes = [8, 4096], strides = [1, 1]} : vector<512x4096xf32> to vector<8x4096xf32>
    %slice3A_69 = vector.extract_strided_slice %transpose3A {offsets = [504, 0], sizes = [8, 4096], strides = [1, 1]} : vector<512x4096xf32> to vector<8x4096xf32>
    %max3A = arith.maximumf %slice3A, %slice3A_7 : vector<8x4096xf32>
    %min3A = arith.minimumf %slice3A, %slice3A_7 : vector<8x4096xf32>
    %max3A_70 = arith.maximumf %slice3A_8, %slice3A_9 : vector<8x4096xf32>
    %min3A_71 = arith.minimumf %slice3A_8, %slice3A_9 : vector<8x4096xf32>
    %max3A_72 = arith.maximumf %slice3A_10, %slice3A_11 : vector<8x4096xf32>
    %min3A_73 = arith.minimumf %slice3A_10, %slice3A_11 : vector<8x4096xf32>
    %max3A_74 = arith.maximumf %slice3A_12, %slice3A_13 : vector<8x4096xf32>
    %min3A_75 = arith.minimumf %slice3A_12, %slice3A_13 : vector<8x4096xf32>
    %max3A_76 = arith.maximumf %max3A, %max3A_70 : vector<8x4096xf32>
    %min3A_77 = arith.minimumf %max3A, %max3A_70 : vector<8x4096xf32>
    %max3A_78 = arith.maximumf %min3A, %min3A_71 : vector<8x4096xf32>
    %min3A_79 = arith.minimumf %min3A, %min3A_71 : vector<8x4096xf32>
    %max3A_80 = arith.maximumf %max3A_72, %max3A_74 : vector<8x4096xf32>
    %min3A_81 = arith.minimumf %max3A_72, %max3A_74 : vector<8x4096xf32>
    %max3A_82 = arith.maximumf %min3A_73, %min3A_75 : vector<8x4096xf32>
    %min3A_83 = arith.minimumf %min3A_73, %min3A_75 : vector<8x4096xf32>
    %max3A_84 = arith.maximumf %max3A_78, %min3A_77 : vector<8x4096xf32>
    %min3A_85 = arith.minimumf %max3A_78, %min3A_77 : vector<8x4096xf32>
    %max3A_86 = arith.maximumf %max3A_82, %min3A_81 : vector<8x4096xf32>
    %min3A_87 = arith.minimumf %max3A_82, %min3A_81 : vector<8x4096xf32>
    %max3A_88 = arith.maximumf %max3A_76, %max3A_80 : vector<8x4096xf32>
    %min3A_89 = arith.minimumf %max3A_76, %max3A_80 : vector<8x4096xf32>
    %max3A_90 = arith.maximumf %max3A_84, %max3A_86 : vector<8x4096xf32>
    %min3A_91 = arith.minimumf %max3A_84, %max3A_86 : vector<8x4096xf32>
    %max3A_92 = arith.maximumf %min3A_85, %min3A_87 : vector<8x4096xf32>
    %min3A_93 = arith.minimumf %min3A_85, %min3A_87 : vector<8x4096xf32>
    %max3A_94 = arith.maximumf %min3A_79, %min3A_83 : vector<8x4096xf32>
    %min3A_95 = arith.minimumf %min3A_79, %min3A_83 : vector<8x4096xf32>
    %max3A_96 = arith.maximumf %max3A_92, %min3A_89 : vector<8x4096xf32>
    %min3A_97 = arith.minimumf %max3A_92, %min3A_89 : vector<8x4096xf32>
    %max3A_98 = arith.maximumf %max3A_94, %min3A_91 : vector<8x4096xf32>
    %min3A_99 = arith.minimumf %max3A_94, %min3A_91 : vector<8x4096xf32>
    %max3A_100 = arith.maximumf %max3A_90, %max3A_96 : vector<8x4096xf32>
    %min3A_101 = arith.minimumf %max3A_90, %max3A_96 : vector<8x4096xf32>
    %max3A_102 = arith.maximumf %max3A_98, %min3A_97 : vector<8x4096xf32>
    %min3A_103 = arith.minimumf %max3A_98, %min3A_97 : vector<8x4096xf32>
    %max3A_104 = arith.maximumf %min3A_99, %min3A_93 : vector<8x4096xf32>
    %min3A_105 = arith.minimumf %min3A_99, %min3A_93 : vector<8x4096xf32>
    %max3A_106 = arith.maximumf %slice3A_14, %slice3A_15 : vector<8x4096xf32>
    %min3A_107 = arith.minimumf %slice3A_14, %slice3A_15 : vector<8x4096xf32>
    %max3A_108 = arith.maximumf %slice3A_16, %slice3A_17 : vector<8x4096xf32>
    %min3A_109 = arith.minimumf %slice3A_16, %slice3A_17 : vector<8x4096xf32>
    %max3A_110 = arith.maximumf %slice3A_18, %slice3A_19 : vector<8x4096xf32>
    %min3A_111 = arith.minimumf %slice3A_18, %slice3A_19 : vector<8x4096xf32>
    %max3A_112 = arith.maximumf %slice3A_20, %slice3A_21 : vector<8x4096xf32>
    %min3A_113 = arith.minimumf %slice3A_20, %slice3A_21 : vector<8x4096xf32>
    %max3A_114 = arith.maximumf %max3A_106, %max3A_108 : vector<8x4096xf32>
    %min3A_115 = arith.minimumf %max3A_106, %max3A_108 : vector<8x4096xf32>
    %max3A_116 = arith.maximumf %min3A_107, %min3A_109 : vector<8x4096xf32>
    %min3A_117 = arith.minimumf %min3A_107, %min3A_109 : vector<8x4096xf32>
    %max3A_118 = arith.maximumf %max3A_110, %max3A_112 : vector<8x4096xf32>
    %min3A_119 = arith.minimumf %max3A_110, %max3A_112 : vector<8x4096xf32>
    %max3A_120 = arith.maximumf %min3A_111, %min3A_113 : vector<8x4096xf32>
    %min3A_121 = arith.minimumf %min3A_111, %min3A_113 : vector<8x4096xf32>
    %max3A_122 = arith.maximumf %max3A_116, %min3A_115 : vector<8x4096xf32>
    %min3A_123 = arith.minimumf %max3A_116, %min3A_115 : vector<8x4096xf32>
    %max3A_124 = arith.maximumf %max3A_120, %min3A_119 : vector<8x4096xf32>
    %min3A_125 = arith.minimumf %max3A_120, %min3A_119 : vector<8x4096xf32>
    %max3A_126 = arith.maximumf %max3A_114, %max3A_118 : vector<8x4096xf32>
    %min3A_127 = arith.minimumf %max3A_114, %max3A_118 : vector<8x4096xf32>
    %max3A_128 = arith.maximumf %max3A_122, %max3A_124 : vector<8x4096xf32>
    %min3A_129 = arith.minimumf %max3A_122, %max3A_124 : vector<8x4096xf32>
    %max3A_130 = arith.maximumf %min3A_123, %min3A_125 : vector<8x4096xf32>
    %min3A_131 = arith.minimumf %min3A_123, %min3A_125 : vector<8x4096xf32>
    %max3A_132 = arith.maximumf %min3A_117, %min3A_121 : vector<8x4096xf32>
    %min3A_133 = arith.minimumf %min3A_117, %min3A_121 : vector<8x4096xf32>
    %max3A_134 = arith.maximumf %max3A_130, %min3A_127 : vector<8x4096xf32>
    %min3A_135 = arith.minimumf %max3A_130, %min3A_127 : vector<8x4096xf32>
    %max3A_136 = arith.maximumf %max3A_132, %min3A_129 : vector<8x4096xf32>
    %min3A_137 = arith.minimumf %max3A_132, %min3A_129 : vector<8x4096xf32>
    %max3A_138 = arith.maximumf %max3A_128, %max3A_134 : vector<8x4096xf32>
    %min3A_139 = arith.minimumf %max3A_128, %max3A_134 : vector<8x4096xf32>
    %max3A_140 = arith.maximumf %max3A_136, %min3A_135 : vector<8x4096xf32>
    %min3A_141 = arith.minimumf %max3A_136, %min3A_135 : vector<8x4096xf32>
    %max3A_142 = arith.maximumf %min3A_137, %min3A_131 : vector<8x4096xf32>
    %min3A_143 = arith.minimumf %min3A_137, %min3A_131 : vector<8x4096xf32>
    %max3A_144 = arith.maximumf %slice3A_22, %slice3A_23 : vector<8x4096xf32>
    %min3A_145 = arith.minimumf %slice3A_22, %slice3A_23 : vector<8x4096xf32>
    %max3A_146 = arith.maximumf %slice3A_24, %slice3A_25 : vector<8x4096xf32>
    %min3A_147 = arith.minimumf %slice3A_24, %slice3A_25 : vector<8x4096xf32>
    %max3A_148 = arith.maximumf %slice3A_26, %slice3A_27 : vector<8x4096xf32>
    %min3A_149 = arith.minimumf %slice3A_26, %slice3A_27 : vector<8x4096xf32>
    %max3A_150 = arith.maximumf %slice3A_28, %slice3A_29 : vector<8x4096xf32>
    %min3A_151 = arith.minimumf %slice3A_28, %slice3A_29 : vector<8x4096xf32>
    %max3A_152 = arith.maximumf %max3A_144, %max3A_146 : vector<8x4096xf32>
    %min3A_153 = arith.minimumf %max3A_144, %max3A_146 : vector<8x4096xf32>
    %max3A_154 = arith.maximumf %min3A_145, %min3A_147 : vector<8x4096xf32>
    %min3A_155 = arith.minimumf %min3A_145, %min3A_147 : vector<8x4096xf32>
    %max3A_156 = arith.maximumf %max3A_148, %max3A_150 : vector<8x4096xf32>
    %min3A_157 = arith.minimumf %max3A_148, %max3A_150 : vector<8x4096xf32>
    %max3A_158 = arith.maximumf %min3A_149, %min3A_151 : vector<8x4096xf32>
    %min3A_159 = arith.minimumf %min3A_149, %min3A_151 : vector<8x4096xf32>
    %max3A_160 = arith.maximumf %max3A_154, %min3A_153 : vector<8x4096xf32>
    %min3A_161 = arith.minimumf %max3A_154, %min3A_153 : vector<8x4096xf32>
    %max3A_162 = arith.maximumf %max3A_158, %min3A_157 : vector<8x4096xf32>
    %min3A_163 = arith.minimumf %max3A_158, %min3A_157 : vector<8x4096xf32>
    %max3A_164 = arith.maximumf %max3A_152, %max3A_156 : vector<8x4096xf32>
    %min3A_165 = arith.minimumf %max3A_152, %max3A_156 : vector<8x4096xf32>
    %max3A_166 = arith.maximumf %max3A_160, %max3A_162 : vector<8x4096xf32>
    %min3A_167 = arith.minimumf %max3A_160, %max3A_162 : vector<8x4096xf32>
    %max3A_168 = arith.maximumf %min3A_161, %min3A_163 : vector<8x4096xf32>
    %min3A_169 = arith.minimumf %min3A_161, %min3A_163 : vector<8x4096xf32>
    %max3A_170 = arith.maximumf %min3A_155, %min3A_159 : vector<8x4096xf32>
    %min3A_171 = arith.minimumf %min3A_155, %min3A_159 : vector<8x4096xf32>
    %max3A_172 = arith.maximumf %max3A_168, %min3A_165 : vector<8x4096xf32>
    %min3A_173 = arith.minimumf %max3A_168, %min3A_165 : vector<8x4096xf32>
    %max3A_174 = arith.maximumf %max3A_170, %min3A_167 : vector<8x4096xf32>
    %min3A_175 = arith.minimumf %max3A_170, %min3A_167 : vector<8x4096xf32>
    %max3A_176 = arith.maximumf %max3A_166, %max3A_172 : vector<8x4096xf32>
    %min3A_177 = arith.minimumf %max3A_166, %max3A_172 : vector<8x4096xf32>
    %max3A_178 = arith.maximumf %max3A_174, %min3A_173 : vector<8x4096xf32>
    %min3A_179 = arith.minimumf %max3A_174, %min3A_173 : vector<8x4096xf32>
    %max3A_180 = arith.maximumf %min3A_175, %min3A_169 : vector<8x4096xf32>
    %min3A_181 = arith.minimumf %min3A_175, %min3A_169 : vector<8x4096xf32>
    %max3A_182 = arith.maximumf %slice3A_30, %slice3A_31 : vector<8x4096xf32>
    %min3A_183 = arith.minimumf %slice3A_30, %slice3A_31 : vector<8x4096xf32>
    %max3A_184 = arith.maximumf %slice3A_32, %slice3A_33 : vector<8x4096xf32>
    %min3A_185 = arith.minimumf %slice3A_32, %slice3A_33 : vector<8x4096xf32>
    %max3A_186 = arith.maximumf %slice3A_34, %slice3A_35 : vector<8x4096xf32>
    %min3A_187 = arith.minimumf %slice3A_34, %slice3A_35 : vector<8x4096xf32>
    %max3A_188 = arith.maximumf %slice3A_36, %slice3A_37 : vector<8x4096xf32>
    %min3A_189 = arith.minimumf %slice3A_36, %slice3A_37 : vector<8x4096xf32>
    %max3A_190 = arith.maximumf %max3A_182, %max3A_184 : vector<8x4096xf32>
    %min3A_191 = arith.minimumf %max3A_182, %max3A_184 : vector<8x4096xf32>
    %max3A_192 = arith.maximumf %min3A_183, %min3A_185 : vector<8x4096xf32>
    %min3A_193 = arith.minimumf %min3A_183, %min3A_185 : vector<8x4096xf32>
    %max3A_194 = arith.maximumf %max3A_186, %max3A_188 : vector<8x4096xf32>
    %min3A_195 = arith.minimumf %max3A_186, %max3A_188 : vector<8x4096xf32>
    %max3A_196 = arith.maximumf %min3A_187, %min3A_189 : vector<8x4096xf32>
    %min3A_197 = arith.minimumf %min3A_187, %min3A_189 : vector<8x4096xf32>
    %max3A_198 = arith.maximumf %max3A_192, %min3A_191 : vector<8x4096xf32>
    %min3A_199 = arith.minimumf %max3A_192, %min3A_191 : vector<8x4096xf32>
    %max3A_200 = arith.maximumf %max3A_196, %min3A_195 : vector<8x4096xf32>
    %min3A_201 = arith.minimumf %max3A_196, %min3A_195 : vector<8x4096xf32>
    %max3A_202 = arith.maximumf %max3A_190, %max3A_194 : vector<8x4096xf32>
    %min3A_203 = arith.minimumf %max3A_190, %max3A_194 : vector<8x4096xf32>
    %max3A_204 = arith.maximumf %max3A_198, %max3A_200 : vector<8x4096xf32>
    %min3A_205 = arith.minimumf %max3A_198, %max3A_200 : vector<8x4096xf32>
    %max3A_206 = arith.maximumf %min3A_199, %min3A_201 : vector<8x4096xf32>
    %min3A_207 = arith.minimumf %min3A_199, %min3A_201 : vector<8x4096xf32>
    %max3A_208 = arith.maximumf %min3A_193, %min3A_197 : vector<8x4096xf32>
    %min3A_209 = arith.minimumf %min3A_193, %min3A_197 : vector<8x4096xf32>
    %max3A_210 = arith.maximumf %max3A_206, %min3A_203 : vector<8x4096xf32>
    %min3A_211 = arith.minimumf %max3A_206, %min3A_203 : vector<8x4096xf32>
    %max3A_212 = arith.maximumf %max3A_208, %min3A_205 : vector<8x4096xf32>
    %min3A_213 = arith.minimumf %max3A_208, %min3A_205 : vector<8x4096xf32>
    %max3A_214 = arith.maximumf %max3A_204, %max3A_210 : vector<8x4096xf32>
    %min3A_215 = arith.minimumf %max3A_204, %max3A_210 : vector<8x4096xf32>
    %max3A_216 = arith.maximumf %max3A_212, %min3A_211 : vector<8x4096xf32>
    %min3A_217 = arith.minimumf %max3A_212, %min3A_211 : vector<8x4096xf32>
    %max3A_218 = arith.maximumf %min3A_213, %min3A_207 : vector<8x4096xf32>
    %min3A_219 = arith.minimumf %min3A_213, %min3A_207 : vector<8x4096xf32>
    %max3A_220 = arith.maximumf %slice3A_38, %slice3A_39 : vector<8x4096xf32>
    %min3A_221 = arith.minimumf %slice3A_38, %slice3A_39 : vector<8x4096xf32>
    %max3A_222 = arith.maximumf %slice3A_40, %slice3A_41 : vector<8x4096xf32>
    %min3A_223 = arith.minimumf %slice3A_40, %slice3A_41 : vector<8x4096xf32>
    %max3A_224 = arith.maximumf %slice3A_42, %slice3A_43 : vector<8x4096xf32>
    %min3A_225 = arith.minimumf %slice3A_42, %slice3A_43 : vector<8x4096xf32>
    %max3A_226 = arith.maximumf %slice3A_44, %slice3A_45 : vector<8x4096xf32>
    %min3A_227 = arith.minimumf %slice3A_44, %slice3A_45 : vector<8x4096xf32>
    %max3A_228 = arith.maximumf %max3A_220, %max3A_222 : vector<8x4096xf32>
    %min3A_229 = arith.minimumf %max3A_220, %max3A_222 : vector<8x4096xf32>
    %max3A_230 = arith.maximumf %min3A_221, %min3A_223 : vector<8x4096xf32>
    %min3A_231 = arith.minimumf %min3A_221, %min3A_223 : vector<8x4096xf32>
    %max3A_232 = arith.maximumf %max3A_224, %max3A_226 : vector<8x4096xf32>
    %min3A_233 = arith.minimumf %max3A_224, %max3A_226 : vector<8x4096xf32>
    %max3A_234 = arith.maximumf %min3A_225, %min3A_227 : vector<8x4096xf32>
    %min3A_235 = arith.minimumf %min3A_225, %min3A_227 : vector<8x4096xf32>
    %max3A_236 = arith.maximumf %max3A_230, %min3A_229 : vector<8x4096xf32>
    %min3A_237 = arith.minimumf %max3A_230, %min3A_229 : vector<8x4096xf32>
    %max3A_238 = arith.maximumf %max3A_234, %min3A_233 : vector<8x4096xf32>
    %min3A_239 = arith.minimumf %max3A_234, %min3A_233 : vector<8x4096xf32>
    %max3A_240 = arith.maximumf %max3A_228, %max3A_232 : vector<8x4096xf32>
    %min3A_241 = arith.minimumf %max3A_228, %max3A_232 : vector<8x4096xf32>
    %max3A_242 = arith.maximumf %max3A_236, %max3A_238 : vector<8x4096xf32>
    %min3A_243 = arith.minimumf %max3A_236, %max3A_238 : vector<8x4096xf32>
    %max3A_244 = arith.maximumf %min3A_237, %min3A_239 : vector<8x4096xf32>
    %min3A_245 = arith.minimumf %min3A_237, %min3A_239 : vector<8x4096xf32>
    %max3A_246 = arith.maximumf %min3A_231, %min3A_235 : vector<8x4096xf32>
    %min3A_247 = arith.minimumf %min3A_231, %min3A_235 : vector<8x4096xf32>
    %max3A_248 = arith.maximumf %max3A_244, %min3A_241 : vector<8x4096xf32>
    %min3A_249 = arith.minimumf %max3A_244, %min3A_241 : vector<8x4096xf32>
    %max3A_250 = arith.maximumf %max3A_246, %min3A_243 : vector<8x4096xf32>
    %min3A_251 = arith.minimumf %max3A_246, %min3A_243 : vector<8x4096xf32>
    %max3A_252 = arith.maximumf %max3A_242, %max3A_248 : vector<8x4096xf32>
    %min3A_253 = arith.minimumf %max3A_242, %max3A_248 : vector<8x4096xf32>
    %max3A_254 = arith.maximumf %max3A_250, %min3A_249 : vector<8x4096xf32>
    %min3A_255 = arith.minimumf %max3A_250, %min3A_249 : vector<8x4096xf32>
    %max3A_256 = arith.maximumf %min3A_251, %min3A_245 : vector<8x4096xf32>
    %min3A_257 = arith.minimumf %min3A_251, %min3A_245 : vector<8x4096xf32>
    %max3A_258 = arith.maximumf %slice3A_46, %slice3A_47 : vector<8x4096xf32>
    %min3A_259 = arith.minimumf %slice3A_46, %slice3A_47 : vector<8x4096xf32>
    %max3A_260 = arith.maximumf %slice3A_48, %slice3A_49 : vector<8x4096xf32>
    %min3A_261 = arith.minimumf %slice3A_48, %slice3A_49 : vector<8x4096xf32>
    %max3A_262 = arith.maximumf %slice3A_50, %slice3A_51 : vector<8x4096xf32>
    %min3A_263 = arith.minimumf %slice3A_50, %slice3A_51 : vector<8x4096xf32>
    %max3A_264 = arith.maximumf %slice3A_52, %slice3A_53 : vector<8x4096xf32>
    %min3A_265 = arith.minimumf %slice3A_52, %slice3A_53 : vector<8x4096xf32>
    %max3A_266 = arith.maximumf %max3A_258, %max3A_260 : vector<8x4096xf32>
    %min3A_267 = arith.minimumf %max3A_258, %max3A_260 : vector<8x4096xf32>
    %max3A_268 = arith.maximumf %min3A_259, %min3A_261 : vector<8x4096xf32>
    %min3A_269 = arith.minimumf %min3A_259, %min3A_261 : vector<8x4096xf32>
    %max3A_270 = arith.maximumf %max3A_262, %max3A_264 : vector<8x4096xf32>
    %min3A_271 = arith.minimumf %max3A_262, %max3A_264 : vector<8x4096xf32>
    %max3A_272 = arith.maximumf %min3A_263, %min3A_265 : vector<8x4096xf32>
    %min3A_273 = arith.minimumf %min3A_263, %min3A_265 : vector<8x4096xf32>
    %max3A_274 = arith.maximumf %max3A_268, %min3A_267 : vector<8x4096xf32>
    %min3A_275 = arith.minimumf %max3A_268, %min3A_267 : vector<8x4096xf32>
    %max3A_276 = arith.maximumf %max3A_272, %min3A_271 : vector<8x4096xf32>
    %min3A_277 = arith.minimumf %max3A_272, %min3A_271 : vector<8x4096xf32>
    %max3A_278 = arith.maximumf %max3A_266, %max3A_270 : vector<8x4096xf32>
    %min3A_279 = arith.minimumf %max3A_266, %max3A_270 : vector<8x4096xf32>
    %max3A_280 = arith.maximumf %max3A_274, %max3A_276 : vector<8x4096xf32>
    %min3A_281 = arith.minimumf %max3A_274, %max3A_276 : vector<8x4096xf32>
    %max3A_282 = arith.maximumf %min3A_275, %min3A_277 : vector<8x4096xf32>
    %min3A_283 = arith.minimumf %min3A_275, %min3A_277 : vector<8x4096xf32>
    %max3A_284 = arith.maximumf %min3A_269, %min3A_273 : vector<8x4096xf32>
    %min3A_285 = arith.minimumf %min3A_269, %min3A_273 : vector<8x4096xf32>
    %max3A_286 = arith.maximumf %max3A_282, %min3A_279 : vector<8x4096xf32>
    %min3A_287 = arith.minimumf %max3A_282, %min3A_279 : vector<8x4096xf32>
    %max3A_288 = arith.maximumf %max3A_284, %min3A_281 : vector<8x4096xf32>
    %min3A_289 = arith.minimumf %max3A_284, %min3A_281 : vector<8x4096xf32>
    %max3A_290 = arith.maximumf %max3A_280, %max3A_286 : vector<8x4096xf32>
    %min3A_291 = arith.minimumf %max3A_280, %max3A_286 : vector<8x4096xf32>
    %max3A_292 = arith.maximumf %max3A_288, %min3A_287 : vector<8x4096xf32>
    %min3A_293 = arith.minimumf %max3A_288, %min3A_287 : vector<8x4096xf32>
    %max3A_294 = arith.maximumf %min3A_289, %min3A_283 : vector<8x4096xf32>
    %min3A_295 = arith.minimumf %min3A_289, %min3A_283 : vector<8x4096xf32>
    %max3A_296 = arith.maximumf %slice3A_54, %slice3A_55 : vector<8x4096xf32>
    %min3A_297 = arith.minimumf %slice3A_54, %slice3A_55 : vector<8x4096xf32>
    %max3A_298 = arith.maximumf %slice3A_56, %slice3A_57 : vector<8x4096xf32>
    %min3A_299 = arith.minimumf %slice3A_56, %slice3A_57 : vector<8x4096xf32>
    %max3A_300 = arith.maximumf %slice3A_58, %slice3A_59 : vector<8x4096xf32>
    %min3A_301 = arith.minimumf %slice3A_58, %slice3A_59 : vector<8x4096xf32>
    %max3A_302 = arith.maximumf %slice3A_60, %slice3A_61 : vector<8x4096xf32>
    %min3A_303 = arith.minimumf %slice3A_60, %slice3A_61 : vector<8x4096xf32>
    %max3A_304 = arith.maximumf %max3A_296, %max3A_298 : vector<8x4096xf32>
    %min3A_305 = arith.minimumf %max3A_296, %max3A_298 : vector<8x4096xf32>
    %max3A_306 = arith.maximumf %min3A_297, %min3A_299 : vector<8x4096xf32>
    %min3A_307 = arith.minimumf %min3A_297, %min3A_299 : vector<8x4096xf32>
    %max3A_308 = arith.maximumf %max3A_300, %max3A_302 : vector<8x4096xf32>
    %min3A_309 = arith.minimumf %max3A_300, %max3A_302 : vector<8x4096xf32>
    %max3A_310 = arith.maximumf %min3A_301, %min3A_303 : vector<8x4096xf32>
    %min3A_311 = arith.minimumf %min3A_301, %min3A_303 : vector<8x4096xf32>
    %max3A_312 = arith.maximumf %max3A_306, %min3A_305 : vector<8x4096xf32>
    %min3A_313 = arith.minimumf %max3A_306, %min3A_305 : vector<8x4096xf32>
    %max3A_314 = arith.maximumf %max3A_310, %min3A_309 : vector<8x4096xf32>
    %min3A_315 = arith.minimumf %max3A_310, %min3A_309 : vector<8x4096xf32>
    %max3A_316 = arith.maximumf %max3A_304, %max3A_308 : vector<8x4096xf32>
    %min3A_317 = arith.minimumf %max3A_304, %max3A_308 : vector<8x4096xf32>
    %max3A_318 = arith.maximumf %max3A_312, %max3A_314 : vector<8x4096xf32>
    %min3A_319 = arith.minimumf %max3A_312, %max3A_314 : vector<8x4096xf32>
    %max3A_320 = arith.maximumf %min3A_313, %min3A_315 : vector<8x4096xf32>
    %min3A_321 = arith.minimumf %min3A_313, %min3A_315 : vector<8x4096xf32>
    %max3A_322 = arith.maximumf %min3A_307, %min3A_311 : vector<8x4096xf32>
    %min3A_323 = arith.minimumf %min3A_307, %min3A_311 : vector<8x4096xf32>
    %max3A_324 = arith.maximumf %max3A_320, %min3A_317 : vector<8x4096xf32>
    %min3A_325 = arith.minimumf %max3A_320, %min3A_317 : vector<8x4096xf32>
    %max3A_326 = arith.maximumf %max3A_322, %min3A_319 : vector<8x4096xf32>
    %min3A_327 = arith.minimumf %max3A_322, %min3A_319 : vector<8x4096xf32>
    %max3A_328 = arith.maximumf %max3A_318, %max3A_324 : vector<8x4096xf32>
    %min3A_329 = arith.minimumf %max3A_318, %max3A_324 : vector<8x4096xf32>
    %max3A_330 = arith.maximumf %max3A_326, %min3A_325 : vector<8x4096xf32>
    %min3A_331 = arith.minimumf %max3A_326, %min3A_325 : vector<8x4096xf32>
    %max3A_332 = arith.maximumf %min3A_327, %min3A_321 : vector<8x4096xf32>
    %min3A_333 = arith.minimumf %min3A_327, %min3A_321 : vector<8x4096xf32>
    %max3A_334 = arith.maximumf %slice3A_62, %slice3A_63 : vector<8x4096xf32>
    %min3A_335 = arith.minimumf %slice3A_62, %slice3A_63 : vector<8x4096xf32>
    %max3A_336 = arith.maximumf %slice3A_64, %slice3A_65 : vector<8x4096xf32>
    %min3A_337 = arith.minimumf %slice3A_64, %slice3A_65 : vector<8x4096xf32>
    %max3A_338 = arith.maximumf %slice3A_66, %slice3A_67 : vector<8x4096xf32>
    %min3A_339 = arith.minimumf %slice3A_66, %slice3A_67 : vector<8x4096xf32>
    %max3A_340 = arith.maximumf %slice3A_68, %slice3A_69 : vector<8x4096xf32>
    %min3A_341 = arith.minimumf %slice3A_68, %slice3A_69 : vector<8x4096xf32>
    %max3A_342 = arith.maximumf %max3A_334, %max3A_336 : vector<8x4096xf32>
    %min3A_343 = arith.minimumf %max3A_334, %max3A_336 : vector<8x4096xf32>
    %max3A_344 = arith.maximumf %min3A_335, %min3A_337 : vector<8x4096xf32>
    %min3A_345 = arith.minimumf %min3A_335, %min3A_337 : vector<8x4096xf32>
    %max3A_346 = arith.maximumf %max3A_338, %max3A_340 : vector<8x4096xf32>
    %min3A_347 = arith.minimumf %max3A_338, %max3A_340 : vector<8x4096xf32>
    %max3A_348 = arith.maximumf %min3A_339, %min3A_341 : vector<8x4096xf32>
    %min3A_349 = arith.minimumf %min3A_339, %min3A_341 : vector<8x4096xf32>
    %max3A_350 = arith.maximumf %max3A_344, %min3A_343 : vector<8x4096xf32>
    %min3A_351 = arith.minimumf %max3A_344, %min3A_343 : vector<8x4096xf32>
    %max3A_352 = arith.maximumf %max3A_348, %min3A_347 : vector<8x4096xf32>
    %min3A_353 = arith.minimumf %max3A_348, %min3A_347 : vector<8x4096xf32>
    %max3A_354 = arith.maximumf %max3A_342, %max3A_346 : vector<8x4096xf32>
    %min3A_355 = arith.minimumf %max3A_342, %max3A_346 : vector<8x4096xf32>
    %max3A_356 = arith.maximumf %max3A_350, %max3A_352 : vector<8x4096xf32>
    %min3A_357 = arith.minimumf %max3A_350, %max3A_352 : vector<8x4096xf32>
    %max3A_358 = arith.maximumf %min3A_351, %min3A_353 : vector<8x4096xf32>
    %min3A_359 = arith.minimumf %min3A_351, %min3A_353 : vector<8x4096xf32>
    %max3A_360 = arith.maximumf %min3A_345, %min3A_349 : vector<8x4096xf32>
    %min3A_361 = arith.minimumf %min3A_345, %min3A_349 : vector<8x4096xf32>
    %max3A_362 = arith.maximumf %max3A_358, %min3A_355 : vector<8x4096xf32>
    %min3A_363 = arith.minimumf %max3A_358, %min3A_355 : vector<8x4096xf32>
    %max3A_364 = arith.maximumf %max3A_360, %min3A_357 : vector<8x4096xf32>
    %min3A_365 = arith.minimumf %max3A_360, %min3A_357 : vector<8x4096xf32>
    %max3A_366 = arith.maximumf %max3A_356, %max3A_362 : vector<8x4096xf32>
    %min3A_367 = arith.minimumf %max3A_356, %max3A_362 : vector<8x4096xf32>
    %max3A_368 = arith.maximumf %max3A_364, %min3A_363 : vector<8x4096xf32>
    %min3A_369 = arith.minimumf %max3A_364, %min3A_363 : vector<8x4096xf32>
    %max3A_370 = arith.maximumf %min3A_365, %min3A_359 : vector<8x4096xf32>
    %min3A_371 = arith.minimumf %min3A_365, %min3A_359 : vector<8x4096xf32>
    %max3A_372 = arith.maximumf %max3A_88, %min3A_133 : vector<8x4096xf32>
    %max3A_373 = arith.maximumf %max3A_100, %min3A_143 : vector<8x4096xf32>
    %max3A_374 = arith.maximumf %min3A_101, %max3A_142 : vector<8x4096xf32>
    %max3A_375 = arith.maximumf %max3A_102, %min3A_141 : vector<8x4096xf32>
    %max3A_376 = arith.maximumf %min3A_103, %max3A_140 : vector<8x4096xf32>
    %max3A_377 = arith.maximumf %max3A_104, %min3A_139 : vector<8x4096xf32>
    %max3A_378 = arith.maximumf %min3A_105, %max3A_138 : vector<8x4096xf32>
    %max3A_379 = arith.maximumf %min3A_95, %max3A_126 : vector<8x4096xf32>
    %max3A_380 = arith.maximumf %max3A_372, %max3A_376 : vector<8x4096xf32>
    %min3A_381 = arith.minimumf %max3A_372, %max3A_376 : vector<8x4096xf32>
    %max3A_382 = arith.maximumf %max3A_373, %max3A_377 : vector<8x4096xf32>
    %min3A_383 = arith.minimumf %max3A_373, %max3A_377 : vector<8x4096xf32>
    %max3A_384 = arith.maximumf %max3A_374, %max3A_378 : vector<8x4096xf32>
    %min3A_385 = arith.minimumf %max3A_374, %max3A_378 : vector<8x4096xf32>
    %max3A_386 = arith.maximumf %max3A_375, %max3A_379 : vector<8x4096xf32>
    %min3A_387 = arith.minimumf %max3A_375, %max3A_379 : vector<8x4096xf32>
    %max3A_388 = arith.maximumf %max3A_380, %max3A_384 : vector<8x4096xf32>
    %min3A_389 = arith.minimumf %max3A_380, %max3A_384 : vector<8x4096xf32>
    %max3A_390 = arith.maximumf %max3A_382, %max3A_386 : vector<8x4096xf32>
    %min3A_391 = arith.minimumf %max3A_382, %max3A_386 : vector<8x4096xf32>
    %max3A_392 = arith.maximumf %min3A_381, %min3A_385 : vector<8x4096xf32>
    %min3A_393 = arith.minimumf %min3A_381, %min3A_385 : vector<8x4096xf32>
    %max3A_394 = arith.maximumf %min3A_383, %min3A_387 : vector<8x4096xf32>
    %min3A_395 = arith.minimumf %min3A_383, %min3A_387 : vector<8x4096xf32>
    %max3A_396 = arith.maximumf %max3A_388, %max3A_390 : vector<8x4096xf32>
    %min3A_397 = arith.minimumf %max3A_388, %max3A_390 : vector<8x4096xf32>
    %max3A_398 = arith.maximumf %min3A_389, %min3A_391 : vector<8x4096xf32>
    %min3A_399 = arith.minimumf %min3A_389, %min3A_391 : vector<8x4096xf32>
    %max3A_400 = arith.maximumf %max3A_392, %max3A_394 : vector<8x4096xf32>
    %min3A_401 = arith.minimumf %max3A_392, %max3A_394 : vector<8x4096xf32>
    %max3A_402 = arith.maximumf %min3A_393, %min3A_395 : vector<8x4096xf32>
    %min3A_403 = arith.minimumf %min3A_393, %min3A_395 : vector<8x4096xf32>
    %max3A_404 = arith.maximumf %max3A_164, %min3A_209 : vector<8x4096xf32>
    %max3A_405 = arith.maximumf %max3A_176, %min3A_219 : vector<8x4096xf32>
    %max3A_406 = arith.maximumf %min3A_177, %max3A_218 : vector<8x4096xf32>
    %max3A_407 = arith.maximumf %max3A_178, %min3A_217 : vector<8x4096xf32>
    %max3A_408 = arith.maximumf %min3A_179, %max3A_216 : vector<8x4096xf32>
    %max3A_409 = arith.maximumf %max3A_180, %min3A_215 : vector<8x4096xf32>
    %max3A_410 = arith.maximumf %min3A_181, %max3A_214 : vector<8x4096xf32>
    %max3A_411 = arith.maximumf %min3A_171, %max3A_202 : vector<8x4096xf32>
    %max3A_412 = arith.maximumf %max3A_404, %max3A_408 : vector<8x4096xf32>
    %min3A_413 = arith.minimumf %max3A_404, %max3A_408 : vector<8x4096xf32>
    %max3A_414 = arith.maximumf %max3A_405, %max3A_409 : vector<8x4096xf32>
    %min3A_415 = arith.minimumf %max3A_405, %max3A_409 : vector<8x4096xf32>
    %max3A_416 = arith.maximumf %max3A_406, %max3A_410 : vector<8x4096xf32>
    %min3A_417 = arith.minimumf %max3A_406, %max3A_410 : vector<8x4096xf32>
    %max3A_418 = arith.maximumf %max3A_407, %max3A_411 : vector<8x4096xf32>
    %min3A_419 = arith.minimumf %max3A_407, %max3A_411 : vector<8x4096xf32>
    %max3A_420 = arith.maximumf %max3A_412, %max3A_416 : vector<8x4096xf32>
    %min3A_421 = arith.minimumf %max3A_412, %max3A_416 : vector<8x4096xf32>
    %max3A_422 = arith.maximumf %max3A_414, %max3A_418 : vector<8x4096xf32>
    %min3A_423 = arith.minimumf %max3A_414, %max3A_418 : vector<8x4096xf32>
    %max3A_424 = arith.maximumf %min3A_413, %min3A_417 : vector<8x4096xf32>
    %min3A_425 = arith.minimumf %min3A_413, %min3A_417 : vector<8x4096xf32>
    %max3A_426 = arith.maximumf %min3A_415, %min3A_419 : vector<8x4096xf32>
    %min3A_427 = arith.minimumf %min3A_415, %min3A_419 : vector<8x4096xf32>
    %max3A_428 = arith.maximumf %max3A_420, %max3A_422 : vector<8x4096xf32>
    %min3A_429 = arith.minimumf %max3A_420, %max3A_422 : vector<8x4096xf32>
    %max3A_430 = arith.maximumf %min3A_421, %min3A_423 : vector<8x4096xf32>
    %min3A_431 = arith.minimumf %min3A_421, %min3A_423 : vector<8x4096xf32>
    %max3A_432 = arith.maximumf %max3A_424, %max3A_426 : vector<8x4096xf32>
    %min3A_433 = arith.minimumf %max3A_424, %max3A_426 : vector<8x4096xf32>
    %max3A_434 = arith.maximumf %min3A_425, %min3A_427 : vector<8x4096xf32>
    %min3A_435 = arith.minimumf %min3A_425, %min3A_427 : vector<8x4096xf32>
    %max3A_436 = arith.maximumf %max3A_240, %min3A_285 : vector<8x4096xf32>
    %max3A_437 = arith.maximumf %max3A_252, %min3A_295 : vector<8x4096xf32>
    %max3A_438 = arith.maximumf %min3A_253, %max3A_294 : vector<8x4096xf32>
    %max3A_439 = arith.maximumf %max3A_254, %min3A_293 : vector<8x4096xf32>
    %max3A_440 = arith.maximumf %min3A_255, %max3A_292 : vector<8x4096xf32>
    %max3A_441 = arith.maximumf %max3A_256, %min3A_291 : vector<8x4096xf32>
    %max3A_442 = arith.maximumf %min3A_257, %max3A_290 : vector<8x4096xf32>
    %max3A_443 = arith.maximumf %min3A_247, %max3A_278 : vector<8x4096xf32>
    %max3A_444 = arith.maximumf %max3A_436, %max3A_440 : vector<8x4096xf32>
    %min3A_445 = arith.minimumf %max3A_436, %max3A_440 : vector<8x4096xf32>
    %max3A_446 = arith.maximumf %max3A_437, %max3A_441 : vector<8x4096xf32>
    %min3A_447 = arith.minimumf %max3A_437, %max3A_441 : vector<8x4096xf32>
    %max3A_448 = arith.maximumf %max3A_438, %max3A_442 : vector<8x4096xf32>
    %min3A_449 = arith.minimumf %max3A_438, %max3A_442 : vector<8x4096xf32>
    %max3A_450 = arith.maximumf %max3A_439, %max3A_443 : vector<8x4096xf32>
    %min3A_451 = arith.minimumf %max3A_439, %max3A_443 : vector<8x4096xf32>
    %max3A_452 = arith.maximumf %max3A_444, %max3A_448 : vector<8x4096xf32>
    %min3A_453 = arith.minimumf %max3A_444, %max3A_448 : vector<8x4096xf32>
    %max3A_454 = arith.maximumf %max3A_446, %max3A_450 : vector<8x4096xf32>
    %min3A_455 = arith.minimumf %max3A_446, %max3A_450 : vector<8x4096xf32>
    %max3A_456 = arith.maximumf %min3A_445, %min3A_449 : vector<8x4096xf32>
    %min3A_457 = arith.minimumf %min3A_445, %min3A_449 : vector<8x4096xf32>
    %max3A_458 = arith.maximumf %min3A_447, %min3A_451 : vector<8x4096xf32>
    %min3A_459 = arith.minimumf %min3A_447, %min3A_451 : vector<8x4096xf32>
    %max3A_460 = arith.maximumf %max3A_452, %max3A_454 : vector<8x4096xf32>
    %min3A_461 = arith.minimumf %max3A_452, %max3A_454 : vector<8x4096xf32>
    %max3A_462 = arith.maximumf %min3A_453, %min3A_455 : vector<8x4096xf32>
    %min3A_463 = arith.minimumf %min3A_453, %min3A_455 : vector<8x4096xf32>
    %max3A_464 = arith.maximumf %max3A_456, %max3A_458 : vector<8x4096xf32>
    %min3A_465 = arith.minimumf %max3A_456, %max3A_458 : vector<8x4096xf32>
    %max3A_466 = arith.maximumf %min3A_457, %min3A_459 : vector<8x4096xf32>
    %min3A_467 = arith.minimumf %min3A_457, %min3A_459 : vector<8x4096xf32>
    %max3A_468 = arith.maximumf %max3A_316, %min3A_361 : vector<8x4096xf32>
    %max3A_469 = arith.maximumf %max3A_328, %min3A_371 : vector<8x4096xf32>
    %max3A_470 = arith.maximumf %min3A_329, %max3A_370 : vector<8x4096xf32>
    %max3A_471 = arith.maximumf %max3A_330, %min3A_369 : vector<8x4096xf32>
    %max3A_472 = arith.maximumf %min3A_331, %max3A_368 : vector<8x4096xf32>
    %max3A_473 = arith.maximumf %max3A_332, %min3A_367 : vector<8x4096xf32>
    %max3A_474 = arith.maximumf %min3A_333, %max3A_366 : vector<8x4096xf32>
    %max3A_475 = arith.maximumf %min3A_323, %max3A_354 : vector<8x4096xf32>
    %max3A_476 = arith.maximumf %max3A_468, %max3A_472 : vector<8x4096xf32>
    %min3A_477 = arith.minimumf %max3A_468, %max3A_472 : vector<8x4096xf32>
    %max3A_478 = arith.maximumf %max3A_469, %max3A_473 : vector<8x4096xf32>
    %min3A_479 = arith.minimumf %max3A_469, %max3A_473 : vector<8x4096xf32>
    %max3A_480 = arith.maximumf %max3A_470, %max3A_474 : vector<8x4096xf32>
    %min3A_481 = arith.minimumf %max3A_470, %max3A_474 : vector<8x4096xf32>
    %max3A_482 = arith.maximumf %max3A_471, %max3A_475 : vector<8x4096xf32>
    %min3A_483 = arith.minimumf %max3A_471, %max3A_475 : vector<8x4096xf32>
    %max3A_484 = arith.maximumf %max3A_476, %max3A_480 : vector<8x4096xf32>
    %min3A_485 = arith.minimumf %max3A_476, %max3A_480 : vector<8x4096xf32>
    %max3A_486 = arith.maximumf %max3A_478, %max3A_482 : vector<8x4096xf32>
    %min3A_487 = arith.minimumf %max3A_478, %max3A_482 : vector<8x4096xf32>
    %max3A_488 = arith.maximumf %min3A_477, %min3A_481 : vector<8x4096xf32>
    %min3A_489 = arith.minimumf %min3A_477, %min3A_481 : vector<8x4096xf32>
    %max3A_490 = arith.maximumf %min3A_479, %min3A_483 : vector<8x4096xf32>
    %min3A_491 = arith.minimumf %min3A_479, %min3A_483 : vector<8x4096xf32>
    %max3A_492 = arith.maximumf %max3A_484, %max3A_486 : vector<8x4096xf32>
    %min3A_493 = arith.minimumf %max3A_484, %max3A_486 : vector<8x4096xf32>
    %max3A_494 = arith.maximumf %min3A_485, %min3A_487 : vector<8x4096xf32>
    %min3A_495 = arith.minimumf %min3A_485, %min3A_487 : vector<8x4096xf32>
    %max3A_496 = arith.maximumf %max3A_488, %max3A_490 : vector<8x4096xf32>
    %min3A_497 = arith.minimumf %max3A_488, %max3A_490 : vector<8x4096xf32>
    %max3A_498 = arith.maximumf %min3A_489, %min3A_491 : vector<8x4096xf32>
    %min3A_499 = arith.minimumf %min3A_489, %min3A_491 : vector<8x4096xf32>
    %max3A_500 = arith.maximumf %max3A_396, %min3A_435 : vector<8x4096xf32>
    %max3A_501 = arith.maximumf %min3A_397, %max3A_434 : vector<8x4096xf32>
    %max3A_502 = arith.maximumf %max3A_398, %min3A_433 : vector<8x4096xf32>
    %max3A_503 = arith.maximumf %min3A_399, %max3A_432 : vector<8x4096xf32>
    %max3A_504 = arith.maximumf %max3A_400, %min3A_431 : vector<8x4096xf32>
    %max3A_505 = arith.maximumf %min3A_401, %max3A_430 : vector<8x4096xf32>
    %max3A_506 = arith.maximumf %max3A_402, %min3A_429 : vector<8x4096xf32>
    %max3A_507 = arith.maximumf %min3A_403, %max3A_428 : vector<8x4096xf32>
    %max3A_508 = arith.maximumf %max3A_500, %max3A_504 : vector<8x4096xf32>
    %min3A_509 = arith.minimumf %max3A_500, %max3A_504 : vector<8x4096xf32>
    %max3A_510 = arith.maximumf %max3A_501, %max3A_505 : vector<8x4096xf32>
    %min3A_511 = arith.minimumf %max3A_501, %max3A_505 : vector<8x4096xf32>
    %max3A_512 = arith.maximumf %max3A_502, %max3A_506 : vector<8x4096xf32>
    %min3A_513 = arith.minimumf %max3A_502, %max3A_506 : vector<8x4096xf32>
    %max3A_514 = arith.maximumf %max3A_503, %max3A_507 : vector<8x4096xf32>
    %min3A_515 = arith.minimumf %max3A_503, %max3A_507 : vector<8x4096xf32>
    %max3A_516 = arith.maximumf %max3A_508, %max3A_512 : vector<8x4096xf32>
    %min3A_517 = arith.minimumf %max3A_508, %max3A_512 : vector<8x4096xf32>
    %max3A_518 = arith.maximumf %max3A_510, %max3A_514 : vector<8x4096xf32>
    %min3A_519 = arith.minimumf %max3A_510, %max3A_514 : vector<8x4096xf32>
    %max3A_520 = arith.maximumf %min3A_509, %min3A_513 : vector<8x4096xf32>
    %min3A_521 = arith.minimumf %min3A_509, %min3A_513 : vector<8x4096xf32>
    %max3A_522 = arith.maximumf %min3A_511, %min3A_515 : vector<8x4096xf32>
    %min3A_523 = arith.minimumf %min3A_511, %min3A_515 : vector<8x4096xf32>
    %max3A_524 = arith.maximumf %max3A_516, %max3A_518 : vector<8x4096xf32>
    %min3A_525 = arith.minimumf %max3A_516, %max3A_518 : vector<8x4096xf32>
    %max3A_526 = arith.maximumf %min3A_517, %min3A_519 : vector<8x4096xf32>
    %min3A_527 = arith.minimumf %min3A_517, %min3A_519 : vector<8x4096xf32>
    %max3A_528 = arith.maximumf %max3A_520, %max3A_522 : vector<8x4096xf32>
    %min3A_529 = arith.minimumf %max3A_520, %max3A_522 : vector<8x4096xf32>
    %max3A_530 = arith.maximumf %min3A_521, %min3A_523 : vector<8x4096xf32>
    %min3A_531 = arith.minimumf %min3A_521, %min3A_523 : vector<8x4096xf32>
    %max3A_532 = arith.maximumf %max3A_460, %min3A_499 : vector<8x4096xf32>
    %max3A_533 = arith.maximumf %min3A_461, %max3A_498 : vector<8x4096xf32>
    %max3A_534 = arith.maximumf %max3A_462, %min3A_497 : vector<8x4096xf32>
    %max3A_535 = arith.maximumf %min3A_463, %max3A_496 : vector<8x4096xf32>
    %max3A_536 = arith.maximumf %max3A_464, %min3A_495 : vector<8x4096xf32>
    %max3A_537 = arith.maximumf %min3A_465, %max3A_494 : vector<8x4096xf32>
    %max3A_538 = arith.maximumf %max3A_466, %min3A_493 : vector<8x4096xf32>
    %max3A_539 = arith.maximumf %min3A_467, %max3A_492 : vector<8x4096xf32>
    %max3A_540 = arith.maximumf %max3A_532, %max3A_536 : vector<8x4096xf32>
    %min3A_541 = arith.minimumf %max3A_532, %max3A_536 : vector<8x4096xf32>
    %max3A_542 = arith.maximumf %max3A_533, %max3A_537 : vector<8x4096xf32>
    %min3A_543 = arith.minimumf %max3A_533, %max3A_537 : vector<8x4096xf32>
    %max3A_544 = arith.maximumf %max3A_534, %max3A_538 : vector<8x4096xf32>
    %min3A_545 = arith.minimumf %max3A_534, %max3A_538 : vector<8x4096xf32>
    %max3A_546 = arith.maximumf %max3A_535, %max3A_539 : vector<8x4096xf32>
    %min3A_547 = arith.minimumf %max3A_535, %max3A_539 : vector<8x4096xf32>
    %max3A_548 = arith.maximumf %max3A_540, %max3A_544 : vector<8x4096xf32>
    %min3A_549 = arith.minimumf %max3A_540, %max3A_544 : vector<8x4096xf32>
    %max3A_550 = arith.maximumf %max3A_542, %max3A_546 : vector<8x4096xf32>
    %min3A_551 = arith.minimumf %max3A_542, %max3A_546 : vector<8x4096xf32>
    %max3A_552 = arith.maximumf %min3A_541, %min3A_545 : vector<8x4096xf32>
    %min3A_553 = arith.minimumf %min3A_541, %min3A_545 : vector<8x4096xf32>
    %max3A_554 = arith.maximumf %min3A_543, %min3A_547 : vector<8x4096xf32>
    %min3A_555 = arith.minimumf %min3A_543, %min3A_547 : vector<8x4096xf32>
    %max3A_556 = arith.maximumf %max3A_548, %max3A_550 : vector<8x4096xf32>
    %min3A_557 = arith.minimumf %max3A_548, %max3A_550 : vector<8x4096xf32>
    %max3A_558 = arith.maximumf %min3A_549, %min3A_551 : vector<8x4096xf32>
    %min3A_559 = arith.minimumf %min3A_549, %min3A_551 : vector<8x4096xf32>
    %max3A_560 = arith.maximumf %max3A_552, %max3A_554 : vector<8x4096xf32>
    %min3A_561 = arith.minimumf %max3A_552, %max3A_554 : vector<8x4096xf32>
    %max3A_562 = arith.maximumf %min3A_553, %min3A_555 : vector<8x4096xf32>
    %min3A_563 = arith.minimumf %min3A_553, %min3A_555 : vector<8x4096xf32>
    %max3A_564 = arith.maximumf %max3A_524, %min3A_563 : vector<8x4096xf32>
    %max3A_565 = arith.maximumf %min3A_525, %max3A_562 : vector<8x4096xf32>
    %max3A_566 = arith.maximumf %max3A_526, %min3A_561 : vector<8x4096xf32>
    %max3A_567 = arith.maximumf %min3A_527, %max3A_560 : vector<8x4096xf32>
    %max3A_568 = arith.maximumf %max3A_528, %min3A_559 : vector<8x4096xf32>
    %max3A_569 = arith.maximumf %min3A_529, %max3A_558 : vector<8x4096xf32>
    %max3A_570 = arith.maximumf %max3A_530, %min3A_557 : vector<8x4096xf32>
    %max3A_571 = arith.maximumf %min3A_531, %max3A_556 : vector<8x4096xf32>
    %max3A_572 = arith.maximumf %max3A_564, %max3A_568 : vector<8x4096xf32>
    %min3A_573 = arith.minimumf %max3A_564, %max3A_568 : vector<8x4096xf32>
    %max3A_574 = arith.maximumf %max3A_565, %max3A_569 : vector<8x4096xf32>
    %min3A_575 = arith.minimumf %max3A_565, %max3A_569 : vector<8x4096xf32>
    %max3A_576 = arith.maximumf %max3A_566, %max3A_570 : vector<8x4096xf32>
    %min3A_577 = arith.minimumf %max3A_566, %max3A_570 : vector<8x4096xf32>
    %max3A_578 = arith.maximumf %max3A_567, %max3A_571 : vector<8x4096xf32>
    %min3A_579 = arith.minimumf %max3A_567, %max3A_571 : vector<8x4096xf32>
    %max3A_580 = arith.maximumf %max3A_572, %max3A_576 : vector<8x4096xf32>
    %min3A_581 = arith.minimumf %max3A_572, %max3A_576 : vector<8x4096xf32>
    %max3A_582 = arith.maximumf %max3A_574, %max3A_578 : vector<8x4096xf32>
    %min3A_583 = arith.minimumf %max3A_574, %max3A_578 : vector<8x4096xf32>
    %max3A_584 = arith.maximumf %min3A_573, %min3A_577 : vector<8x4096xf32>
    %min3A_585 = arith.minimumf %min3A_573, %min3A_577 : vector<8x4096xf32>
    %max3A_586 = arith.maximumf %min3A_575, %min3A_579 : vector<8x4096xf32>
    %min3A_587 = arith.minimumf %min3A_575, %min3A_579 : vector<8x4096xf32>
    %max3A_588 = arith.maximumf %max3A_580, %max3A_582 : vector<8x4096xf32>
    %min3A_589 = arith.minimumf %max3A_580, %max3A_582 : vector<8x4096xf32>
    %max3A_590 = arith.maximumf %min3A_581, %min3A_583 : vector<8x4096xf32>
    %min3A_591 = arith.minimumf %min3A_581, %min3A_583 : vector<8x4096xf32>
    %max3A_592 = arith.maximumf %max3A_584, %max3A_586 : vector<8x4096xf32>
    %min3A_593 = arith.minimumf %max3A_584, %max3A_586 : vector<8x4096xf32>
    %max3A_594 = arith.maximumf %min3A_585, %min3A_587 : vector<8x4096xf32>
    %min3A_595 = arith.minimumf %min3A_585, %min3A_587 : vector<8x4096xf32>
    %slice3A_596 = vector.extract_strided_slice %max3A_588 {offsets = [4, 0], sizes = [4, 4096], strides = [1, 1]} : vector<8x4096xf32> to vector<4x4096xf32>
    %slice3A_597 = vector.extract_strided_slice %max3A_588 {offsets = [0, 0], sizes = [4, 4096], strides = [1, 1]} : vector<8x4096xf32> to vector<4x4096xf32>
    %concatenate3A = tpu.concatenate %slice3A_596, %slice3A_597 in 0 : vector<4x4096xf32>, vector<4x4096xf32> -> vector<8x4096xf32>
    %slice3A_598 = vector.extract_strided_slice %min3A_589 {offsets = [4, 0], sizes = [4, 4096], strides = [1, 1]} : vector<8x4096xf32> to vector<4x4096xf32>
    %slice3A_599 = vector.extract_strided_slice %min3A_589 {offsets = [0, 0], sizes = [4, 4096], strides = [1, 1]} : vector<8x4096xf32> to vector<4x4096xf32>
    %concatenate3A_600 = tpu.concatenate %slice3A_598, %slice3A_599 in 0 : vector<4x4096xf32>, vector<4x4096xf32> -> vector<8x4096xf32>
    %slice3A_601 = vector.extract_strided_slice %max3A_590 {offsets = [4, 0], sizes = [4, 4096], strides = [1, 1]} : vector<8x4096xf32> to vector<4x4096xf32>
    %slice3A_602 = vector.extract_strided_slice %max3A_590 {offsets = [0, 0], sizes = [4, 4096], strides = [1, 1]} : vector<8x4096xf32> to vector<4x4096xf32>
    %concatenate3A_603 = tpu.concatenate %slice3A_601, %slice3A_602 in 0 : vector<4x4096xf32>, vector<4x4096xf32> -> vector<8x4096xf32>
    %slice3A_604 = vector.extract_strided_slice %min3A_591 {offsets = [4, 0], sizes = [4, 4096], strides = [1, 1]} : vector<8x4096xf32> to vector<4x4096xf32>
    %slice3A_605 = vector.extract_strided_slice %min3A_591 {offsets = [0, 0], sizes = [4, 4096], strides = [1, 1]} : vector<8x4096xf32> to vector<4x4096xf32>
    %concatenate3A_606 = tpu.concatenate %slice3A_604, %slice3A_605 in 0 : vector<4x4096xf32>, vector<4x4096xf32> -> vector<8x4096xf32>
    %slice3A_607 = vector.extract_strided_slice %max3A_592 {offsets = [4, 0], sizes = [4, 4096], strides = [1, 1]} : vector<8x4096xf32> to vector<4x4096xf32>
    %slice3A_608 = vector.extract_strided_slice %max3A_592 {offsets = [0, 0], sizes = [4, 4096], strides = [1, 1]} : vector<8x4096xf32> to vector<4x4096xf32>
    %concatenate3A_609 = tpu.concatenate %slice3A_607, %slice3A_608 in 0 : vector<4x4096xf32>, vector<4x4096xf32> -> vector<8x4096xf32>
    %slice3A_610 = vector.extract_strided_slice %min3A_593 {offsets = [4, 0], sizes = [4, 4096], strides = [1, 1]} : vector<8x4096xf32> to vector<4x4096xf32>
    %slice3A_611 = vector.extract_strided_slice %min3A_593 {offsets = [0, 0], sizes = [4, 4096], strides = [1, 1]} : vector<8x4096xf32> to vector<4x4096xf32>
    %concatenate3A_612 = tpu.concatenate %slice3A_610, %slice3A_611 in 0 : vector<4x4096xf32>, vector<4x4096xf32> -> vector<8x4096xf32>
    %slice3A_613 = vector.extract_strided_slice %max3A_594 {offsets = [4, 0], sizes = [4, 4096], strides = [1, 1]} : vector<8x4096xf32> to vector<4x4096xf32>
    %slice3A_614 = vector.extract_strided_slice %max3A_594 {offsets = [0, 0], sizes = [4, 4096], strides = [1, 1]} : vector<8x4096xf32> to vector<4x4096xf32>
    %concatenate3A_615 = tpu.concatenate %slice3A_613, %slice3A_614 in 0 : vector<4x4096xf32>, vector<4x4096xf32> -> vector<8x4096xf32>
    %slice3A_616 = vector.extract_strided_slice %min3A_595 {offsets = [4, 0], sizes = [4, 4096], strides = [1, 1]} : vector<8x4096xf32> to vector<4x4096xf32>
    %slice3A_617 = vector.extract_strided_slice %min3A_595 {offsets = [0, 0], sizes = [4, 4096], strides = [1, 1]} : vector<8x4096xf32> to vector<4x4096xf32>
    %concatenate3A_618 = tpu.concatenate %slice3A_616, %slice3A_617 in 0 : vector<4x4096xf32>, vector<4x4096xf32> -> vector<8x4096xf32>
    %max3A_619 = arith.maximumf %max3A_588, %concatenate3A_618 : vector<8x4096xf32>
    %max3A_620 = arith.maximumf %min3A_589, %concatenate3A_615 : vector<8x4096xf32>
    %max3A_621 = arith.maximumf %max3A_590, %concatenate3A_612 : vector<8x4096xf32>
    %max3A_622 = arith.maximumf %min3A_591, %concatenate3A_609 : vector<8x4096xf32>
    %max3A_623 = arith.maximumf %max3A_592, %concatenate3A_606 : vector<8x4096xf32>
    %max3A_624 = arith.maximumf %min3A_593, %concatenate3A_603 : vector<8x4096xf32>
    %max3A_625 = arith.maximumf %max3A_594, %concatenate3A_600 : vector<8x4096xf32>
    %max3A_626 = arith.maximumf %min3A_595, %concatenate3A : vector<8x4096xf32>
    %max3A_627 = arith.maximumf %max3A_619, %max3A_623 : vector<8x4096xf32>
    %min3A_628 = arith.minimumf %max3A_619, %max3A_623 : vector<8x4096xf32>
    %max3A_629 = arith.maximumf %max3A_620, %max3A_624 : vector<8x4096xf32>
    %min3A_630 = arith.minimumf %max3A_620, %max3A_624 : vector<8x4096xf32>
    %max3A_631 = arith.maximumf %max3A_621, %max3A_625 : vector<8x4096xf32>
    %min3A_632 = arith.minimumf %max3A_621, %max3A_625 : vector<8x4096xf32>
    %max3A_633 = arith.maximumf %max3A_622, %max3A_626 : vector<8x4096xf32>
    %min3A_634 = arith.minimumf %max3A_622, %max3A_626 : vector<8x4096xf32>
    %max3A_635 = arith.maximumf %max3A_627, %max3A_631 : vector<8x4096xf32>
    %min3A_636 = arith.minimumf %max3A_627, %max3A_631 : vector<8x4096xf32>
    %max3A_637 = arith.maximumf %max3A_629, %max3A_633 : vector<8x4096xf32>
    %min3A_638 = arith.minimumf %max3A_629, %max3A_633 : vector<8x4096xf32>
    %max3A_639 = arith.maximumf %min3A_628, %min3A_632 : vector<8x4096xf32>
    %min3A_640 = arith.minimumf %min3A_628, %min3A_632 : vector<8x4096xf32>
    %max3A_641 = arith.maximumf %min3A_630, %min3A_634 : vector<8x4096xf32>
    %min3A_642 = arith.minimumf %min3A_630, %min3A_634 : vector<8x4096xf32>
    %max3A_643 = arith.maximumf %max3A_635, %max3A_637 : vector<8x4096xf32>
    %min3A_644 = arith.minimumf %max3A_635, %max3A_637 : vector<8x4096xf32>
    %max3A_645 = arith.maximumf %min3A_636, %min3A_638 : vector<8x4096xf32>
    %min3A_646 = arith.minimumf %min3A_636, %min3A_638 : vector<8x4096xf32>
    %max3A_647 = arith.maximumf %max3A_639, %max3A_641 : vector<8x4096xf32>
    %min3A_648 = arith.minimumf %max3A_639, %max3A_641 : vector<8x4096xf32>
    %max3A_649 = arith.maximumf %min3A_640, %min3A_642 : vector<8x4096xf32>
    %min3A_650 = arith.minimumf %min3A_640, %min3A_642 : vector<8x4096xf32>
    %slice3A_651 = vector.extract_strided_slice %max3A_643 {offsets = [2, 0], sizes = [6, 4096], strides = [1, 1]} : vector<8x4096xf32> to vector<6x4096xf32>
    %slice3A_652 = vector.extract_strided_slice %max3A_643 {offsets = [0, 0], sizes = [2, 4096], strides = [1, 1]} : vector<8x4096xf32> to vector<2x4096xf32>
    %concatenate3A_653 = tpu.concatenate %slice3A_651, %slice3A_652 in 0 : vector<6x4096xf32>, vector<2x4096xf32> -> vector<8x4096xf32>
    %slice3A_654 = vector.extract_strided_slice %min3A_644 {offsets = [2, 0], sizes = [6, 4096], strides = [1, 1]} : vector<8x4096xf32> to vector<6x4096xf32>
    %slice3A_655 = vector.extract_strided_slice %min3A_644 {offsets = [0, 0], sizes = [2, 4096], strides = [1, 1]} : vector<8x4096xf32> to vector<2x4096xf32>
    %concatenate3A_656 = tpu.concatenate %slice3A_654, %slice3A_655 in 0 : vector<6x4096xf32>, vector<2x4096xf32> -> vector<8x4096xf32>
    %slice3A_657 = vector.extract_strided_slice %max3A_645 {offsets = [2, 0], sizes = [6, 4096], strides = [1, 1]} : vector<8x4096xf32> to vector<6x4096xf32>
    %slice3A_658 = vector.extract_strided_slice %max3A_645 {offsets = [0, 0], sizes = [2, 4096], strides = [1, 1]} : vector<8x4096xf32> to vector<2x4096xf32>
    %concatenate3A_659 = tpu.concatenate %slice3A_657, %slice3A_658 in 0 : vector<6x4096xf32>, vector<2x4096xf32> -> vector<8x4096xf32>
    %slice3A_660 = vector.extract_strided_slice %min3A_646 {offsets = [2, 0], sizes = [6, 4096], strides = [1, 1]} : vector<8x4096xf32> to vector<6x4096xf32>
    %slice3A_661 = vector.extract_strided_slice %min3A_646 {offsets = [0, 0], sizes = [2, 4096], strides = [1, 1]} : vector<8x4096xf32> to vector<2x4096xf32>
    %concatenate3A_662 = tpu.concatenate %slice3A_660, %slice3A_661 in 0 : vector<6x4096xf32>, vector<2x4096xf32> -> vector<8x4096xf32>
    %slice3A_663 = vector.extract_strided_slice %max3A_647 {offsets = [2, 0], sizes = [6, 4096], strides = [1, 1]} : vector<8x4096xf32> to vector<6x4096xf32>
    %slice3A_664 = vector.extract_strided_slice %max3A_647 {offsets = [0, 0], sizes = [2, 4096], strides = [1, 1]} : vector<8x4096xf32> to vector<2x4096xf32>
    %concatenate3A_665 = tpu.concatenate %slice3A_663, %slice3A_664 in 0 : vector<6x4096xf32>, vector<2x4096xf32> -> vector<8x4096xf32>
    %slice3A_666 = vector.extract_strided_slice %min3A_648 {offsets = [2, 0], sizes = [6, 4096], strides = [1, 1]} : vector<8x4096xf32> to vector<6x4096xf32>
    %slice3A_667 = vector.extract_strided_slice %min3A_648 {offsets = [0, 0], sizes = [2, 4096], strides = [1, 1]} : vector<8x4096xf32> to vector<2x4096xf32>
    %concatenate3A_668 = tpu.concatenate %slice3A_666, %slice3A_667 in 0 : vector<6x4096xf32>, vector<2x4096xf32> -> vector<8x4096xf32>
    %slice3A_669 = vector.extract_strided_slice %max3A_649 {offsets = [2, 0], sizes = [6, 4096], strides = [1, 1]} : vector<8x4096xf32> to vector<6x4096xf32>
    %slice3A_670 = vector.extract_strided_slice %max3A_649 {offsets = [0, 0], sizes = [2, 4096], strides = [1, 1]} : vector<8x4096xf32> to vector<2x4096xf32>
    %concatenate3A_671 = tpu.concatenate %slice3A_669, %slice3A_670 in 0 : vector<6x4096xf32>, vector<2x4096xf32> -> vector<8x4096xf32>
    %slice3A_672 = vector.extract_strided_slice %min3A_650 {offsets = [2, 0], sizes = [6, 4096], strides = [1, 1]} : vector<8x4096xf32> to vector<6x4096xf32>
    %slice3A_673 = vector.extract_strided_slice %min3A_650 {offsets = [0, 0], sizes = [2, 4096], strides = [1, 1]} : vector<8x4096xf32> to vector<2x4096xf32>
    %concatenate3A_674 = tpu.concatenate %slice3A_672, %slice3A_673 in 0 : vector<6x4096xf32>, vector<2x4096xf32> -> vector<8x4096xf32>
    %max3A_675 = arith.maximumf %max3A_643, %concatenate3A_674 : vector<8x4096xf32>
    %max3A_676 = arith.maximumf %min3A_644, %concatenate3A_671 : vector<8x4096xf32>
    %max3A_677 = arith.maximumf %max3A_645, %concatenate3A_668 : vector<8x4096xf32>
    %max3A_678 = arith.maximumf %min3A_646, %concatenate3A_665 : vector<8x4096xf32>
    %max3A_679 = arith.maximumf %max3A_647, %concatenate3A_662 : vector<8x4096xf32>
    %max3A_680 = arith.maximumf %min3A_648, %concatenate3A_659 : vector<8x4096xf32>
    %max3A_681 = arith.maximumf %max3A_649, %concatenate3A_656 : vector<8x4096xf32>
    %max3A_682 = arith.maximumf %min3A_650, %concatenate3A_653 : vector<8x4096xf32>
    %max3A_683 = arith.maximumf %max3A_675, %max3A_679 : vector<8x4096xf32>
    %min3A_684 = arith.minimumf %max3A_675, %max3A_679 : vector<8x4096xf32>
    %max3A_685 = arith.maximumf %max3A_676, %max3A_680 : vector<8x4096xf32>
    %min3A_686 = arith.minimumf %max3A_676, %max3A_680 : vector<8x4096xf32>
    %max3A_687 = arith.maximumf %max3A_677, %max3A_681 : vector<8x4096xf32>
    %min3A_688 = arith.minimumf %max3A_677, %max3A_681 : vector<8x4096xf32>
    %max3A_689 = arith.maximumf %max3A_678, %max3A_682 : vector<8x4096xf32>
    %min3A_690 = arith.minimumf %max3A_678, %max3A_682 : vector<8x4096xf32>
    %max3A_691 = arith.maximumf %max3A_683, %max3A_687 : vector<8x4096xf32>
    %min3A_692 = arith.minimumf %max3A_683, %max3A_687 : vector<8x4096xf32>
    %max3A_693 = arith.maximumf %max3A_685, %max3A_689 : vector<8x4096xf32>
    %min3A_694 = arith.minimumf %max3A_685, %max3A_689 : vector<8x4096xf32>
    %max3A_695 = arith.maximumf %min3A_684, %min3A_688 : vector<8x4096xf32>
    %min3A_696 = arith.minimumf %min3A_684, %min3A_688 : vector<8x4096xf32>
    %max3A_697 = arith.maximumf %min3A_686, %min3A_690 : vector<8x4096xf32>
    %min3A_698 = arith.minimumf %min3A_686, %min3A_690 : vector<8x4096xf32>
    %max3A_699 = arith.maximumf %max3A_691, %max3A_693 : vector<8x4096xf32>
    %min3A_700 = arith.minimumf %max3A_691, %max3A_693 : vector<8x4096xf32>
    %max3A_701 = arith.maximumf %min3A_692, %min3A_694 : vector<8x4096xf32>
    %min3A_702 = arith.minimumf %min3A_692, %min3A_694 : vector<8x4096xf32>
    %max3A_703 = arith.maximumf %max3A_695, %max3A_697 : vector<8x4096xf32>
    %min3A_704 = arith.minimumf %max3A_695, %max3A_697 : vector<8x4096xf32>
    %max3A_705 = arith.maximumf %min3A_696, %min3A_698 : vector<8x4096xf32>
    %min3A_706 = arith.minimumf %min3A_696, %min3A_698 : vector<8x4096xf32>
    %slice3A_707 = vector.extract_strided_slice %max3A_699 {offsets = [1, 0], sizes = [7, 4096], strides = [1, 1]} : vector<8x4096xf32> to vector<7x4096xf32>
    %slice3A_708 = vector.extract_strided_slice %max3A_699 {offsets = [0, 0], sizes = [1, 4096], strides = [1, 1]} : vector<8x4096xf32> to vector<1x4096xf32>
    %concatenate3A_709 = tpu.concatenate %slice3A_707, %slice3A_708 in 0 : vector<7x4096xf32>, vector<1x4096xf32> -> vector<8x4096xf32>
    %slice3A_710 = vector.extract_strided_slice %min3A_700 {offsets = [1, 0], sizes = [7, 4096], strides = [1, 1]} : vector<8x4096xf32> to vector<7x4096xf32>
    %slice3A_711 = vector.extract_strided_slice %min3A_700 {offsets = [0, 0], sizes = [1, 4096], strides = [1, 1]} : vector<8x4096xf32> to vector<1x4096xf32>
    %concatenate3A_712 = tpu.concatenate %slice3A_710, %slice3A_711 in 0 : vector<7x4096xf32>, vector<1x4096xf32> -> vector<8x4096xf32>
    %slice3A_713 = vector.extract_strided_slice %max3A_701 {offsets = [1, 0], sizes = [7, 4096], strides = [1, 1]} : vector<8x4096xf32> to vector<7x4096xf32>
    %slice3A_714 = vector.extract_strided_slice %max3A_701 {offsets = [0, 0], sizes = [1, 4096], strides = [1, 1]} : vector<8x4096xf32> to vector<1x4096xf32>
    %concatenate3A_715 = tpu.concatenate %slice3A_713, %slice3A_714 in 0 : vector<7x4096xf32>, vector<1x4096xf32> -> vector<8x4096xf32>
    %slice3A_716 = vector.extract_strided_slice %min3A_702 {offsets = [1, 0], sizes = [7, 4096], strides = [1, 1]} : vector<8x4096xf32> to vector<7x4096xf32>
    %slice3A_717 = vector.extract_strided_slice %min3A_702 {offsets = [0, 0], sizes = [1, 4096], strides = [1, 1]} : vector<8x4096xf32> to vector<1x4096xf32>
    %concatenate3A_718 = tpu.concatenate %slice3A_716, %slice3A_717 in 0 : vector<7x4096xf32>, vector<1x4096xf32> -> vector<8x4096xf32>
    %slice3A_719 = vector.extract_strided_slice %max3A_703 {offsets = [1, 0], sizes = [7, 4096], strides = [1, 1]} : vector<8x4096xf32> to vector<7x4096xf32>
    %slice3A_720 = vector.extract_strided_slice %max3A_703 {offsets = [0, 0], sizes = [1, 4096], strides = [1, 1]} : vector<8x4096xf32> to vector<1x4096xf32>
    %concatenate3A_721 = tpu.concatenate %slice3A_719, %slice3A_720 in 0 : vector<7x4096xf32>, vector<1x4096xf32> -> vector<8x4096xf32>
    %slice3A_722 = vector.extract_strided_slice %min3A_704 {offsets = [1, 0], sizes = [7, 4096], strides = [1, 1]} : vector<8x4096xf32> to vector<7x4096xf32>
    %slice3A_723 = vector.extract_strided_slice %min3A_704 {offsets = [0, 0], sizes = [1, 4096], strides = [1, 1]} : vector<8x4096xf32> to vector<1x4096xf32>
    %concatenate3A_724 = tpu.concatenate %slice3A_722, %slice3A_723 in 0 : vector<7x4096xf32>, vector<1x4096xf32> -> vector<8x4096xf32>
    %slice3A_725 = vector.extract_strided_slice %max3A_705 {offsets = [1, 0], sizes = [7, 4096], strides = [1, 1]} : vector<8x4096xf32> to vector<7x4096xf32>
    %slice3A_726 = vector.extract_strided_slice %max3A_705 {offsets = [0, 0], sizes = [1, 4096], strides = [1, 1]} : vector<8x4096xf32> to vector<1x4096xf32>
    %concatenate3A_727 = tpu.concatenate %slice3A_725, %slice3A_726 in 0 : vector<7x4096xf32>, vector<1x4096xf32> -> vector<8x4096xf32>
    %slice3A_728 = vector.extract_strided_slice %min3A_706 {offsets = [1, 0], sizes = [7, 4096], strides = [1, 1]} : vector<8x4096xf32> to vector<7x4096xf32>
    %slice3A_729 = vector.extract_strided_slice %min3A_706 {offsets = [0, 0], sizes = [1, 4096], strides = [1, 1]} : vector<8x4096xf32> to vector<1x4096xf32>
    %concatenate3A_730 = tpu.concatenate %slice3A_728, %slice3A_729 in 0 : vector<7x4096xf32>, vector<1x4096xf32> -> vector<8x4096xf32>
    %max3A_731 = arith.maximumf %max3A_699, %concatenate3A_730 : vector<8x4096xf32>
    %max3A_732 = arith.maximumf %min3A_700, %concatenate3A_727 : vector<8x4096xf32>
    %max3A_733 = arith.maximumf %max3A_701, %concatenate3A_724 : vector<8x4096xf32>
    %max3A_734 = arith.maximumf %min3A_702, %concatenate3A_721 : vector<8x4096xf32>
    %max3A_735 = arith.maximumf %max3A_703, %concatenate3A_718 : vector<8x4096xf32>
    %max3A_736 = arith.maximumf %min3A_704, %concatenate3A_715 : vector<8x4096xf32>
    %max3A_737 = arith.maximumf %max3A_705, %concatenate3A_712 : vector<8x4096xf32>
    %max3A_738 = arith.maximumf %min3A_706, %concatenate3A_709 : vector<8x4096xf32>
    %max3A_739 = arith.maximumf %max3A_731, %max3A_735 : vector<8x4096xf32>
    %min3A_740 = arith.minimumf %max3A_731, %max3A_735 : vector<8x4096xf32>
    %max3A_741 = arith.maximumf %max3A_732, %max3A_736 : vector<8x4096xf32>
    %min3A_742 = arith.minimumf %max3A_732, %max3A_736 : vector<8x4096xf32>
    %max3A_743 = arith.maximumf %max3A_733, %max3A_737 : vector<8x4096xf32>
    %min3A_744 = arith.minimumf %max3A_733, %max3A_737 : vector<8x4096xf32>
    %max3A_745 = arith.maximumf %max3A_734, %max3A_738 : vector<8x4096xf32>
    %min3A_746 = arith.minimumf %max3A_734, %max3A_738 : vector<8x4096xf32>
    %max3A_747 = arith.maximumf %max3A_739, %max3A_743 : vector<8x4096xf32>
    %max3A_748 = arith.maximumf %max3A_741, %max3A_745 : vector<8x4096xf32>
    %min3A_749 = arith.minimumf %min3A_740, %min3A_744 : vector<8x4096xf32>
    %min3A_750 = arith.minimumf %min3A_742, %min3A_746 : vector<8x4096xf32>
    %max3A_751 = arith.maximumf %max3A_747, %max3A_748 : vector<8x4096xf32>
    %min3A_752 = arith.minimumf %min3A_749, %min3A_750 : vector<8x4096xf32>
    %reshape3A = vector.shape_cast %transpose3A : vector<512x4096xf32> to vector<64x8x4096xf32>
    %broadcast_in_dim3A = vector.shape_cast %min3A_752 : vector<8x4096xf32> to vector<1x8x4096xf32>
    %ge3A = vector.broadcast %broadcast_in_dim3A : vector<1x8x4096xf32> to vector<64x8x4096xf32>
    %ge3A_753 = arith.cmpf oge, %reshape3A, %ge3A : vector<64x8x4096xf32>
    %reshape3A_754 = vector.shape_cast %ge3A_753 : vector<64x8x4096xi1> to vector<512x4096xi1>
    %convert_element_type3A_755 = arith.extui %reshape3A_754 : vector<512x4096xi1> to vector<512x4096xi32>
    %convert_element_type3A_756 = arith.sitofp %convert_element_type3A_755 : vector<512x4096xi32> to vector<512x4096xf32>
    %reduce_sum3A = arith.constant dense<0.000000e+00> : vector<4096xf32>
    %reduce_sum3A_757 = vector.multi_reduction <add>, %convert_element_type3A_756, %reduce_sum3A [0] : vector<512x4096xf32> to vector<4096xf32>
    %broadcast_in_dim3A_758 = vector.shape_cast %reduce_sum3A_757 : vector<4096xf32> to vector<1x4096xf32>
    %broadcast_in_dim3A_759 = vector.shape_cast %max3A_751 : vector<8x4096xf32> to vector<1x8x4096xf32>
    %sub3A = vector.broadcast %broadcast_in_dim3A_759 : vector<1x8x4096xf32> to vector<64x8x4096xf32>
    %sub3A_760 = arith.subf %reshape3A, %sub3A : vector<64x8x4096xf32>
    %exp3A = math.exp %sub3A_760 : vector<64x8x4096xf32>
    %reshape3A_761 = vector.shape_cast %exp3A : vector<64x8x4096xf32> to vector<512x4096xf32>
    %jit3A = arith.constant 0.000000e+00 : f32
    %broadcast_in_dim3A_762 = vector.broadcast %jit3A : f32 to vector<512x4096xf32>
    %select_n3A = arith.select %reshape3A_754, %reshape3A_761, %broadcast_in_dim3A_762 : vector<512x4096xi1>, vector<512x4096xf32>
    %swap3A = arith.constant 0 : index
    %swap3A_763 = arith.constant 0 : index
    %swap3A_764 = vector.load %arg7[%swap3A, %swap3A_763] : memref<512x4096xf32, #tpu.memory_space<vmem>>, vector<512x4096xf32>
    tpu.vector_store %arg7[%swap3A, %swap3A_763], %select_n3A {strides = array<i32>} : memref<512x4096xf32, #tpu.memory_space<vmem>>, vector<512x4096xf32>,
    %reduce_max3A = vector.shape_cast %broadcast_in_dim3A_758 : vector<1x4096xf32> to vector<1x1x4096xf32>
    %reduce_max3A_765 = arith.constant dense<0xFF800000> : vector<1xf32>
    %reduce_max3A_766 = vector.multi_reduction <maximumf>, %reduce_max3A, %reduce_max3A_765 [1, 2] : vector<1x1x4096xf32> to vector<1xf32>
    %reduce_max3A_767 = vector.shape_cast %reduce_max3A_766 : vector<1xf32> to vector<1x1x1xf32>
    %reduce_max3A_768 = vector.extract %reduce_max3A_767[0, 0, 0] : f32 from vector<1x1x1xf32>
    %gt3A = arith.constant 8.000000e+00 : f32
    %gt3A_769 = arith.cmpf ogt, %reduce_max3A_768, %gt3A : f32
    %convert_element_type3A_770 = arith.extui %gt3A_769 : i1 to i32
    %cond3A_771 = arith.constant 0 : i32
    %cond3A_772 = arith.cmpi ne, %convert_element_type3A_770, %cond3A_771 : i32
    scf.if %cond3A_772 {
      %broadcast_in_dim3A_787 = vector.shape_cast %min3A_752 : vector<8x4096xf32> to vector<1x8x4096xf32>
      %eq3A_788 = vector.broadcast %broadcast_in_dim3A_787 : vector<1x8x4096xf32> to vector<64x8x4096xf32>
      %eq3A_789 = arith.cmpf oeq, %reshape3A, %eq3A_788 : vector<64x8x4096xf32>
      %reshape3A_790 = vector.shape_cast %eq3A_789 : vector<64x8x4096xi1> to vector<512x4096xi1>
      %convert_element_type3A_791 = arith.extui %reshape3A_790 : vector<512x4096xi1> to vector<512x4096xi32>
      %convert_element_type3A_792 = arith.sitofp %convert_element_type3A_791 : vector<512x4096xi32> to vector<512x4096xf32>
      %sub3A_793 = arith.constant 8.000000e+00 : f32
      %sub3A_794 = vector.broadcast %sub3A_793 : f32 to vector<1x4096xf32>
      %sub3A_795 = arith.subf %broadcast_in_dim3A_758, %sub3A_794 : vector<1x4096xf32>
      %dot_general3A_796 = arith.constant dense<0.000000e+00> : vector<512x4096xf32>
      %dot_general3A_797 = tpu.matmul %get3A_6, %convert_element_type3A_792, %dot_general3A_796 {dimension_numbers = #tpu.dot_dimension_numbers<[1], [0], [0], [1], [0, 0, 1, 1], [], []>, transpose_lhs_hint = false} : vector<512x512xf32>, vector<512x4096xf32>, vector<512x4096xf32> -> vector<512x4096xf32>
      %gt3A_798 = arith.constant 0.000000e+00 : f32
      %gt3A_799 = vector.broadcast %gt3A_798 : f32 to vector<512x4096xf32>
      %gt3A_800 = arith.cmpf ogt, %convert_element_type3A_792, %gt3A_799 : vector<512x4096xf32>
      %le3A = vector.broadcast %sub3A_795 : vector<1x4096xf32> to vector<512x4096xf32>
      %le3A_801 = arith.cmpf ole, %dot_general3A_797, %le3A : vector<512x4096xf32>
      %and3A = arith.andi %gt3A_800, %le3A_801 : vector<512x4096xi1>
      %get3A_802 = arith.constant 0 : index
      %get3A_803 = arith.constant 0 : index
      %get3A_804 = vector.load %arg7[%get3A_802, %get3A_803] : memref<512x4096xf32, #tpu.memory_space<vmem>>, vector<512x4096xf32>
      %jit3A_805 = arith.constant 0.000000e+00 : f32
      %broadcast_in_dim3A_806 = vector.broadcast %jit3A_805 : f32 to vector<512x4096xf32>
      %select_n3A_807 = arith.select %and3A, %broadcast_in_dim3A_806, %get3A_804 : vector<512x4096xi1>, vector<512x4096xf32>
      %swap3A_808 = arith.constant 0 : index
      %swap3A_809 = arith.constant 0 : index
      %swap3A_810 = vector.load %arg7[%swap3A_808, %swap3A_809] : memref<512x4096xf32, #tpu.memory_space<vmem>>, vector<512x4096xf32>
      tpu.vector_store %arg7[%swap3A_808, %swap3A_809], %select_n3A_807 {strides = array<i32>} : memref<512x4096xf32, #tpu.memory_space<vmem>>, vector<512x4096xf32>,
    } else {
    }
    %get3A_773 = arith.constant 0 : index
    %get3A_774 = arith.constant 0 : index
    %get3A_775 = vector.load %arg7[%get3A_773, %get3A_774] : memref<512x4096xf32, #tpu.memory_space<vmem>>, vector<512x4096xf32>
    %reduce_sum3A_776 = arith.constant dense<0.000000e+00> : vector<4096xf32>
    %reduce_sum3A_777 = vector.multi_reduction <add>, %get3A_775, %reduce_sum3A_776 [0] : vector<512x4096xf32> to vector<4096xf32>
    %broadcast_in_dim3A_778 = vector.shape_cast %reduce_sum3A_777 : vector<4096xf32> to vector<1x4096xf32>
    %div3A = vector.broadcast %broadcast_in_dim3A_778 : vector<1x4096xf32> to vector<512x4096xf32>
    %div3A_779 = arith.divf %get3A_775, %div3A : vector<512x4096xf32>
    %get3A_780 = arith.constant 0 : index
    %get3A_781 = arith.constant 0 : index
    %get3A_782 = vector.load %arg5[%get3A_780, %get3A_781] : memref<512x64xf32, #tpu.memory_space<vmem>>, vector<512x64xf32>
    %dot_general3A = arith.constant dense<0.000000e+00> : vector<4096x64xf32>
    %dot_general3A_783 = tpu.matmul %div3A_779, %get3A_782, %dot_general3A {dimension_numbers = #tpu.dot_dimension_numbers<[0], [0], [1], [1], [0, 1, 1, 1], [], []>, transpose_lhs_hint = false} : vector<512x4096xf32>, vector<512x64xf32>, vector<4096x64xf32> -> vector<4096x64xf32>
    %swap3A_784 = arith.constant 0 : index
    %swap3A_785 = arith.constant 0 : index
    %swap3A_786 = vector.load %arg4[%swap3A_784, %swap3A_785] : memref<4096x64xf32, #tpu.memory_space<vmem>>, vector<4096x64xf32>
    tpu.vector_store %arg4[%swap3A_784, %swap3A_785], %dot_general3A_783 {strides = array<i32>} : memref<4096x64xf32, #tpu.memory_space<vmem>>, vector<4096x64xf32>,
    return
  }
  func.func @transform_0(%arg0: i32) -> (i32, i32) {
    %c0_i32 = arith.constant 0 : i32
    %c0_i32_0 = arith.constant 0 : i32
    return %arg0, %c0_i32 : i32, i32
  }
  func.func @transform_1(%arg0: i32) -> (i32, i32) {
    %c0_i32 = arith.constant 0 : i32
    %c0_i32_0 = arith.constant 0 : i32
    %c0_i32_1 = arith.constant 0 : i32
    return %c0_i32, %c0_i32_0 : i32, i32
  }
  func.func @transform_2(%arg0: i32) -> (i32, i32) {
    %c0_i32 = arith.constant 0 : i32
    %c0_i32_0 = arith.constant 0 : i32
    %c0_i32_1 = arith.constant 0 : i32
    return %c0_i32, %c0_i32_0 : i32, i32
  }
  func.func @transform_3(%arg0: i32) -> (i32, i32) {
    %c0_i32 = arith.constant 0 : i32
    %c0_i32_0 = arith.constant 0 : i32
    return %arg0, %c0_i32 : i32, i32
  }
}

</mosaic_0001>

<sc_bundles>
// kernel: kernel.6.cloned.1.call-start
scs
__scs_entry_jumppad:
0x0: {  	(pc) =	sbr.rel $0x88, $3  }
0x1: {  	(tag) =	ssettag $0x0;
	lr =	simm.s32 $0x1  }
0x2: {  	[smem:$0x3F9D] =	sst lr;
	_ =	strace $0xD0000000  }
0x3: {  	_ = 	snop  }
0x4: {  	_ = 	snop  }
0x5: {  	_ = 	snop  }
0x6: {  	_ = 	snop  }
0x7: {  	_ = 	snop  }
__scs_overlays_trampoline_lowered:
0x8: {  	[smem:$0x3FAC] =	sst s0  }
0x9: {  	[smem:$0x3FAD] =	sst s1  }
0xa: {  	[smem:$0x3FAE] =	sst s2  }
0xb: {  	[smem:$0x3FAF] =	sst s3  }
0xc: {  	[smem:$0x3FB0] =	sst s4  }
0xd: {  	[smem:$0x3FB1] =	sst s5  }
0xe: {  	[smem:$0x3FB2] =	sst s6  }
0xf: {  	[smem:$0x3FB3] =	sst s7  }
0x10: {  	[smem:$0x3FB4] =	sst s8  }
0x11: {  	[smem:$0x3FB5] =	sst s9;
	s0 =	simm.s32 @!p0 $0x0  }
0x12: {  	s1 =	sld [smem:$0x3F9B];
	s0 =	simm.s32 @p0 $0x1  }
0x13: {  	[smem:$0x3FB6] =	sst s0;
	s0 =	simm.s32 @!p1 $0x0  }
0x14: {  	s2 =	sld [smem:$0x3F9A];
	s0 =	simm.s32 @p1 $0x1  }
0x15: {  	[smem:$0x3FB7] =	sst s0;
	s0 =	simm.s32 @!p2 $0x0  }
0x16: {  	s3 =	sld [smem:$0x3FDB];
	s0 =	simm.s32 @p2 $0x1  }
0x17: {  	s4 =	simm.s32 $0x1BF5;
	[smem:$0x3FB9] =	sst s0  }
0x18: {  	s0 =	sld [smem:$0x3F9C];
	_ =	swait.ge [sflag:s4], $0x0  }
0x19: {  	s7 =	sld [smem:$0x3F9D]  }
0x1a: {  	s8 =	sadd.s32 $0xFFFFE003, lr  }
0x1b: {  	s9 =	sadd.s32 $0xFFFFFEF7, lr;
	s5 =	simm.s32 $0xFFFFFFFF;
	p2 =	slt.u32 s8, $0xFFFFF086  }
0x1c: {  	p1 =	slt.u32 s9, $0xF7A;
	s5 =	simm.s32 @!p2 $0x0  }
0x1d: {  	s5 =	simm.s32 @p1 $0x1;
	p0 =	seq.s32 s7, s2  }
0x1e: {  	s7 =	smul.u32 @!p0 $0xF7A, s2;
	p2 =	seq.s32 @!p0 s5, $0x0  }
0x1f: {  	s9 =	smul.u32 $0xF7A, s1;
	s8 =	simm.s32 @!p0 $0x1BF5;
	p2 =	por !p2, p0  }
0x20: {  	[sflag:s8] =	ssyncset.s32 @!p0 $0xFFFFF086;
	s6 =	sadd.s32 @!p0 s3, s7;
	s7 =	simm.s32 @!p0 $0x108  }
0x21: {  	s3 =	sadd.s32 s3, s9;
	s6 =	sadd.s32 @!p0 $0x88, s6;
	s7 =	simm.s32 @p2 $0x1082  }
0x22: {  	[simem:s7], [sflag:s8] =	dma.local @!p0 [hbm:s6], $0xF7A  }
0x23: {  	s9 =	sor.u32 $0xD0000000, s2;
	s6 =	simm.s32 $0x108;
	_ =	swait.ge @!p0 [sflag:s8], $0x0  }
0x24: {  	s3 =	sadd.s32 $0x88, s3;
	s6 =	simm.s32 @!p1 $0x1082;
	[sflag:s4] =	ssyncset.s32 $0xFFFFF086  }
0x25: {  	[simem:s6], [sflag:s4] =	dma.local [hbm:s3], $0xF7A  }
0x26: {  	[smem:$0x3F9D] =	sst s1;
	(tag) =	ssettag s2;
	_ =	strace s9  }
0x27: {  	s1 =	sld [smem:$0x3FAD]  }
0x28: {  	s2 =	sld [smem:$0x3FAE]  }
0x29: {  	s4 =	sld [smem:$0x3FB0]  }
0x2a: {  	p0 =	seq.s32 s5, $0x0;
	s5 =	sld [smem:$0x3FB1]  }
0x2b: {  	s6 =	sld [smem:$0x3FB2]  }
0x2c: {  	s7 =	sld [smem:$0x3FB3]  }
0x2d: {  	s3 =	simm.s32 $0x108;
	s8 =	sld [smem:$0x3FB4]  }
0x2e: {  	s3 =	simm.s32 @!p0 $0x1082;
	s9 =	sld [smem:$0x3FB5]  }
0x2f: {  	lr =	sadd.s32 s0, s3;
	s0 =	sld [smem:$0x3FAC]  }
0x30: {  	s3 =	sld [smem:$0x3FAF]  }
0x31: {  	[smem:$0x3FB8] =	sst s10  }
0x32: {  	s10 =	sld [smem:$0x3FB6];
	_ =	sdelay $0x3  }
0x33: {  	p0 =	seq.s32 s10, $0x1;
	s10 =	sld [smem:$0x3FB8];
	_ =	sdelay $0x3  }
0x34: {  	[smem:$0x3FB8] =	sst s10  }
0x35: {  	s10 =	sld [smem:$0x3FB7];
	_ =	sdelay $0x3  }
0x36: {  	p1 =	seq.s32 s10, $0x1;
	s10 =	sld [smem:$0x3FB8];
	_ =	sdelay $0x3  }
0x37: {  	[smem:$0x3FB8] =	sst s10  }
0x38: {  	s10 =	sld [smem:$0x3FB9]  }
0x39: {  	_ = 	snop;
	(pc) =	sbr.ind lr, $3  }
0x3a: {  	_ = 	snop  }
0x3b: {  	_ = 	snop  }
0x3c: {  	p2 =	seq.s32 s10, $0x1;
	s10 =	sld [smem:$0x3FB8]  }
0x3d: {  	_ =	shalt  }
0x3e: {  	_ =	shalt  }
0x3f: {  	_ =	shalt  }
0x40: {  	_ =	shalt  }
0x41: {  	_ =	shalt  }
0x42: {  	_ =	shalt  }
0x43: {  	_ =	shalt  }
0x44: {  	_ =	shalt  }
0x45: {  	_ =	shalt  }
0x46: {  	_ =	shalt  }
0x47: {  	_ =	shalt  }
0x48: {  	_ =	shalt  }
0x49: {  	_ =	shalt  }
0x4a: {  	_ =	shalt  }
0x4b: {  	_ =	shalt  }
0x4c: {  	_ =	shalt  }
0x4d: {  	_ =	shalt  }
0x4e: {  	_ =	shalt  }
0x4f: {  	_ =	shalt  }
0x50: {  	_ =	shalt  }
0x51: {  	_ =	shalt  }
0x52: {  	_ =	shalt  }
0x53: {  	_ =	shalt  }
0x54: {  	_ =	shalt  }
0x55: {  	_ =	shalt  }
0x56: {  	_ =	shalt  }
0x57: {  	_ =	shalt  }
0x58: {  	_ =	shalt  }
0x59: {  	_ =	shalt  }
0x5a: {  	_ =	shalt  }
0x5b: {  	_ =	shalt  }
0x5c: {  	_ =	shalt  }
0x5d: {  	_ =	shalt  }
0x5e: {  	_ =	shalt  }
0x5f: {  	_ =	shalt  }
0x60: {  	_ =	shalt  }
0x61: {  	_ =	shalt  }
0x62: {  	_ =	shalt  }
0x63: {  	_ =	shalt  }
0x64: {  	_ =	shalt  }
0x65: {  	_ =	shalt  }
0x66: {  	_ =	shalt  }
0x67: {  	_ =	shalt  }
0x68: {  	_ =	shalt  }
0x69: {  	_ =	shalt  }
0x6a: {  	_ =	shalt  }
0x6b: {  	_ =	shalt  }
0x6c: {  	_ =	shalt  }
0x6d: {  	_ =	shalt  }
0x6e: {  	_ =	shalt  }
0x6f: {  	_ =	shalt  }
0x70: {  	_ =	shalt  }
0x71: {  	_ =	shalt  }
0x72: {  	_ =	shalt  }
0x73: {  	_ =	shalt  }
0x74: {  	_ =	shalt  }
0x75: {  	_ =	shalt  }
0x76: {  	_ =	shalt  }
0x77: {  	_ =	shalt  }
0x78: {  	_ =	shalt  }
0x79: {  	_ =	shalt  }
0x7a: {  	_ =	shalt  }
0x7b: {  	_ =	shalt  }
0x7c: {  	_ =	shalt  }
0x7d: {  	_ =	shalt  }
0x7e: {  	_ =	shalt  }
0x7f: {  	_ =	shalt  }
0x80: {  	_ =	shalt  }
0x81: {  	_ =	shalt  }
0x82: {  	_ =	shalt  }
0x83: {  	_ =	shalt  }
0x84: {  	_ =	shalt  }
0x85: {  	_ =	shalt  }
0x86: {  	_ =	shalt  }
0x87: {  	_ =	shalt  }
.Lfunc_end0:
.L_simem_size_0:
called_computation_lowered:
.L_overlay_start_0:
0x88: {  	s2 =	sld [smem:$0x3FD9]  }
0x89: {  	s3 =	sld [smem:$0x3FFE];
	_ =	sdelay $0x1  }
0x8a: {  	s1 =	srdreg.scid  }
0x8b: {  	s0 =	sand.u32 $0x1, s1  }
0x8c: {  	s17 =	sshll.u32 s0, $0xA;
	s2 =	sadd.s32 s3, s2  }
0x8d: {  	s2 =	sadd.s32 s2, s17  }
0x8e: {  	[smem:$0x3FC4] =	sst s2  }
0x8f: {  	_ = 	snop  }
0x90: {  	s2 =	sld [smem:$0x3FC7]  }
0x91: {  	s18 =	sld [smem:$0x3FD0];
	(tm) =	ssettm $0x1  }
0x92: {  	s4 =	sld [smem:$0x3FFB];
	_ =	sdelay $0x3  }
0x93: {  	_ =	strace s4  }
0x94: {  	s4 =	sld [smem:$0x3FFC];
	_ =	sdelay $0x3  }
0x95: {  	_ =	strace s4  }
0x96: {  	s4 =	sld [smem:$0x3FFD];
	_ =	sdelay $0x3  }
0x97: {  	_ =	strace s4  }
0x98: {  	_ =	strace $0x8FFFFFFF  }
0x99: {  	s19 =	sld [smem:$0x3FDB];
	_ =	sdelay $0x1  }
0x9a: {  	s5 =	simm.s32 $_scs_section_size  }
0x9b: {  	s6 =	simm.s32 $_size__tile_overlayer_lowered;
	s7 =	simm.s32 $_tile_overlayer_lowered  }
0x9c: {  	s22 =	simm.s32 $0x1BFF;
	s21 =	sshll.u32 s7, $0x1;
	s4 =	sadd.s32 s5, s19  }
0x9d: {  	s8 =	simm.s32 $0x0;
	s20 =	sshll.u32 s6, $0x1;
	s6 =	sadd.s32 s21, s4  }
0x9e: {  	[timem:s8], [sflag:s22] =	dma.local [hbm:s6], s20  }
0x9f: {  	_ =	swait.ge [sflag:s22], s20  }
0xa0: {  	s5 =	ssub.s32 $0x0, s20;
	[sflag:s22] =	ssyncset.done $0x0  }
0xa1: {  	[sflag:s22] =	ssyncadd.s32 s5;
	_ =	sdelay $0x1  }
0xa2: {  	s23 =	simm.s32 $0x1B8B  }
0xa3: {  	_ =	swait.ge [sflag:s23], $0x1  }
0xa4: {  	[sflag:s23] =	ssyncset.done $0x0  }
0xa5: {  	s25 =	simm.s32 $0x1B8E;
	s24 =	sld [smem:$0x3FFE];
	[sflag:s23] =	ssyncadd.s32 $0xFFFFFFFF  }
0xa6: {  	s26 =	simm.s32 $execute0_lowered;
	[smem:$0x3FD2] =	sst s25  }
0xa7: {  	s6 =	sshll.u32 s26, $0x1;
	_ =	strace $0x80000046;
	[dreg:$0x1] =	wrdreg $0xFFFFFFFF  }
0xa8: {  	s28 =	simm.s32 $_size_execute0_lowered;
	s4 =	sadd.s32 s4, s6;
	[dreg:$0x0] =	wrdreg $0x0  }
0xa9: {  	s6 =	sshll.u32 s28, $0x1;
	[dreg:$0x2] =	wrdreg s4  }
0xaa: {  	[dreg:$0x3] =	wrdreg s6  }
0xab: {  	[dreg:$0x4] =	wrdreg $0xC0  }
0xac: {  	_ =	task [dreg:s8], $0x5FFFF  }
0xad: {  	[dreg:$0x1] =	wrdreg $0xFFFFFFFF  }
0xae: {  	[dreg:$0x0] =	wrdreg $0x60  }
0xaf: {  	[dreg:$0x2] =	wrdreg s2  }
0xb0: {  	[dreg:$0x3] =	wrdreg s18  }
0xb1: {  	[dreg:$0x4] =	wrdreg s24  }
0xb2: {  	[dreg:$0x5] =	wrdreg $0x9  }
0xb3: {  	_ =	task.clear_ibuf [dreg:s8], $0x6FFFF;
	_ =	strace $0x90000046  }
0xb4: {  	s29 =	simm.s32 $0x9;
	_ =	strace $0x80000048  }
0xb5: {  	_ =	swait.ge [sflag:s29], $0x1  }
0xb6: {  	[sflag:s29] =	ssyncadd.s32 $0xFFFFFFFF  }
0xb7: {  	_ =	strace $0x90000048  }
0xb8: {  	_ =	sfence  }
0xb9: {  	s30 =	sld [smem:$0x0];
	_ =	sdelay $0x2  }
0xba: {  	s31 =	sshll.u32 s1, $0xD;
	s1 =	sshrl.u32 s1, $0x2  }
0xbb: {  	s3 =	sand.u32 $0x4000, s31;
	s1 =	sadd.s32 s1, s30  }
0xbc: {  	s0 =	sor.u32 s3, s0;
	s1 =	sshll.u32 s1, $0x11  }
0xbd: {  	s0 =	sor.u32 s1, s0  }
0xbe: {  	s0 =	sadd.s32 $0x8F2B, s0  }
0xbf: {  	[sflag:s0] =	ssyncadd.remote.s32 $0x1  }
0xc0: {  	_ =	sfence.sel $0xFFFF  }
0xc1: {  	[dreg:$0x0] =	wrdreg $0xFFFFFFFF;
	(pc) =	sbr.abs _section_cstart, $3  }
0xc2: {  	[dreg:$0x1] =	wrdreg $0xFFFFFFFF  }
0xc3: {  	_ =	task.clear_ibuf [dreg:s8], $0x2FFFF;
	_ =	strace $0x9FFFFFFF  }
0xc4: {  	(tm) =	ssettm $0x7FFFFFFF  }
0xc5: {  	_ =	shalt  }
tec
execute0_lowered:
.L_overlay_start_1:
0x0: {  	(tag) =	ssettag $0x1  }
0x1: {  	s1 =	rddreg [dreg:$0x0]  }
0x2: {  	s0 =	srdreg.scid;
	s2 =	rddreg [dreg:$0x1]  }
0x3: {  	s3 =	stileid.u32;
	s4 =	rddreg [dreg:$0x2]  }
0x4: {  	s15 =	simm.s32 $0x3;
	s16 =	simm.s32 $0x2;
	s17 =	simm.s32 $0x4  }
0x5: {  	s19 =	simm.s32 $0x900;
	s20 =	simm.s32 $0x1100;
	s21 =	simm.s32 $0x1900  }
0x6: {  	s28 =	simm.s32 $0x4100;
	s29 =	simm.s32 $0x4900;
	s30 =	simm.s32 $0x5100  }
0x7: {  	s31 =	simm.s32 $0x5900;
	s8 =	simm.s32 $0x7100;
	s9 =	simm.s32 $0x7900  }
0x8: {  	s14 =	simm.s32 $0x8100;
	s10 =	simm.s32 $0x8900;
	s11 =	simm.s32 $0x9100  }
0x9: {  	s12 =	simm.s32 $0x9900;
	s13 =	simm.s32 $0xA100;
	s0 =	sand.u32 $0x1, s0  }
0xa: {  	s5 =	sshll.u32 s3, $0x9;
	s3 =	simm.s32 $0x0;
	s6 =	sshll.u32 s0, $0x8  }
0xb: {  	[smem:$0x7FF] =	sst s3;
	s0 =	ssub.s32 $0x2, s0;
	s5 =	sor.u32 s6, s5  }
0xc: {  	_ =	strace $0x80000047;
	s6 =	sshll.u32 s5, $0x6;
	s5 =	sshrl.u32 s5, $0x3  }
0xd: {  	s23 =	sshrl.u32 s0, $0x1;
	s6 =	sadd.s32 s6, s4;
	s2 =	sadd.s32 s2, s5  }
0xe: {  	s0 =	ssub.s32 s0, s23;
	[dreg:$0x4] =	wrdreg s2;
	s22 =	sadd.s32 $0x1600, s6  }
0xf: {  	s4 =	sadd.s32 $0x100, s1;
	s24 =	sadd.s32 $0x2600, s6;
	[dreg:$0x5] =	wrdreg s22  }
0x10: {  	s5 =	smax.u32 s0, $0x1;
	s25 =	sadd.s32 $0x3600, s6;
	[dreg:$0x6] =	wrdreg s24  }
0x11: {  	v2 =	vlaneseq.u32;
	s26 =	sadd.s32 $0x4600, s6;
	s6 =	simm.s32 $0x1;
	[dreg:$0x7] =	wrdreg s25  }
0x12: {  	vm0 =	vmmov $0xffff;
	v1 =	vshrl.u32 v2, $0x3;
	s2 =	simm.s32 $0x6100;
	[dreg:$0x8] =	wrdreg s26;
	s22 =	simm.s32 $0x2100  }
0x13: {  	v0 =	vand.u32 $0x7, v2;
	v2 =	vor.u32 $0x8, v2;
	v1 =	vmul.u32 $0x8, v1;
	s24 =	simm.s32 $0x2900;
	s25 =	simm.s32 $0x3100;
	s26 =	simm.s32 $0x3900  }
.LBB2_1:
0x14: {  	s18 =	rddreg [dreg:$0x4];
	s0 =	simm.s32 $0x5  }
0x15: {  	[tilespmem:s3], [sflag:$0x5] =	stream.linear.gather [hbm4b:s18+s3], $0x100, $0x38;
	[tilespmem:$0x10100] =	vst v63  }
0x16: {  	_ =	swait.ge [sflag:s0], $0x100  }
0x17: {  	[sflag:s0] =	ssyncset.done $0x0  }
0x18: {  	[sflag:s0] =	ssyncadd.s32 $0xFFFFFF00  }
0x19: {  	v3 =	vld [tilespmem:$0x0];
	_ =	sdelay $0x4  }
0x1a: {  	v4 =	vshll.u32 v3, $0x2  }
0x1b: {  	v3 =	vand.u32 $0x7, v3;
	v4 =	vand.u32 $0xFFFFFFE0, v4  }
0x1c: {  	v3 =	vor.u32 v3, v4  }
0x1d: {  	v4 =	vperm.xlane v3, v0;
	_ =	sdelay $0x1  }
0x1e: {  	v4 =	vadd.s32 v1, v4;
	_ =	sdelay $0x1  }
0x1f: {  	v3 =	vperm.xlane v3, v2;
	_ =	sdelay $0x1  }
0x20: {  	s18 =	simm.s32 $0x100;
	v3 =	vadd.s32 v1, v3  }
0x21: {  	[tilespmem:s18], [sflag:$0x1] =	stream.indirect_vreg.gather [hbm4b:s1+s3], $0x80, v4, vm0, $0xb8;
	[tilespmem:$0x10100] =	vst v63  }
0x22: {  	_ = 	snop  }
0x23: {  	[tilespmem:s19], [sflag:$0x1] =	stream.indirect_vreg.gather [hbm4b:s4+s3], $0x80, v4, vm0, $0xb8;
	[tilespmem:$0x10100] =	vst v63  }
0x24: {  	_ = 	snop  }
0x25: {  	[tilespmem:s20], [sflag:$0x1] =	stream.indirect_vreg.gather [hbm4b:s1+s3], $0x80, v3, vm0, $0xb8;
	[tilespmem:$0x10100] =	vst v63  }
0x26: {  	_ = 	snop  }
0x27: {  	[tilespmem:s21], [sflag:$0x1] =	stream.indirect_vreg.gather [hbm4b:s4+s3], $0x80, v3, vm0, $0xb8;
	[tilespmem:$0x10100] =	vst v63  }
0x28: {  	v3 =	vld [tilespmem:$0x10];
	_ =	sdelay $0x4  }
0x29: {  	v49 =	vshll.u32 v3, $0x2  }
0x2a: {  	v3 =	vand.u32 $0x7, v3;
	v4 =	vand.u32 $0xFFFFFFE0, v49  }
0x2b: {  	v3 =	vor.u32 v3, v4  }
0x2c: {  	v4 =	vperm.xlane v3, v0;
	_ =	sdelay $0x1  }
0x2d: {  	v4 =	vadd.s32 v1, v4;
	_ =	sdelay $0x1  }
0x2e: {  	v3 =	vperm.xlane v3, v2;
	_ =	sdelay $0x1  }
0x2f: {  	v3 =	vadd.s32 v1, v3  }
0x30: {  	[tilespmem:s22], [sflag:$0x1] =	stream.indirect_vreg.gather [hbm4b:s1+s3], $0x80, v4, vm0, $0xb8;
	[tilespmem:$0x10100] =	vst v63  }
0x31: {  	_ = 	snop  }
0x32: {  	[tilespmem:s24], [sflag:$0x1] =	stream.indirect_vreg.gather [hbm4b:s4+s3], $0x80, v4, vm0, $0xb8;
	[tilespmem:$0x10100] =	vst v63  }
0x33: {  	_ = 	snop  }
0x34: {  	[tilespmem:s25], [sflag:$0x1] =	stream.indirect_vreg.gather [hbm4b:s1+s3], $0x80, v3, vm0, $0xb8;
	[tilespmem:$0x10100] =	vst v63  }
0x35: {  	_ = 	snop  }
0x36: {  	[tilespmem:s26], [sflag:$0x1] =	stream.indirect_vreg.gather [hbm4b:s4+s3], $0x80, v3, vm0, $0xb8;
	[tilespmem:$0x10100] =	vst v63  }
0x37: {  	v3 =	vld [tilespmem:$0x20];
	_ =	sdelay $0x4  }
0x38: {  	v50 =	vshll.u32 v3, $0x2  }
0x39: {  	v3 =	vand.u32 $0x7, v3;
	v4 =	vand.u32 $0xFFFFFFE0, v50  }
0x3a: {  	v3 =	vor.u32 v3, v4  }
0x3b: {  	v4 =	vperm.xlane v3, v0;
	_ =	sdelay $0x1  }
0x3c: {  	v4 =	vadd.s32 v1, v4;
	_ =	sdelay $0x1  }
0x3d: {  	v3 =	vperm.xlane v3, v2;
	_ =	sdelay $0x1  }
0x3e: {  	v3 =	vadd.s32 v1, v3  }
0x3f: {  	[tilespmem:s28], [sflag:$0x1] =	stream.indirect_vreg.gather [hbm4b:s1+s3], $0x80, v4, vm0, $0xb8;
	[tilespmem:$0x10100] =	vst v63  }
0x40: {  	_ = 	snop  }
0x41: {  	[tilespmem:s29], [sflag:$0x1] =	stream.indirect_vreg.gather [hbm4b:s4+s3], $0x80, v4, vm0, $0xb8;
	[tilespmem:$0x10100] =	vst v63  }
0x42: {  	_ = 	snop  }
0x43: {  	[tilespmem:s30], [sflag:$0x1] =	stream.indirect_vreg.gather [hbm4b:s1+s3], $0x80, v3, vm0, $0xb8;
	[tilespmem:$0x10100] =	vst v63  }
0x44: {  	_ = 	snop  }
0x45: {  	[tilespmem:s31], [sflag:$0x1] =	stream.indirect_vreg.gather [hbm4b:s4+s3], $0x80, v3, vm0, $0xb8;
	[tilespmem:$0x10100] =	vst v63  }
0x46: {  	v3 =	vld [tilespmem:$0x30];
	_ =	sdelay $0x4  }
0x47: {  	v51 =	vshll.u32 v3, $0x2  }
0x48: {  	v3 =	vand.u32 $0x7, v3;
	v4 =	vand.u32 $0xFFFFFFE0, v51  }
0x49: {  	v3 =	vor.u32 v3, v4  }
0x4a: {  	v4 =	vperm.xlane v3, v0;
	_ =	sdelay $0x1  }
0x4b: {  	v4 =	vadd.s32 v1, v4;
	_ =	sdelay $0x1  }
0x4c: {  	v3 =	vperm.xlane v3, v2;
	_ =	sdelay $0x1  }
0x4d: {  	v3 =	vadd.s32 v1, v3  }
0x4e: {  	[tilespmem:s2], [sflag:$0x1] =	stream.indirect_vreg.gather [hbm4b:s1+s3], $0x80, v4, vm0, $0xb8;
	[tilespmem:$0x10100] =	vst v63  }
0x4f: {  	s0 =	simm.s32 $0x6900  }
0x50: {  	[tilespmem:s0], [sflag:$0x1] =	stream.indirect_vreg.gather [hbm4b:s4+s3], $0x80, v4, vm0, $0xb8;
	[tilespmem:$0x10100] =	vst v63  }
0x51: {  	_ = 	snop  }
0x52: {  	[tilespmem:s8], [sflag:$0x1] =	stream.indirect_vreg.gather [hbm4b:s1+s3], $0x80, v3, vm0, $0xb8;
	[tilespmem:$0x10100] =	vst v63  }
0x53: {  	_ = 	snop  }
0x54: {  	[tilespmem:s9], [sflag:$0x1] =	stream.indirect_vreg.gather [hbm4b:s4+s3], $0x80, v3, vm0, $0xb8;
	[tilespmem:$0x10100] =	vst v63  }
0x55: {  	v3 =	vld [tilespmem:$0x40];
	_ =	sdelay $0x4  }
0x56: {  	v52 =	vshll.u32 v3, $0x2  }
0x57: {  	v3 =	vand.u32 $0x7, v3;
	v4 =	vand.u32 $0xFFFFFFE0, v52  }
0x58: {  	v3 =	vor.u32 v3, v4  }
0x59: {  	v4 =	vperm.xlane v3, v0;
	_ =	sdelay $0x1  }
0x5a: {  	v4 =	vadd.s32 v1, v4;
	_ =	sdelay $0x1  }
0x5b: {  	v3 =	vperm.xlane v3, v2;
	_ =	sdelay $0x1  }
0x5c: {  	v3 =	vadd.s32 v1, v3  }
0x5d: {  	[tilespmem:s14], [sflag:$0x2] =	stream.indirect_vreg.gather [hbm4b:s1+s3], $0x80, v4, vm0, $0xb8;
	[tilespmem:$0x10100] =	vst v63  }
0x5e: {  	_ = 	snop  }
0x5f: {  	[tilespmem:s10], [sflag:$0x2] =	stream.indirect_vreg.gather [hbm4b:s4+s3], $0x80, v4, vm0, $0xb8;
	[tilespmem:$0x10100] =	vst v63  }
0x60: {  	_ = 	snop  }
0x61: {  	[tilespmem:s11], [sflag:$0x2] =	stream.indirect_vreg.gather [hbm4b:s1+s3], $0x80, v3, vm0, $0xb8;
	[tilespmem:$0x10100] =	vst v63  }
0x62: {  	_ = 	snop  }
0x63: {  	[tilespmem:s12], [sflag:$0x2] =	stream.indirect_vreg.gather [hbm4b:s4+s3], $0x80, v3, vm0, $0xb8;
	[tilespmem:$0x10100] =	vst v63  }
0x64: {  	v3 =	vld [tilespmem:$0x50];
	_ =	sdelay $0x4  }
0x65: {  	v53 =	vshll.u32 v3, $0x2  }
0x66: {  	v3 =	vand.u32 $0x7, v3;
	v4 =	vand.u32 $0xFFFFFFE0, v53  }
0x67: {  	v3 =	vor.u32 v3, v4  }
0x68: {  	v4 =	vperm.xlane v3, v0;
	_ =	sdelay $0x1  }
0x69: {  	v4 =	vadd.s32 v1, v4;
	_ =	sdelay $0x1  }
0x6a: {  	v3 =	vperm.xlane v3, v2;
	_ =	sdelay $0x1  }
0x6b: {  	v3 =	vadd.s32 v1, v3  }
0x6c: {  	[tilespmem:s13], [sflag:$0x2] =	stream.indirect_vreg.gather [hbm4b:s1+s3], $0x80, v4, vm0, $0xb8;
	[tilespmem:$0x10100] =	vst v63  }
0x6d: {  	s7 =	simm.s32 $0xA900  }
0x6e: {  	[tilespmem:s7], [sflag:$0x2] =	stream.indirect_vreg.gather [hbm4b:s4+s3], $0x80, v4, vm0, $0xb8;
	[tilespmem:$0x10100] =	vst v63  }
0x6f: {  	s7 =	simm.s32 $0xB100  }
0x70: {  	[tilespmem:s7], [sflag:$0x2] =	stream.indirect_vreg.gather [hbm4b:s1+s3], $0x80, v3, vm0, $0xb8;
	[tilespmem:$0x10100] =	vst v63  }
0x71: {  	s23 =	simm.s32 $0xB900  }
0x72: {  	[tilespmem:s23], [sflag:$0x2] =	stream.indirect_vreg.gather [hbm4b:s4+s3], $0x80, v3, vm0, $0xb8;
	[tilespmem:$0x10100] =	vst v63  }
0x73: {  	v3 =	vld [tilespmem:$0x60];
	_ =	sdelay $0x4  }
0x74: {  	v54 =	vshll.u32 v3, $0x2  }
0x75: {  	v3 =	vand.u32 $0x7, v3;
	v4 =	vand.u32 $0xFFFFFFE0, v54  }
0x76: {  	v3 =	vor.u32 v3, v4  }
0x77: {  	v4 =	vperm.xlane v3, v0;
	_ =	sdelay $0x1  }
0x78: {  	v4 =	vadd.s32 v1, v4;
	_ =	sdelay $0x1  }
0x79: {  	v3 =	vperm.xlane v3, v2;
	_ =	sdelay $0x1  }
0x7a: {  	s23 =	simm.s32 $0xC100;
	v3 =	vadd.s32 v1, v3  }
0x7b: {  	[tilespmem:s23], [sflag:$0x2] =	stream.indirect_vreg.gather [hbm4b:s1+s3], $0x80, v4, vm0, $0xb8;
	[tilespmem:$0x10100] =	vst v63  }
0x7c: {  	s23 =	simm.s32 $0xC900  }
0x7d: {  	[tilespmem:s23], [sflag:$0x2] =	stream.indirect_vreg.gather [hbm4b:s4+s3], $0x80, v4, vm0, $0xb8;
	[tilespmem:$0x10100] =	vst v63  }
0x7e: {  	s23 =	simm.s32 $0xD100  }
0x7f: {  	[tilespmem:s23], [sflag:$0x2] =	stream.indirect_vreg.gather [hbm4b:s1+s3], $0x80, v3, vm0, $0xb8;
	[tilespmem:$0x10100] =	vst v63  }
0x80: {  	s23 =	simm.s32 $0xD900  }
0x81: {  	[tilespmem:s23], [sflag:$0x2] =	stream.indirect_vreg.gather [hbm4b:s4+s3], $0x80, v3, vm0, $0xb8;
	[tilespmem:$0x10100] =	vst v63  }
0x82: {  	v3 =	vld [tilespmem:$0x70];
	_ =	sdelay $0x4  }
0x83: {  	v55 =	vshll.u32 v3, $0x2  }
0x84: {  	v3 =	vand.u32 $0x7, v3;
	v4 =	vand.u32 $0xFFFFFFE0, v55  }
0x85: {  	v3 =	vor.u32 v3, v4  }
0x86: {  	v4 =	vperm.xlane v3, v0;
	_ =	sdelay $0x1  }
0x87: {  	v4 =	vadd.s32 v1, v4;
	_ =	sdelay $0x1  }
0x88: {  	v3 =	vperm.xlane v3, v2;
	_ =	sdelay $0x1  }
0x89: {  	s23 =	simm.s32 $0xE100;
	v3 =	vadd.s32 v1, v3  }
0x8a: {  	[tilespmem:s23], [sflag:$0x2] =	stream.indirect_vreg.gather [hbm4b:s1+s3], $0x80, v4, vm0, $0xb8;
	[tilespmem:$0x10100] =	vst v63  }
0x8b: {  	s23 =	simm.s32 $0xE900  }
0x8c: {  	[tilespmem:s23], [sflag:$0x2] =	stream.indirect_vreg.gather [hbm4b:s4+s3], $0x80, v4, vm0, $0xb8;
	[tilespmem:$0x10100] =	vst v63  }
0x8d: {  	s23 =	simm.s32 $0xF100  }
0x8e: {  	[tilespmem:s23], [sflag:$0x2] =	stream.indirect_vreg.gather [hbm4b:s1+s3], $0x80, v3, vm0, $0xb8;
	[tilespmem:$0x10100] =	vst v63  }
0x8f: {  	s23 =	simm.s32 $0xF900  }
0x90: {  	[tilespmem:s23], [sflag:$0x2] =	stream.indirect_vreg.gather [hbm4b:s4+s3], $0x80, v3, vm0, $0xb8;
	[tilespmem:$0x10100] =	vst v63  }
0x91: {  	_ =	swait.ge [sflag:s6], $0x8000  }
0x92: {  	[sflag:s6] =	ssyncset.done $0x0  }
0x93: {  	s23 =	simm.s32 $0x100;
	s18 =	rddreg [dreg:$0x5];
	[sflag:s6] =	ssyncadd.s32 $0xFFFF8000  }
0x94: {  	[hbm4b:s18+s3] =	stream.linear.scatter [tilespmem:s23], [sflag:$0x3], $0x8000, $0x38;
	[tilespmem:$0x10100] =	vst v63  }
0x95: {  	_ =	swait.ge [sflag:s15], $0x8000  }
0x96: {  	[sflag:s15] =	ssyncset.done $0x0  }
0x97: {  	[sflag:s15] =	ssyncadd.s32 $0xFFFF8000  }
0x98: {  	v3 =	vld [tilespmem:$0x80];
	_ =	sdelay $0x4  }
0x99: {  	v56 =	vshll.u32 v3, $0x2  }
0x9a: {  	v3 =	vand.u32 $0x7, v3;
	v4 =	vand.u32 $0xFFFFFFE0, v56  }
0x9b: {  	v3 =	vor.u32 v3, v4  }
0x9c: {  	v4 =	vperm.xlane v3, v0;
	_ =	sdelay $0x1  }
0x9d: {  	v4 =	vadd.s32 v1, v4;
	_ =	sdelay $0x1  }
0x9e: {  	v3 =	vperm.xlane v3, v2;
	_ =	sdelay $0x1  }
0x9f: {  	v3 =	vadd.s32 v1, v3  }
0xa0: {  	[tilespmem:s23], [sflag:$0x1] =	stream.indirect_vreg.gather [hbm4b:s1+s3], $0x80, v4, vm0, $0xb8;
	[tilespmem:$0x10100] =	vst v63  }
0xa1: {  	_ = 	snop  }
0xa2: {  	[tilespmem:s19], [sflag:$0x1] =	stream.indirect_vreg.gather [hbm4b:s4+s3], $0x80, v4, vm0, $0xb8;
	[tilespmem:$0x10100] =	vst v63  }
0xa3: {  	_ = 	snop  }
0xa4: {  	[tilespmem:s20], [sflag:$0x1] =	stream.indirect_vreg.gather [hbm4b:s1+s3], $0x80, v3, vm0, $0xb8;
	[tilespmem:$0x10100] =	vst v63  }
0xa5: {  	_ = 	snop  }
0xa6: {  	[tilespmem:s21], [sflag:$0x1] =	stream.indirect_vreg.gather [hbm4b:s4+s3], $0x80, v3, vm0, $0xb8;
	[tilespmem:$0x10100] =	vst v63  }
0xa7: {  	v3 =	vld [tilespmem:$0x90];
	_ =	sdelay $0x4  }
0xa8: {  	v57 =	vshll.u32 v3, $0x2  }
0xa9: {  	v3 =	vand.u32 $0x7, v3;
	v4 =	vand.u32 $0xFFFFFFE0, v57  }
0xaa: {  	v3 =	vor.u32 v3, v4  }
0xab: {  	v4 =	vperm.xlane v3, v0;
	_ =	sdelay $0x1  }
0xac: {  	v4 =	vadd.s32 v1, v4;
	_ =	sdelay $0x1  }
0xad: {  	v3 =	vperm.xlane v3, v2;
	_ =	sdelay $0x1  }
0xae: {  	v3 =	vadd.s32 v1, v3  }
0xaf: {  	[tilespmem:s22], [sflag:$0x1] =	stream.indirect_vreg.gather [hbm4b:s1+s3], $0x80, v4, vm0, $0xb8;
	[tilespmem:$0x10100] =	vst v63  }
0xb0: {  	_ = 	snop  }
0xb1: {  	[tilespmem:s24], [sflag:$0x1] =	stream.indirect_vreg.gather [hbm4b:s4+s3], $0x80, v4, vm0, $0xb8;
	[tilespmem:$0x10100] =	vst v63  }
0xb2: {  	_ = 	snop  }
0xb3: {  	[tilespmem:s25], [sflag:$0x1] =	stream.indirect_vreg.gather [hbm4b:s1+s3], $0x80, v3, vm0, $0xb8;
	[tilespmem:$0x10100] =	vst v63  }
0xb4: {  	_ = 	snop  }
0xb5: {  	[tilespmem:s26], [sflag:$0x1] =	stream.indirect_vreg.gather [hbm4b:s4+s3], $0x80, v3, vm0, $0xb8;
	[tilespmem:$0x10100] =	vst v63  }
0xb6: {  	v3 =	vld [tilespmem:$0xA0];
	_ =	sdelay $0x4  }
0xb7: {  	v58 =	vshll.u32 v3, $0x2  }
0xb8: {  	v3 =	vand.u32 $0x7, v3;
	v4 =	vand.u32 $0xFFFFFFE0, v58  }
0xb9: {  	v3 =	vor.u32 v3, v4  }
0xba: {  	v4 =	vperm.xlane v3, v0;
	_ =	sdelay $0x1  }
0xbb: {  	v4 =	vadd.s32 v1, v4;
	_ =	sdelay $0x1  }
0xbc: {  	v3 =	vperm.xlane v3, v2;
	_ =	sdelay $0x1  }
0xbd: {  	v3 =	vadd.s32 v1, v3  }
0xbe: {  	[tilespmem:s28], [sflag:$0x1] =	stream.indirect_vreg.gather [hbm4b:s1+s3], $0x80, v4, vm0, $0xb8;
	[tilespmem:$0x10100] =	vst v63  }
0xbf: {  	_ = 	snop  }
0xc0: {  	[tilespmem:s29], [sflag:$0x1] =	stream.indirect_vreg.gather [hbm4b:s4+s3], $0x80, v4, vm0, $0xb8;
	[tilespmem:$0x10100] =	vst v63  }
0xc1: {  	_ = 	snop  }
0xc2: {  	[tilespmem:s30], [sflag:$0x1] =	stream.indirect_vreg.gather [hbm4b:s1+s3], $0x80, v3, vm0, $0xb8;
	[tilespmem:$0x10100] =	vst v63  }
0xc3: {  	_ = 	snop  }
0xc4: {  	[tilespmem:s31], [sflag:$0x1] =	stream.indirect_vreg.gather [hbm4b:s4+s3], $0x80, v3, vm0, $0xb8;
	[tilespmem:$0x10100] =	vst v63  }
0xc5: {  	v3 =	vld [tilespmem:$0xB0];
	_ =	sdelay $0x4  }
0xc6: {  	v59 =	vshll.u32 v3, $0x2  }
0xc7: {  	v3 =	vand.u32 $0x7, v3;
	v4 =	vand.u32 $0xFFFFFFE0, v59  }
0xc8: {  	v3 =	vor.u32 v3, v4  }
0xc9: {  	v4 =	vperm.xlane v3, v0;
	_ =	sdelay $0x1  }
0xca: {  	v4 =	vadd.s32 v1, v4;
	_ =	sdelay $0x1  }
0xcb: {  	v3 =	vperm.xlane v3, v2;
	_ =	sdelay $0x1  }
0xcc: {  	v3 =	vadd.s32 v1, v3  }
0xcd: {  	[tilespmem:s2], [sflag:$0x1] =	stream.indirect_vreg.gather [hbm4b:s1+s3], $0x80, v4, vm0, $0xb8;
	[tilespmem:$0x10100] =	vst v63  }
0xce: {  	_ = 	snop  }
0xcf: {  	[tilespmem:s0], [sflag:$0x1] =	stream.indirect_vreg.gather [hbm4b:s4+s3], $0x80, v4, vm0, $0xb8;
	[tilespmem:$0x10100] =	vst v63  }
0xd0: {  	_ = 	snop  }
0xd1: {  	[tilespmem:s8], [sflag:$0x1] =	stream.indirect_vreg.gather [hbm4b:s1+s3], $0x80, v3, vm0, $0xb8;
	[tilespmem:$0x10100] =	vst v63  }
0xd2: {  	_ = 	snop  }
0xd3: {  	[tilespmem:s9], [sflag:$0x1] =	stream.indirect_vreg.gather [hbm4b:s4+s3], $0x80, v3, vm0, $0xb8;
	[tilespmem:$0x10100] =	vst v63  }
0xd4: {  	_ =	swait.ge [sflag:s16], $0x8000  }
0xd5: {  	[sflag:s16] =	ssyncset.done $0x0  }
0xd6: {  	s0 =	rddreg [dreg:$0x6];
	[sflag:s16] =	ssyncadd.s32 $0xFFFF8000  }
0xd7: {  	[hbm4b:s0+s3] =	stream.linear.scatter [tilespmem:s14], [sflag:$0x4], $0x8000, $0x38;
	[tilespmem:$0x10100] =	vst v63  }
0xd8: {  	_ =	swait.ge [sflag:s17], $0x8000  }
0xd9: {  	[sflag:s17] =	ssyncset.done $0x0  }
0xda: {  	[sflag:s17] =	ssyncadd.s32 $0xFFFF8000  }
0xdb: {  	v3 =	vld [tilespmem:$0xC0];
	_ =	sdelay $0x4  }
0xdc: {  	v60 =	vshll.u32 v3, $0x2  }
0xdd: {  	v3 =	vand.u32 $0x7, v3;
	v4 =	vand.u32 $0xFFFFFFE0, v60  }
0xde: {  	v3 =	vor.u32 v3, v4  }
0xdf: {  	v4 =	vperm.xlane v3, v0;
	_ =	sdelay $0x1  }
0xe0: {  	v4 =	vadd.s32 v1, v4;
	_ =	sdelay $0x1  }
0xe1: {  	v3 =	vperm.xlane v3, v2;
	_ =	sdelay $0x1  }
0xe2: {  	v3 =	vadd.s32 v1, v3  }
0xe3: {  	[tilespmem:s14], [sflag:$0x2] =	stream.indirect_vreg.gather [hbm4b:s1+s3], $0x80, v4, vm0, $0xb8;
	[tilespmem:$0x10100] =	vst v63  }
0xe4: {  	_ = 	snop  }
0xe5: {  	[tilespmem:s10], [sflag:$0x2] =	stream.indirect_vreg.gather [hbm4b:s4+s3], $0x80, v4, vm0, $0xb8;
	[tilespmem:$0x10100] =	vst v63  }
0xe6: {  	_ = 	snop  }
0xe7: {  	[tilespmem:s11], [sflag:$0x2] =	stream.indirect_vreg.gather [hbm4b:s1+s3], $0x80, v3, vm0, $0xb8;
	[tilespmem:$0x10100] =	vst v63  }
0xe8: {  	_ = 	snop  }
0xe9: {  	[tilespmem:s12], [sflag:$0x2] =	stream.indirect_vreg.gather [hbm4b:s4+s3], $0x80, v3, vm0, $0xb8;
	[tilespmem:$0x10100] =	vst v63  }
0xea: {  	v3 =	vld [tilespmem:$0xD0];
	_ =	sdelay $0x4  }
0xeb: {  	v61 =	vshll.u32 v3, $0x2  }
0xec: {  	v3 =	vand.u32 $0x7, v3;
	v4 =	vand.u32 $0xFFFFFFE0, v61  }
0xed: {  	v3 =	vor.u32 v3, v4  }
0xee: {  	v4 =	vperm.xlane v3, v0;
	_ =	sdelay $0x1  }
0xef: {  	v4 =	vadd.s32 v1, v4;
	_ =	sdelay $0x1  }
0xf0: {  	v3 =	vperm.xlane v3, v2;
	_ =	sdelay $0x1  }
0xf1: {  	v3 =	vadd.s32 v1, v3  }
0xf2: {  	[tilespmem:s13], [sflag:$0x2] =	stream.indirect_vreg.gather [hbm4b:s1+s3], $0x80, v4, vm0, $0xb8;
	[tilespmem:$0x10100] =	vst v63  }
0xf3: {  	s18 =	simm.s32 $0xA900  }
0xf4: {  	[tilespmem:s18], [sflag:$0x2] =	stream.indirect_vreg.gather [hbm4b:s4+s3], $0x80, v4, vm0, $0xb8;
	[tilespmem:$0x10100] =	vst v63  }
0xf5: {  	_ = 	snop  }
0xf6: {  	[tilespmem:s7], [sflag:$0x2] =	stream.indirect_vreg.gather [hbm4b:s1+s3], $0x80, v3, vm0, $0xb8;
	[tilespmem:$0x10100] =	vst v63  }
0xf7: {  	s18 =	simm.s32 $0xB900  }
0xf8: {  	[tilespmem:s18], [sflag:$0x2] =	stream.indirect_vreg.gather [hbm4b:s4+s3], $0x80, v3, vm0, $0xb8;
	[tilespmem:$0x10100] =	vst v63  }
0xf9: {  	v3 =	vld [tilespmem:$0xE0];
	_ =	sdelay $0x4  }
0xfa: {  	v62 =	vshll.u32 v3, $0x2  }
0xfb: {  	v3 =	vand.u32 $0x7, v3;
	v4 =	vand.u32 $0xFFFFFFE0, v62  }
0xfc: {  	v3 =	vor.u32 v3, v4  }
0xfd: {  	v4 =	vperm.xlane v3, v0;
	_ =	sdelay $0x1  }
0xfe: {  	v4 =	vadd.s32 v1, v4;
	_ =	sdelay $0x1  }
0xff: {  	v3 =	vperm.xlane v3, v2;
	_ =	sdelay $0x1  }
0x100: {  	s7 =	simm.s32 $0xC100;
	v3 =	vadd.s32 v1, v3  }
0x101: {  	[tilespmem:s7], [sflag:$0x2] =	stream.indirect_vreg.gather [hbm4b:s1+s3], $0x80, v4, vm0, $0xb8;
	[tilespmem:$0x10100] =	vst v63  }
0x102: {  	s18 =	simm.s32 $0xC900  }
0x103: {  	[tilespmem:s18], [sflag:$0x2] =	stream.indirect_vreg.gather [hbm4b:s4+s3], $0x80, v4, vm0, $0xb8;
	[tilespmem:$0x10100] =	vst v63  }
0x104: {  	s7 =	simm.s32 $0xD100  }
0x105: {  	[tilespmem:s7], [sflag:$0x2] =	stream.indirect_vreg.gather [hbm4b:s1+s3], $0x80, v3, vm0, $0xb8;
	[tilespmem:$0x10100] =	vst v63  }
0x106: {  	s18 =	simm.s32 $0xD900  }
0x107: {  	[tilespmem:s18], [sflag:$0x2] =	stream.indirect_vreg.gather [hbm4b:s4+s3], $0x80, v3, vm0, $0xb8;
	[tilespmem:$0x10100] =	vst v63  }
0x108: {  	v3 =	vld [tilespmem:$0xF0];
	_ =	sdelay $0x4  }
0x109: {  	v63 =	vshll.u32 v3, $0x2  }
0x10a: {  	v3 =	vand.u32 $0x7, v3;
	v4 =	vand.u32 $0xFFFFFFE0, v63  }
0x10b: {  	v3 =	vor.u32 v3, v4  }
0x10c: {  	v4 =	vperm.xlane v3, v0;
	_ =	sdelay $0x1  }
0x10d: {  	v4 =	vadd.s32 v1, v4;
	_ =	sdelay $0x1  }
0x10e: {  	v3 =	vperm.xlane v3, v2;
	_ =	sdelay $0x1  }
0x10f: {  	s7 =	simm.s32 $0xE100;
	v3 =	vadd.s32 v1, v3  }
0x110: {  	[tilespmem:s7], [sflag:$0x2] =	stream.indirect_vreg.gather [hbm4b:s1+s3], $0x80, v4, vm0, $0xb8;
	[tilespmem:$0x10100] =	vst v63  }
0x111: {  	s18 =	simm.s32 $0xE900  }
0x112: {  	[tilespmem:s18], [sflag:$0x2] =	stream.indirect_vreg.gather [hbm4b:s4+s3], $0x80, v4, vm0, $0xb8;
	[tilespmem:$0x10100] =	vst v63  }
0x113: {  	s7 =	simm.s32 $0xF100  }
0x114: {  	[tilespmem:s7], [sflag:$0x2] =	stream.indirect_vreg.gather [hbm4b:s1+s3], $0x80, v3, vm0, $0xb8;
	[tilespmem:$0x10100] =	vst v63  }
0x115: {  	s18 =	simm.s32 $0xF900  }
0x116: {  	[tilespmem:s18], [sflag:$0x2] =	stream.indirect_vreg.gather [hbm4b:s4+s3], $0x80, v3, vm0, $0xb8;
	[tilespmem:$0x10100] =	vst v63  }
0x117: {  	_ =	swait.ge [sflag:s6], $0x8000  }
0x118: {  	[sflag:s6] =	ssyncset.done $0x0  }
0x119: {  	s23 =	simm.s32 $0x100;
	s7 =	rddreg [dreg:$0x7];
	[sflag:s6] =	ssyncadd.s32 $0xFFFF8000  }
0x11a: {  	[hbm4b:s7+s3] =	stream.linear.scatter [tilespmem:s23], [sflag:$0x3], $0x8000, $0x38;
	[tilespmem:$0x10100] =	vst v63  }
0x11b: {  	_ =	swait.ge [sflag:s16], $0x8000  }
0x11c: {  	[sflag:s16] =	ssyncset.done $0x0  }
0x11d: {  	s23 =	rddreg [dreg:$0x8];
	[sflag:s16] =	ssyncadd.s32 $0xFFFF8000  }
0x11e: {  	[hbm4b:s23+s3] =	stream.linear.scatter [tilespmem:s14], [sflag:$0x4], $0x8000, $0x38;
	[tilespmem:$0x10100] =	vst v63  }
0x11f: {  	p0 =	sne.s32 s5, $0x1;
	_ =	swait.ge [sflag:s15], $0x8000  }
.Ltmp0:
0x120: {  	[sflag:s15] =	ssyncset.done $0x0;
	(pc) =	sbr.rel @p0 .LBB2_1-.Ltmp0, $4  }
0x121: {  	[sflag:s15] =	ssyncadd.s32 $0xFFFF8000  }
0x122: {  	_ =	swait.ge [sflag:s17], $0x8000  }
0x123: {  	[sflag:s17] =	ssyncset.done $0x0  }
0x124: {  	s5 =	sadd.s32 $0xFFFFFFFF, s5;
	[sflag:s17] =	ssyncadd.s32 $0xFFFF8000  }
0x125: {  	_ =	sfence.sel $0x180000  }
0x126: {  	[bflag:$0x0] =	sbarrier.arrive $0xFFFF  }
0x127: {  	_ =	strace $0x90000047  }
0x128: {  	s0 =	stileid.u32;
	[bflag:$0x2] =	sbarrier.arrive $0xFFFF  }
0x129: {  	p0 =	sne.s32 s0, $0x0;
	s0 =	rddreg [dreg:$0x3]  }
0x12a: {  	s0 =	sadd.s32 @!p0 $0x100000, s0  }
0x12b: {  	[sflag:s0] =	ssyncadd.tile.s32 @!p0 $0x1;
	_ =	shalt  }
.Lfunc_end2:
_tile_overlayer_lowered:
.L_overlay_start_2:
0x12c: {  	(tag) =	ssettag $0x2  }
0x12d: {  	s0 =	rddreg [dreg:$0x0];
	s2 =	stileid.u32  }
0x12e: {  	s1 =	rddreg [dreg:$0x1];
	p0 =	sne.s32 s2, $0x0  }
0x12f: {  	s3 =	rddreg [dreg:$0x2];
	[bflag:$0x3] =	sbarrier.arrive $0xFFFF;
	s2 =	simm.s32 @!p0 $0x1C05  }
0x130: {  	[timem:s3], [sflag:s2] =	dma.local @!p0 [hbm:s0], s1  }
0x131: {  	s0 =	simm.s32 @!p0 $0x5  }
0x132: {  	_ =	swait.ge @!p0 [sflag:s0], s1  }
0x133: {  	s1 =	ssub.s32 @!p0 $0x0, s1;
	[sflag:s0] =	ssyncset.done @!p0 $0x0  }
0x134: {  	[sflag:s0] =	ssyncadd.s32 @!p0 s1  }
0x135: {  	[bflag:$0x3] =	sbarrier.arrive $0xFFFF  }
0x136: {  	_ =	shalt  }

// kernel: kernel.9.cloned.1.call-start
scs
__scs_entry_jumppad:
0x0: {  	(pc) =	sbr.rel $0x88, $3  }
0x1: {  	(tag) =	ssettag $0x0;
	lr =	simm.s32 $0x1  }
0x2: {  	[smem:$0x3F9D] =	sst lr;
	_ =	strace $0xD0000000  }
0x3: {  	_ = 	snop  }
0x4: {  	_ = 	snop  }
0x5: {  	_ = 	snop  }
0x6: {  	_ = 	snop  }
0x7: {  	_ = 	snop  }
__scs_overlays_trampoline_lowered:
0x8: {  	[smem:$0x3FAC] =	sst s0  }
0x9: {  	[smem:$0x3FAD] =	sst s1  }
0xa: {  	[smem:$0x3FAE] =	sst s2  }
0xb: {  	[smem:$0x3FAF] =	sst s3  }
0xc: {  	[smem:$0x3FB0] =	sst s4  }
0xd: {  	[smem:$0x3FB1] =	sst s5  }
0xe: {  	[smem:$0x3FB2] =	sst s6  }
0xf: {  	[smem:$0x3FB3] =	sst s7  }
0x10: {  	[smem:$0x3FB4] =	sst s8  }
0x11: {  	[smem:$0x3FB5] =	sst s9;
	s0 =	simm.s32 @!p0 $0x0  }
0x12: {  	s1 =	sld [smem:$0x3F9B];
	s0 =	simm.s32 @p0 $0x1  }
0x13: {  	[smem:$0x3FB6] =	sst s0;
	s0 =	simm.s32 @!p1 $0x0  }
0x14: {  	s2 =	sld [smem:$0x3F9A];
	s0 =	simm.s32 @p1 $0x1  }
0x15: {  	[smem:$0x3FB7] =	sst s0;
	s0 =	simm.s32 @!p2 $0x0  }
0x16: {  	s3 =	sld [smem:$0x3FDB];
	s0 =	simm.s32 @p2 $0x1  }
0x17: {  	s4 =	simm.s32 $0x1BF5;
	[smem:$0x3FB9] =	sst s0  }
0x18: {  	s0 =	sld [smem:$0x3F9C];
	_ =	swait.ge [sflag:s4], $0x0  }
0x19: {  	s7 =	sld [smem:$0x3F9D]  }
0x1a: {  	s8 =	sadd.s32 $0xFFFFE003, lr  }
0x1b: {  	s9 =	sadd.s32 $0xFFFFFEF7, lr;
	s5 =	simm.s32 $0xFFFFFFFF;
	p2 =	slt.u32 s8, $0xFFFFF086  }
0x1c: {  	p1 =	slt.u32 s9, $0xF7A;
	s5 =	simm.s32 @!p2 $0x0  }
0x1d: {  	s5 =	simm.s32 @p1 $0x1;
	p0 =	seq.s32 s7, s2  }
0x1e: {  	s7 =	smul.u32 @!p0 $0xF7A, s2;
	p2 =	seq.s32 @!p0 s5, $0x0  }
0x1f: {  	s9 =	smul.u32 $0xF7A, s1;
	s8 =	simm.s32 @!p0 $0x1BF5;
	p2 =	por !p2, p0  }
0x20: {  	[sflag:s8] =	ssyncset.s32 @!p0 $0xFFFFF086;
	s6 =	sadd.s32 @!p0 s3, s7;
	s7 =	simm.s32 @!p0 $0x108  }
0x21: {  	s3 =	sadd.s32 s3, s9;
	s6 =	sadd.s32 @!p0 $0x88, s6;
	s7 =	simm.s32 @p2 $0x1082  }
0x22: {  	[simem:s7], [sflag:s8] =	dma.local @!p0 [hbm:s6], $0xF7A  }
0x23: {  	s9 =	sor.u32 $0xD0000000, s2;
	s6 =	simm.s32 $0x108;
	_ =	swait.ge @!p0 [sflag:s8], $0x0  }
0x24: {  	s3 =	sadd.s32 $0x88, s3;
	s6 =	simm.s32 @!p1 $0x1082;
	[sflag:s4] =	ssyncset.s32 $0xFFFFF086  }
0x25: {  	[simem:s6], [sflag:s4] =	dma.local [hbm:s3], $0xF7A  }
0x26: {  	[smem:$0x3F9D] =	sst s1;
	(tag) =	ssettag s2;
	_ =	strace s9  }
0x27: {  	s1 =	sld [smem:$0x3FAD]  }
0x28: {  	s2 =	sld [smem:$0x3FAE]  }
0x29: {  	s4 =	sld [smem:$0x3FB0]  }
0x2a: {  	p0 =	seq.s32 s5, $0x0;
	s5 =	sld [smem:$0x3FB1]  }
0x2b: {  	s6 =	sld [smem:$0x3FB2]  }
0x2c: {  	s7 =	sld [smem:$0x3FB3]  }
0x2d: {  	s3 =	simm.s32 $0x108;
	s8 =	sld [smem:$0x3FB4]  }
0x2e: {  	s3 =	simm.s32 @!p0 $0x1082;
	s9 =	sld [smem:$0x3FB5]  }
0x2f: {  	lr =	sadd.s32 s0, s3;
	s0 =	sld [smem:$0x3FAC]  }
0x30: {  	s3 =	sld [smem:$0x3FAF]  }
0x31: {  	[smem:$0x3FB8] =	sst s10  }
0x32: {  	s10 =	sld [smem:$0x3FB6];
	_ =	sdelay $0x3  }
0x33: {  	p0 =	seq.s32 s10, $0x1;
	s10 =	sld [smem:$0x3FB8];
	_ =	sdelay $0x3  }
0x34: {  	[smem:$0x3FB8] =	sst s10  }
0x35: {  	s10 =	sld [smem:$0x3FB7];
	_ =	sdelay $0x3  }
0x36: {  	p1 =	seq.s32 s10, $0x1;
	s10 =	sld [smem:$0x3FB8];
	_ =	sdelay $0x3  }
0x37: {  	[smem:$0x3FB8] =	sst s10  }
0x38: {  	s10 =	sld [smem:$0x3FB9]  }
0x39: {  	_ = 	snop;
	(pc) =	sbr.ind lr, $3  }
0x3a: {  	_ = 	snop  }
0x3b: {  	_ = 	snop  }
0x3c: {  	p2 =	seq.s32 s10, $0x1;
	s10 =	sld [smem:$0x3FB8]  }
0x3d: {  	_ =	shalt  }
0x3e: {  	_ =	shalt  }
0x3f: {  	_ =	shalt  }
0x40: {  	_ =	shalt  }
0x41: {  	_ =	shalt  }
0x42: {  	_ =	shalt  }
0x43: {  	_ =	shalt  }
0x44: {  	_ =	shalt  }
0x45: {  	_ =	shalt  }
0x46: {  	_ =	shalt  }
0x47: {  	_ =	shalt  }
0x48: {  	_ =	shalt  }
0x49: {  	_ =	shalt  }
0x4a: {  	_ =	shalt  }
0x4b: {  	_ =	shalt  }
0x4c: {  	_ =	shalt  }
0x4d: {  	_ =	shalt  }
0x4e: {  	_ =	shalt  }
0x4f: {  	_ =	shalt  }
0x50: {  	_ =	shalt  }
0x51: {  	_ =	shalt  }
0x52: {  	_ =	shalt  }
0x53: {  	_ =	shalt  }
0x54: {  	_ =	shalt  }
0x55: {  	_ =	shalt  }
0x56: {  	_ =	shalt  }
0x57: {  	_ =	shalt  }
0x58: {  	_ =	shalt  }
0x59: {  	_ =	shalt  }
0x5a: {  	_ =	shalt  }
0x5b: {  	_ =	shalt  }
0x5c: {  	_ =	shalt  }
0x5d: {  	_ =	shalt  }
0x5e: {  	_ =	shalt  }
0x5f: {  	_ =	shalt  }
0x60: {  	_ =	shalt  }
0x61: {  	_ =	shalt  }
0x62: {  	_ =	shalt  }
0x63: {  	_ =	shalt  }
0x64: {  	_ =	shalt  }
0x65: {  	_ =	shalt  }
0x66: {  	_ =	shalt  }
0x67: {  	_ =	shalt  }
0x68: {  	_ =	shalt  }
0x69: {  	_ =	shalt  }
0x6a: {  	_ =	shalt  }
0x6b: {  	_ =	shalt  }
0x6c: {  	_ =	shalt  }
0x6d: {  	_ =	shalt  }
0x6e: {  	_ =	shalt  }
0x6f: {  	_ =	shalt  }
0x70: {  	_ =	shalt  }
0x71: {  	_ =	shalt  }
0x72: {  	_ =	shalt  }
0x73: {  	_ =	shalt  }
0x74: {  	_ =	shalt  }
0x75: {  	_ =	shalt  }
0x76: {  	_ =	shalt  }
0x77: {  	_ =	shalt  }
0x78: {  	_ =	shalt  }
0x79: {  	_ =	shalt  }
0x7a: {  	_ =	shalt  }
0x7b: {  	_ =	shalt  }
0x7c: {  	_ =	shalt  }
0x7d: {  	_ =	shalt  }
0x7e: {  	_ =	shalt  }
0x7f: {  	_ =	shalt  }
0x80: {  	_ =	shalt  }
0x81: {  	_ =	shalt  }
0x82: {  	_ =	shalt  }
0x83: {  	_ =	shalt  }
0x84: {  	_ =	shalt  }
0x85: {  	_ =	shalt  }
0x86: {  	_ =	shalt  }
0x87: {  	_ =	shalt  }
.Lfunc_end0:
.L_simem_size_0:
called_computation.1_lowered:
.L_overlay_start_0:
0x88: {  	s2 =	sld [smem:$0x3FD9]  }
0x89: {  	s3 =	sld [smem:$0x3FFE];
	_ =	sdelay $0x1  }
0x8a: {  	s1 =	srdreg.scid  }
0x8b: {  	s0 =	sand.u32 $0x1, s1  }
0x8c: {  	s17 =	sshll.u32 s0, $0xA;
	s2 =	sadd.s32 s3, s2  }
0x8d: {  	s2 =	sadd.s32 s2, s17  }
0x8e: {  	[smem:$0x3FC4] =	sst s2  }
0x8f: {  	_ = 	snop  }
0x90: {  	s18 =	sld [smem:$0x3FC7];
	(tm) =	ssettm $0x1  }
0x91: {  	s19 =	sld [smem:$0x3FFB];
	_ =	sdelay $0x3  }
0x92: {  	_ =	strace s19  }
0x93: {  	s2 =	sld [smem:$0x3FFC];
	_ =	sdelay $0x3  }
0x94: {  	_ =	strace s2  }
0x95: {  	s2 =	sld [smem:$0x3FFD];
	_ =	sdelay $0x3  }
0x96: {  	_ =	strace s2  }
0x97: {  	_ =	strace $0x8FFFFFFF  }
0x98: {  	s20 =	sld [smem:$0x3FDB];
	_ =	sdelay $0x1  }
0x99: {  	s4 =	simm.s32 $_scs_section_size  }
0x9a: {  	s5 =	simm.s32 $_size__tile_overlayer_lowered;
	s6 =	simm.s32 $_tile_overlayer_lowered  }
0x9b: {  	s7 =	simm.s32 $0x1BFF;
	s21 =	sshll.u32 s6, $0x1;
	s4 =	sadd.s32 s4, s20  }
0x9c: {  	s22 =	simm.s32 $0x0;
	s5 =	sshll.u32 s5, $0x1;
	s6 =	sadd.s32 s21, s4  }
0x9d: {  	[timem:s22], [sflag:s7] =	dma.local [hbm:s6], s5  }
0x9e: {  	_ =	swait.ge [sflag:s7], s5  }
0x9f: {  	s5 =	ssub.s32 $0x0, s5;
	[sflag:s7] =	ssyncset.done $0x0  }
0xa0: {  	[sflag:s7] =	ssyncadd.s32 s5;
	_ =	sdelay $0x1  }
0xa1: {  	s23 =	simm.s32 $0x1B8B  }
0xa2: {  	_ =	swait.ge [sflag:s23], $0x1  }
0xa3: {  	[sflag:s23] =	ssyncset.done $0x0  }
0xa4: {  	[sflag:s23] =	ssyncadd.s32 $0xFFFFFFFF  }
0xa5: {  	s5 =	sld [smem:$0x0]  }
0xa6: {  	s6 =	sand.u32 $0xFFFFFFFE, s1  }
0xa7: {  	p0 =	sne.s32 s1, s6  }
0xa8: {  	s6 =	sshll.u32 @p0 s6, $0xE  }
0xa9: {  	s6 =	sadd.s32 @p0 $0x11B8D, s6;
	s7 =	sshll.u32 @p0 s5, $0x11  }
0xaa: {  	s6 =	sor.u32 @p0 s7, s6  }
0xab: {  	[sflag:s6] =	ssyncadd.remote.s32 @p0 $0x1;
	_ =	sdelay $0x1  }
0xac: {  	s6 =	simm.s32 @p0 $0x1B8D  }
0xad: {  	_ =	swait.eq @p0 [sflag:s6], $0x1  }
0xae: {  	[sflag:s6] =	ssyncadd.s32 @p0 $0xFFFFFFFF  }
0xaf: {  	s7 =	sshll.u32 @!p0 s1, $0xE  }
0xb0: {  	s7 =	sor.u32 @!p0 $0x4000, s7;
	s6 =	simm.s32 @!p0 $0x1B8D  }
0xb1: {  	s5 =	sshll.u32 @!p0 s5, $0x11;
	s7 =	sadd.s32 @!p0 $0x11B8D, s7;
	_ =	swait.eq @!p0 [sflag:s6], $0x1  }
0xb2: {  	s5 =	sor.u32 @!p0 s5, s7;
	[sflag:s6] =	ssyncadd.s32 @!p0 $0xFFFFFFFF  }
0xb3: {  	s25 =	simm.s32 $0x1B8E;
	s24 =	sld [smem:$0x3FFE];
	[sflag:s5] =	ssyncadd.remote.s32 @!p0 $0x1  }
0xb4: {  	s26 =	simm.s32 $execute0_lowered;
	[smem:$0x3FD2] =	sst s25  }
0xb5: {  	s6 =	sshll.u32 s26, $0x1;
	_ =	strace $0x80000049;
	[dreg:$0x1] =	wrdreg $0xFFFFFFFF  }
0xb6: {  	s28 =	simm.s32 $_size_execute0_lowered;
	s4 =	sadd.s32 s4, s6;
	[dreg:$0x0] =	wrdreg $0x0  }
0xb7: {  	s6 =	sshll.u32 s28, $0x1;
	[dreg:$0x2] =	wrdreg s4  }
0xb8: {  	[dreg:$0x3] =	wrdreg s6  }
0xb9: {  	[dreg:$0x4] =	wrdreg $0xC0  }
0xba: {  	_ =	task [dreg:s22], $0x5FFFF  }
0xbb: {  	[dreg:$0x1] =	wrdreg $0xFFFFFFFF  }
0xbc: {  	[dreg:$0x0] =	wrdreg $0x60  }
0xbd: {  	[dreg:$0x2] =	wrdreg s18  }
0xbe: {  	[dreg:$0x3] =	wrdreg s24  }
0xbf: {  	[dreg:$0x4] =	wrdreg $0xA  }
0xc0: {  	_ =	task.clear_ibuf [dreg:s22], $0x5FFFF;
	_ =	strace $0x90000049  }
0xc1: {  	s29 =	simm.s32 $0xA;
	_ =	strace $0x8000004B  }
0xc2: {  	_ =	swait.ge [sflag:s29], $0x1  }
0xc3: {  	[sflag:s29] =	ssyncadd.s32 $0xFFFFFFFF  }
0xc4: {  	_ =	strace $0x9000004B  }
0xc5: {  	_ =	sfence  }
0xc6: {  	s30 =	sld [smem:$0x0];
	_ =	sdelay $0x2  }
0xc7: {  	s31 =	sshll.u32 s1, $0xD;
	s1 =	sshrl.u32 s1, $0x2  }
0xc8: {  	s4 =	sand.u32 $0x4000, s31;
	s1 =	sadd.s32 s1, s30  }
0xc9: {  	s0 =	sor.u32 s4, s0;
	s1 =	sshll.u32 s1, $0x11  }
0xca: {  	s0 =	sor.u32 s1, s0  }
0xcb: {  	s0 =	sadd.s32 $0x8F2B, s0  }
0xcc: {  	[sflag:s0] =	ssyncadd.remote.s32 $0x1  }
0xcd: {  	_ =	sfence.sel $0xFFFF  }
0xce: {  	[dreg:$0x0] =	wrdreg $0xFFFFFFFF;
	(pc) =	sbr.abs _section_cstart, $3  }
0xcf: {  	[dreg:$0x1] =	wrdreg $0xFFFFFFFF  }
0xd0: {  	_ =	task.clear_ibuf [dreg:s22], $0x2FFFF;
	_ =	strace $0x9FFFFFFF  }
0xd1: {  	(tm) =	ssettm $0x7FFFFFFF  }
tec
execute0_lowered:
.L_overlay_start_1:
0x0: {  	(tag) =	ssettag $0x1  }
0x1: {  	s0 =	srdreg.scid;
	s2 =	rddreg [dreg:$0x0]  }
0x2: {  	s1 =	stileid.u32;
	s4 =	rddreg [dreg:$0x1];
	s6 =	simm.s32 $0x1  }
0x3: {  	s15 =	simm.s32 $0x3;
	s16 =	simm.s32 $0x2;
	s17 =	simm.s32 $0x4  }
0x4: {  	s19 =	simm.s32 $0x900;
	s20 =	simm.s32 $0x1100;
	s21 =	simm.s32 $0x1900  }
0x5: {  	s28 =	simm.s32 $0x4100;
	s29 =	simm.s32 $0x4900;
	s30 =	simm.s32 $0x5100  }
0x6: {  	s31 =	simm.s32 $0x5900;
	s8 =	simm.s32 $0x7100;
	s9 =	simm.s32 $0x7900  }
0x7: {  	s14 =	simm.s32 $0x8100;
	s10 =	simm.s32 $0x8900;
	s0 =	sand.u32 $0x1, s0  }
0x8: {  	s11 =	simm.s32 $0x9100;
	s1 =	sshll.u32 s1, $0x9;
	s3 =	sshll.u32 s0, $0x8  }
0x9: {  	s12 =	simm.s32 $0x9900;
	s13 =	simm.s32 $0xA100;
	s1 =	sor.u32 s3, s1  }
0xa: {  	s0 =	ssub.s32 $0x2, s0;
	s3 =	simm.s32 $0x0;
	s5 =	sshrl.u32 s1, $0x3  }
0xb: {  	s24 =	sshrl.u32 s0, $0x1;
	s1 =	sshll.u32 s1, $0x6;
	s5 =	sadd.s32 s5, s4  }
0xc: {  	[smem:$0x7FF] =	sst s3;
	s1 =	sadd.s32 s1, s4;
	s22 =	sadd.s32 $0x1200, s5  }
0xd: {  	_ =	strace $0x8000004A;
	s23 =	sadd.s32 $0x81600, s1;
	[dreg:$0x3] =	wrdreg s22  }
0xe: {  	s0 =	ssub.s32 s0, s24;
	s25 =	sadd.s32 $0x82600, s1;
	[dreg:$0x4] =	wrdreg s23  }
0xf: {  	s24 =	simm.s32 $0x2900;
	s26 =	sadd.s32 $0x83600, s1;
	[dreg:$0x5] =	wrdreg s25  }
0x10: {  	v2 =	vlaneseq.u32;
	s4 =	sadd.s32 $0x100, s2;
	s1 =	sadd.s32 $0x84600, s1;
	[dreg:$0x6] =	wrdreg s26  }
0x11: {  	vm0 =	vmmov $0xffff;
	v1 =	vshrl.u32 v2, $0x3;
	s5 =	smax.u32 s0, $0x1;
	[dreg:$0x7] =	wrdreg s1;
	s22 =	simm.s32 $0x2100  }
0x12: {  	v0 =	vand.u32 $0x7, v2;
	v2 =	vor.u32 $0x8, v2;
	v1 =	vmul.u32 $0x8, v1;
	s25 =	simm.s32 $0x3100;
	s26 =	simm.s32 $0x3900;
	s1 =	simm.s32 $0x6100  }
.LBB2_1:
0x13: {  	s18 =	rddreg [dreg:$0x3];
	s0 =	simm.s32 $0x5  }
0x14: {  	[tilespmem:s3], [sflag:$0x5] =	stream.linear.gather [hbm4b:s18+s3], $0x100, $0x38;
	[tilespmem:$0x10100] =	vst v63  }
0x15: {  	_ =	swait.ge [sflag:s0], $0x100  }
0x16: {  	[sflag:s0] =	ssyncset.done $0x0  }
0x17: {  	[sflag:s0] =	ssyncadd.s32 $0xFFFFFF00  }
0x18: {  	v3 =	vld [tilespmem:$0x0];
	_ =	sdelay $0x4  }
0x19: {  	v4 =	vshll.u32 v3, $0x2  }
0x1a: {  	v3 =	vand.u32 $0x7, v3;
	v4 =	vand.u32 $0xFFFFFFE0, v4  }
0x1b: {  	v3 =	vor.u32 v3, v4  }
0x1c: {  	v4 =	vperm.xlane v3, v0;
	_ =	sdelay $0x1  }
0x1d: {  	v4 =	vadd.s32 v1, v4;
	_ =	sdelay $0x1  }
0x1e: {  	v3 =	vperm.xlane v3, v2;
	_ =	sdelay $0x1  }
0x1f: {  	s18 =	simm.s32 $0x100;
	v3 =	vadd.s32 v1, v3  }
0x20: {  	[tilespmem:s18], [sflag:$0x1] =	stream.indirect_vreg.gather [hbm4b:s2+s3], $0x80, v4, vm0, $0xb8;
	[tilespmem:$0x10100] =	vst v63  }
0x21: {  	_ = 	snop  }
0x22: {  	[tilespmem:s19], [sflag:$0x1] =	stream.indirect_vreg.gather [hbm4b:s4+s3], $0x80, v4, vm0, $0xb8;
	[tilespmem:$0x10100] =	vst v63  }
0x23: {  	_ = 	snop  }
0x24: {  	[tilespmem:s20], [sflag:$0x1] =	stream.indirect_vreg.gather [hbm4b:s2+s3], $0x80, v3, vm0, $0xb8;
	[tilespmem:$0x10100] =	vst v63  }
0x25: {  	_ = 	snop  }
0x26: {  	[tilespmem:s21], [sflag:$0x1] =	stream.indirect_vreg.gather [hbm4b:s4+s3], $0x80, v3, vm0, $0xb8;
	[tilespmem:$0x10100] =	vst v63  }
0x27: {  	v3 =	vld [tilespmem:$0x10];
	_ =	sdelay $0x4  }
0x28: {  	v49 =	vshll.u32 v3, $0x2  }
0x29: {  	v3 =	vand.u32 $0x7, v3;
	v4 =	vand.u32 $0xFFFFFFE0, v49  }
0x2a: {  	v3 =	vor.u32 v3, v4  }
0x2b: {  	v4 =	vperm.xlane v3, v0;
	_ =	sdelay $0x1  }
0x2c: {  	v4 =	vadd.s32 v1, v4;
	_ =	sdelay $0x1  }
0x2d: {  	v3 =	vperm.xlane v3, v2;
	_ =	sdelay $0x1  }
0x2e: {  	v3 =	vadd.s32 v1, v3  }
0x2f: {  	[tilespmem:s22], [sflag:$0x1] =	stream.indirect_vreg.gather [hbm4b:s2+s3], $0x80, v4, vm0, $0xb8;
	[tilespmem:$0x10100] =	vst v63  }
0x30: {  	_ = 	snop  }
0x31: {  	[tilespmem:s24], [sflag:$0x1] =	stream.indirect_vreg.gather [hbm4b:s4+s3], $0x80, v4, vm0, $0xb8;
	[tilespmem:$0x10100] =	vst v63  }
0x32: {  	_ = 	snop  }
0x33: {  	[tilespmem:s25], [sflag:$0x1] =	stream.indirect_vreg.gather [hbm4b:s2+s3], $0x80, v3, vm0, $0xb8;
	[tilespmem:$0x10100] =	vst v63  }
0x34: {  	_ = 	snop  }
0x35: {  	[tilespmem:s26], [sflag:$0x1] =	stream.indirect_vreg.gather [hbm4b:s4+s3], $0x80, v3, vm0, $0xb8;
	[tilespmem:$0x10100] =	vst v63  }
0x36: {  	v3 =	vld [tilespmem:$0x20];
	_ =	sdelay $0x4  }
0x37: {  	v50 =	vshll.u32 v3, $0x2  }
0x38: {  	v3 =	vand.u32 $0x7, v3;
	v4 =	vand.u32 $0xFFFFFFE0, v50  }
0x39: {  	v3 =	vor.u32 v3, v4  }
0x3a: {  	v4 =	vperm.xlane v3, v0;
	_ =	sdelay $0x1  }
0x3b: {  	v4 =	vadd.s32 v1, v4;
	_ =	sdelay $0x1  }
0x3c: {  	v3 =	vperm.xlane v3, v2;
	_ =	sdelay $0x1  }
0x3d: {  	v3 =	vadd.s32 v1, v3  }
0x3e: {  	[tilespmem:s28], [sflag:$0x1] =	stream.indirect_vreg.gather [hbm4b:s2+s3], $0x80, v4, vm0, $0xb8;
	[tilespmem:$0x10100] =	vst v63  }
0x3f: {  	_ = 	snop  }
0x40: {  	[tilespmem:s29], [sflag:$0x1] =	stream.indirect_vreg.gather [hbm4b:s4+s3], $0x80, v4, vm0, $0xb8;
	[tilespmem:$0x10100] =	vst v63  }
0x41: {  	_ = 	snop  }
0x42: {  	[tilespmem:s30], [sflag:$0x1] =	stream.indirect_vreg.gather [hbm4b:s2+s3], $0x80, v3, vm0, $0xb8;
	[tilespmem:$0x10100] =	vst v63  }
0x43: {  	_ = 	snop  }
0x44: {  	[tilespmem:s31], [sflag:$0x1] =	stream.indirect_vreg.gather [hbm4b:s4+s3], $0x80, v3, vm0, $0xb8;
	[tilespmem:$0x10100] =	vst v63  }
0x45: {  	v3 =	vld [tilespmem:$0x30];
	_ =	sdelay $0x4  }
0x46: {  	v51 =	vshll.u32 v3, $0x2  }
0x47: {  	v3 =	vand.u32 $0x7, v3;
	v4 =	vand.u32 $0xFFFFFFE0, v51  }
0x48: {  	v3 =	vor.u32 v3, v4  }
0x49: {  	v4 =	vperm.xlane v3, v0;
	_ =	sdelay $0x1  }
0x4a: {  	v4 =	vadd.s32 v1, v4;
	_ =	sdelay $0x1  }
0x4b: {  	v3 =	vperm.xlane v3, v2;
	_ =	sdelay $0x1  }
0x4c: {  	v3 =	vadd.s32 v1, v3  }
0x4d: {  	[tilespmem:s1], [sflag:$0x1] =	stream.indirect_vreg.gather [hbm4b:s2+s3], $0x80, v4, vm0, $0xb8;
	[tilespmem:$0x10100] =	vst v63  }
0x4e: {  	s0 =	simm.s32 $0x6900  }
0x4f: {  	[tilespmem:s0], [sflag:$0x1] =	stream.indirect_vreg.gather [hbm4b:s4+s3], $0x80, v4, vm0, $0xb8;
	[tilespmem:$0x10100] =	vst v63  }
0x50: {  	_ = 	snop  }
0x51: {  	[tilespmem:s8], [sflag:$0x1] =	stream.indirect_vreg.gather [hbm4b:s2+s3], $0x80, v3, vm0, $0xb8;
	[tilespmem:$0x10100] =	vst v63  }
0x52: {  	_ = 	snop  }
0x53: {  	[tilespmem:s9], [sflag:$0x1] =	stream.indirect_vreg.gather [hbm4b:s4+s3], $0x80, v3, vm0, $0xb8;
	[tilespmem:$0x10100] =	vst v63  }
0x54: {  	v3 =	vld [tilespmem:$0x40];
	_ =	sdelay $0x4  }
0x55: {  	v52 =	vshll.u32 v3, $0x2  }
0x56: {  	v3 =	vand.u32 $0x7, v3;
	v4 =	vand.u32 $0xFFFFFFE0, v52  }
0x57: {  	v3 =	vor.u32 v3, v4  }
0x58: {  	v4 =	vperm.xlane v3, v0;
	_ =	sdelay $0x1  }
0x59: {  	v4 =	vadd.s32 v1, v4;
	_ =	sdelay $0x1  }
0x5a: {  	v3 =	vperm.xlane v3, v2;
	_ =	sdelay $0x1  }
0x5b: {  	v3 =	vadd.s32 v1, v3  }
0x5c: {  	[tilespmem:s14], [sflag:$0x2] =	stream.indirect_vreg.gather [hbm4b:s2+s3], $0x80, v4, vm0, $0xb8;
	[tilespmem:$0x10100] =	vst v63  }
0x5d: {  	_ = 	snop  }
0x5e: {  	[tilespmem:s10], [sflag:$0x2] =	stream.indirect_vreg.gather [hbm4b:s4+s3], $0x80, v4, vm0, $0xb8;
	[tilespmem:$0x10100] =	vst v63  }
0x5f: {  	_ = 	snop  }
0x60: {  	[tilespmem:s11], [sflag:$0x2] =	stream.indirect_vreg.gather [hbm4b:s2+s3], $0x80, v3, vm0, $0xb8;
	[tilespmem:$0x10100] =	vst v63  }
0x61: {  	_ = 	snop  }
0x62: {  	[tilespmem:s12], [sflag:$0x2] =	stream.indirect_vreg.gather [hbm4b:s4+s3], $0x80, v3, vm0, $0xb8;
	[tilespmem:$0x10100] =	vst v63  }
0x63: {  	v3 =	vld [tilespmem:$0x50];
	_ =	sdelay $0x4  }
0x64: {  	v53 =	vshll.u32 v3, $0x2  }
0x65: {  	v3 =	vand.u32 $0x7, v3;
	v4 =	vand.u32 $0xFFFFFFE0, v53  }
0x66: {  	v3 =	vor.u32 v3, v4  }
0x67: {  	v4 =	vperm.xlane v3, v0;
	_ =	sdelay $0x1  }
0x68: {  	v4 =	vadd.s32 v1, v4;
	_ =	sdelay $0x1  }
0x69: {  	v3 =	vperm.xlane v3, v2;
	_ =	sdelay $0x1  }
0x6a: {  	v3 =	vadd.s32 v1, v3  }
0x6b: {  	[tilespmem:s13], [sflag:$0x2] =	stream.indirect_vreg.gather [hbm4b:s2+s3], $0x80, v4, vm0, $0xb8;
	[tilespmem:$0x10100] =	vst v63  }
0x6c: {  	s7 =	simm.s32 $0xA900  }
0x6d: {  	[tilespmem:s7], [sflag:$0x2] =	stream.indirect_vreg.gather [hbm4b:s4+s3], $0x80, v4, vm0, $0xb8;
	[tilespmem:$0x10100] =	vst v63  }
0x6e: {  	s7 =	simm.s32 $0xB100  }
0x6f: {  	[tilespmem:s7], [sflag:$0x2] =	stream.indirect_vreg.gather [hbm4b:s2+s3], $0x80, v3, vm0, $0xb8;
	[tilespmem:$0x10100] =	vst v63  }
0x70: {  	s23 =	simm.s32 $0xB900  }
0x71: {  	[tilespmem:s23], [sflag:$0x2] =	stream.indirect_vreg.gather [hbm4b:s4+s3], $0x80, v3, vm0, $0xb8;
	[tilespmem:$0x10100] =	vst v63  }
0x72: {  	v3 =	vld [tilespmem:$0x60];
	_ =	sdelay $0x4  }
0x73: {  	v54 =	vshll.u32 v3, $0x2  }
0x74: {  	v3 =	vand.u32 $0x7, v3;
	v4 =	vand.u32 $0xFFFFFFE0, v54  }
0x75: {  	v3 =	vor.u32 v3, v4  }
0x76: {  	v4 =	vperm.xlane v3, v0;
	_ =	sdelay $0x1  }
0x77: {  	v4 =	vadd.s32 v1, v4;
	_ =	sdelay $0x1  }
0x78: {  	v3 =	vperm.xlane v3, v2;
	_ =	sdelay $0x1  }
0x79: {  	s23 =	simm.s32 $0xC100;
	v3 =	vadd.s32 v1, v3  }
0x7a: {  	[tilespmem:s23], [sflag:$0x2] =	stream.indirect_vreg.gather [hbm4b:s2+s3], $0x80, v4, vm0, $0xb8;
	[tilespmem:$0x10100] =	vst v63  }
0x7b: {  	s23 =	simm.s32 $0xC900  }
0x7c: {  	[tilespmem:s23], [sflag:$0x2] =	stream.indirect_vreg.gather [hbm4b:s4+s3], $0x80, v4, vm0, $0xb8;
	[tilespmem:$0x10100] =	vst v63  }
0x7d: {  	s23 =	simm.s32 $0xD100  }
0x7e: {  	[tilespmem:s23], [sflag:$0x2] =	stream.indirect_vreg.gather [hbm4b:s2+s3], $0x80, v3, vm0, $0xb8;
	[tilespmem:$0x10100] =	vst v63  }
0x7f: {  	s23 =	simm.s32 $0xD900  }
0x80: {  	[tilespmem:s23], [sflag:$0x2] =	stream.indirect_vreg.gather [hbm4b:s4+s3], $0x80, v3, vm0, $0xb8;
	[tilespmem:$0x10100] =	vst v63  }
0x81: {  	v3 =	vld [tilespmem:$0x70];
	_ =	sdelay $0x4  }
0x82: {  	v55 =	vshll.u32 v3, $0x2  }
0x83: {  	v3 =	vand.u32 $0x7, v3;
	v4 =	vand.u32 $0xFFFFFFE0, v55  }
0x84: {  	v3 =	vor.u32 v3, v4  }
0x85: {  	v4 =	vperm.xlane v3, v0;
	_ =	sdelay $0x1  }
0x86: {  	v4 =	vadd.s32 v1, v4;
	_ =	sdelay $0x1  }
0x87: {  	v3 =	vperm.xlane v3, v2;
	_ =	sdelay $0x1  }
0x88: {  	s23 =	simm.s32 $0xE100;
	v3 =	vadd.s32 v1, v3  }
0x89: {  	[tilespmem:s23], [sflag:$0x2] =	stream.indirect_vreg.gather [hbm4b:s2+s3], $0x80, v4, vm0, $0xb8;
	[tilespmem:$0x10100] =	vst v63  }
0x8a: {  	s23 =	simm.s32 $0xE900  }
0x8b: {  	[tilespmem:s23], [sflag:$0x2] =	stream.indirect_vreg.gather [hbm4b:s4+s3], $0x80, v4, vm0, $0xb8;
	[tilespmem:$0x10100] =	vst v63  }
0x8c: {  	s23 =	simm.s32 $0xF100  }
0x8d: {  	[tilespmem:s23], [sflag:$0x2] =	stream.indirect_vreg.gather [hbm4b:s2+s3], $0x80, v3, vm0, $0xb8;
	[tilespmem:$0x10100] =	vst v63  }
0x8e: {  	s23 =	simm.s32 $0xF900  }
0x8f: {  	[tilespmem:s23], [sflag:$0x2] =	stream.indirect_vreg.gather [hbm4b:s4+s3], $0x80, v3, vm0, $0xb8;
	[tilespmem:$0x10100] =	vst v63  }
0x90: {  	_ =	swait.ge [sflag:s6], $0x8000  }
0x91: {  	[sflag:s6] =	ssyncset.done $0x0  }
0x92: {  	s23 =	simm.s32 $0x100;
	s18 =	rddreg [dreg:$0x4];
	[sflag:s6] =	ssyncadd.s32 $0xFFFF8000  }
0x93: {  	[hbm4b:s18+s3] =	stream.linear.scatter [tilespmem:s23], [sflag:$0x3], $0x8000, $0x38;
	[tilespmem:$0x10100] =	vst v63  }
0x94: {  	_ =	swait.ge [sflag:s15], $0x8000  }
0x95: {  	[sflag:s15] =	ssyncset.done $0x0  }
0x96: {  	[sflag:s15] =	ssyncadd.s32 $0xFFFF8000  }
0x97: {  	v3 =	vld [tilespmem:$0x80];
	_ =	sdelay $0x4  }
0x98: {  	v56 =	vshll.u32 v3, $0x2  }
0x99: {  	v3 =	vand.u32 $0x7, v3;
	v4 =	vand.u32 $0xFFFFFFE0, v56  }
0x9a: {  	v3 =	vor.u32 v3, v4  }
0x9b: {  	v4 =	vperm.xlane v3, v0;
	_ =	sdelay $0x1  }
0x9c: {  	v4 =	vadd.s32 v1, v4;
	_ =	sdelay $0x1  }
0x9d: {  	v3 =	vperm.xlane v3, v2;
	_ =	sdelay $0x1  }
0x9e: {  	v3 =	vadd.s32 v1, v3  }
0x9f: {  	[tilespmem:s23], [sflag:$0x1] =	stream.indirect_vreg.gather [hbm4b:s2+s3], $0x80, v4, vm0, $0xb8;
	[tilespmem:$0x10100] =	vst v63  }
0xa0: {  	_ = 	snop  }
0xa1: {  	[tilespmem:s19], [sflag:$0x1] =	stream.indirect_vreg.gather [hbm4b:s4+s3], $0x80, v4, vm0, $0xb8;
	[tilespmem:$0x10100] =	vst v63  }
0xa2: {  	_ = 	snop  }
0xa3: {  	[tilespmem:s20], [sflag:$0x1] =	stream.indirect_vreg.gather [hbm4b:s2+s3], $0x80, v3, vm0, $0xb8;
	[tilespmem:$0x10100] =	vst v63  }
0xa4: {  	_ = 	snop  }
0xa5: {  	[tilespmem:s21], [sflag:$0x1] =	stream.indirect_vreg.gather [hbm4b:s4+s3], $0x80, v3, vm0, $0xb8;
	[tilespmem:$0x10100] =	vst v63  }
0xa6: {  	v3 =	vld [tilespmem:$0x90];
	_ =	sdelay $0x4  }
0xa7: {  	v57 =	vshll.u32 v3, $0x2  }
0xa8: {  	v3 =	vand.u32 $0x7, v3;
	v4 =	vand.u32 $0xFFFFFFE0, v57  }
0xa9: {  	v3 =	vor.u32 v3, v4  }
0xaa: {  	v4 =	vperm.xlane v3, v0;
	_ =	sdelay $0x1  }
0xab: {  	v4 =	vadd.s32 v1, v4;
	_ =	sdelay $0x1  }
0xac: {  	v3 =	vperm.xlane v3, v2;
	_ =	sdelay $0x1  }
0xad: {  	v3 =	vadd.s32 v1, v3  }
0xae: {  	[tilespmem:s22], [sflag:$0x1] =	stream.indirect_vreg.gather [hbm4b:s2+s3], $0x80, v4, vm0, $0xb8;
	[tilespmem:$0x10100] =	vst v63  }
0xaf: {  	_ = 	snop  }
0xb0: {  	[tilespmem:s24], [sflag:$0x1] =	stream.indirect_vreg.gather [hbm4b:s4+s3], $0x80, v4, vm0, $0xb8;
	[tilespmem:$0x10100] =	vst v63  }
0xb1: {  	_ = 	snop  }
0xb2: {  	[tilespmem:s25], [sflag:$0x1] =	stream.indirect_vreg.gather [hbm4b:s2+s3], $0x80, v3, vm0, $0xb8;
	[tilespmem:$0x10100] =	vst v63  }
0xb3: {  	_ = 	snop  }
0xb4: {  	[tilespmem:s26], [sflag:$0x1] =	stream.indirect_vreg.gather [hbm4b:s4+s3], $0x80, v3, vm0, $0xb8;
	[tilespmem:$0x10100] =	vst v63  }
0xb5: {  	v3 =	vld [tilespmem:$0xA0];
	_ =	sdelay $0x4  }
0xb6: {  	v58 =	vshll.u32 v3, $0x2  }
0xb7: {  	v3 =	vand.u32 $0x7, v3;
	v4 =	vand.u32 $0xFFFFFFE0, v58  }
0xb8: {  	v3 =	vor.u32 v3, v4  }
0xb9: {  	v4 =	vperm.xlane v3, v0;
	_ =	sdelay $0x1  }
0xba: {  	v4 =	vadd.s32 v1, v4;
	_ =	sdelay $0x1  }
0xbb: {  	v3 =	vperm.xlane v3, v2;
	_ =	sdelay $0x1  }
0xbc: {  	v3 =	vadd.s32 v1, v3  }
0xbd: {  	[tilespmem:s28], [sflag:$0x1] =	stream.indirect_vreg.gather [hbm4b:s2+s3], $0x80, v4, vm0, $0xb8;
	[tilespmem:$0x10100] =	vst v63  }
0xbe: {  	_ = 	snop  }
0xbf: {  	[tilespmem:s29], [sflag:$0x1] =	stream.indirect_vreg.gather [hbm4b:s4+s3], $0x80, v4, vm0, $0xb8;
	[tilespmem:$0x10100] =	vst v63  }
0xc0: {  	_ = 	snop  }
0xc1: {  	[tilespmem:s30], [sflag:$0x1] =	stream.indirect_vreg.gather [hbm4b:s2+s3], $0x80, v3, vm0, $0xb8;
	[tilespmem:$0x10100] =	vst v63  }
0xc2: {  	_ = 	snop  }
0xc3: {  	[tilespmem:s31], [sflag:$0x1] =	stream.indirect_vreg.gather [hbm4b:s4+s3], $0x80, v3, vm0, $0xb8;
	[tilespmem:$0x10100] =	vst v63  }
0xc4: {  	v3 =	vld [tilespmem:$0xB0];
	_ =	sdelay $0x4  }
0xc5: {  	v59 =	vshll.u32 v3, $0x2  }
0xc6: {  	v3 =	vand.u32 $0x7, v3;
	v4 =	vand.u32 $0xFFFFFFE0, v59  }
0xc7: {  	v3 =	vor.u32 v3, v4  }
0xc8: {  	v4 =	vperm.xlane v3, v0;
	_ =	sdelay $0x1  }
0xc9: {  	v4 =	vadd.s32 v1, v4;
	_ =	sdelay $0x1  }
0xca: {  	v3 =	vperm.xlane v3, v2;
	_ =	sdelay $0x1  }
0xcb: {  	v3 =	vadd.s32 v1, v3  }
0xcc: {  	[tilespmem:s1], [sflag:$0x1] =	stream.indirect_vreg.gather [hbm4b:s2+s3], $0x80, v4, vm0, $0xb8;
	[tilespmem:$0x10100] =	vst v63  }
0xcd: {  	_ = 	snop  }
0xce: {  	[tilespmem:s0], [sflag:$0x1] =	stream.indirect_vreg.gather [hbm4b:s4+s3], $0x80, v4, vm0, $0xb8;
	[tilespmem:$0x10100] =	vst v63  }
0xcf: {  	_ = 	snop  }
0xd0: {  	[tilespmem:s8], [sflag:$0x1] =	stream.indirect_vreg.gather [hbm4b:s2+s3], $0x80, v3, vm0, $0xb8;
	[tilespmem:$0x10100] =	vst v63  }
0xd1: {  	_ = 	snop  }
0xd2: {  	[tilespmem:s9], [sflag:$0x1] =	stream.indirect_vreg.gather [hbm4b:s4+s3], $0x80, v3, vm0, $0xb8;
	[tilespmem:$0x10100] =	vst v63  }
0xd3: {  	_ =	swait.ge [sflag:s16], $0x8000  }
0xd4: {  	[sflag:s16] =	ssyncset.done $0x0  }
0xd5: {  	s0 =	rddreg [dreg:$0x5];
	[sflag:s16] =	ssyncadd.s32 $0xFFFF8000  }
0xd6: {  	[hbm4b:s0+s3] =	stream.linear.scatter [tilespmem:s14], [sflag:$0x4], $0x8000, $0x38;
	[tilespmem:$0x10100] =	vst v63  }
0xd7: {  	_ =	swait.ge [sflag:s17], $0x8000  }
0xd8: {  	[sflag:s17] =	ssyncset.done $0x0  }
0xd9: {  	[sflag:s17] =	ssyncadd.s32 $0xFFFF8000  }
0xda: {  	v3 =	vld [tilespmem:$0xC0];
	_ =	sdelay $0x4  }
0xdb: {  	v60 =	vshll.u32 v3, $0x2  }
0xdc: {  	v3 =	vand.u32 $0x7, v3;
	v4 =	vand.u32 $0xFFFFFFE0, v60  }
0xdd: {  	v3 =	vor.u32 v3, v4  }
0xde: {  	v4 =	vperm.xlane v3, v0;
	_ =	sdelay $0x1  }
0xdf: {  	v4 =	vadd.s32 v1, v4;
	_ =	sdelay $0x1  }
0xe0: {  	v3 =	vperm.xlane v3, v2;
	_ =	sdelay $0x1  }
0xe1: {  	v3 =	vadd.s32 v1, v3  }
0xe2: {  	[tilespmem:s14], [sflag:$0x2] =	stream.indirect_vreg.gather [hbm4b:s2+s3], $0x80, v4, vm0, $0xb8;
	[tilespmem:$0x10100] =	vst v63  }
0xe3: {  	_ = 	snop  }
0xe4: {  	[tilespmem:s10], [sflag:$0x2] =	stream.indirect_vreg.gather [hbm4b:s4+s3], $0x80, v4, vm0, $0xb8;
	[tilespmem:$0x10100] =	vst v63  }
0xe5: {  	_ = 	snop  }
0xe6: {  	[tilespmem:s11], [sflag:$0x2] =	stream.indirect_vreg.gather [hbm4b:s2+s3], $0x80, v3, vm0, $0xb8;
	[tilespmem:$0x10100] =	vst v63  }
0xe7: {  	_ = 	snop  }
0xe8: {  	[tilespmem:s12], [sflag:$0x2] =	stream.indirect_vreg.gather [hbm4b:s4+s3], $0x80, v3, vm0, $0xb8;
	[tilespmem:$0x10100] =	vst v63  }
0xe9: {  	v3 =	vld [tilespmem:$0xD0];
	_ =	sdelay $0x4  }
0xea: {  	v61 =	vshll.u32 v3, $0x2  }
0xeb: {  	v3 =	vand.u32 $0x7, v3;
	v4 =	vand.u32 $0xFFFFFFE0, v61  }
0xec: {  	v3 =	vor.u32 v3, v4  }
0xed: {  	v4 =	vperm.xlane v3, v0;
	_ =	sdelay $0x1  }
0xee: {  	v4 =	vadd.s32 v1, v4;
	_ =	sdelay $0x1  }
0xef: {  	v3 =	vperm.xlane v3, v2;
	_ =	sdelay $0x1  }
0xf0: {  	v3 =	vadd.s32 v1, v3  }
0xf1: {  	[tilespmem:s13], [sflag:$0x2] =	stream.indirect_vreg.gather [hbm4b:s2+s3], $0x80, v4, vm0, $0xb8;
	[tilespmem:$0x10100] =	vst v63  }
0xf2: {  	s18 =	simm.s32 $0xA900  }
0xf3: {  	[tilespmem:s18], [sflag:$0x2] =	stream.indirect_vreg.gather [hbm4b:s4+s3], $0x80, v4, vm0, $0xb8;
	[tilespmem:$0x10100] =	vst v63  }
0xf4: {  	_ = 	snop  }
0xf5: {  	[tilespmem:s7], [sflag:$0x2] =	stream.indirect_vreg.gather [hbm4b:s2+s3], $0x80, v3, vm0, $0xb8;
	[tilespmem:$0x10100] =	vst v63  }
0xf6: {  	s18 =	simm.s32 $0xB900  }
0xf7: {  	[tilespmem:s18], [sflag:$0x2] =	stream.indirect_vreg.gather [hbm4b:s4+s3], $0x80, v3, vm0, $0xb8;
	[tilespmem:$0x10100] =	vst v63  }
0xf8: {  	v3 =	vld [tilespmem:$0xE0];
	_ =	sdelay $0x4  }
0xf9: {  	v62 =	vshll.u32 v3, $0x2  }
0xfa: {  	v3 =	vand.u32 $0x7, v3;
	v4 =	vand.u32 $0xFFFFFFE0, v62  }
0xfb: {  	v3 =	vor.u32 v3, v4  }
0xfc: {  	v4 =	vperm.xlane v3, v0;
	_ =	sdelay $0x1  }
0xfd: {  	v4 =	vadd.s32 v1, v4;
	_ =	sdelay $0x1  }
0xfe: {  	v3 =	vperm.xlane v3, v2;
	_ =	sdelay $0x1  }
0xff: {  	s7 =	simm.s32 $0xC100;
	v3 =	vadd.s32 v1, v3  }
0x100: {  	[tilespmem:s7], [sflag:$0x2] =	stream.indirect_vreg.gather [hbm4b:s2+s3], $0x80, v4, vm0, $0xb8;
	[tilespmem:$0x10100] =	vst v63  }
0x101: {  	s18 =	simm.s32 $0xC900  }
0x102: {  	[tilespmem:s18], [sflag:$0x2] =	stream.indirect_vreg.gather [hbm4b:s4+s3], $0x80, v4, vm0, $0xb8;
	[tilespmem:$0x10100] =	vst v63  }
0x103: {  	s7 =	simm.s32 $0xD100  }
0x104: {  	[tilespmem:s7], [sflag:$0x2] =	stream.indirect_vreg.gather [hbm4b:s2+s3], $0x80, v3, vm0, $0xb8;
	[tilespmem:$0x10100] =	vst v63  }
0x105: {  	s18 =	simm.s32 $0xD900  }
0x106: {  	[tilespmem:s18], [sflag:$0x2] =	stream.indirect_vreg.gather [hbm4b:s4+s3], $0x80, v3, vm0, $0xb8;
	[tilespmem:$0x10100] =	vst v63  }
0x107: {  	v3 =	vld [tilespmem:$0xF0];
	_ =	sdelay $0x4  }
0x108: {  	v63 =	vshll.u32 v3, $0x2  }
0x109: {  	v3 =	vand.u32 $0x7, v3;
	v4 =	vand.u32 $0xFFFFFFE0, v63  }
0x10a: {  	v3 =	vor.u32 v3, v4  }
0x10b: {  	v4 =	vperm.xlane v3, v0;
	_ =	sdelay $0x1  }
0x10c: {  	v4 =	vadd.s32 v1, v4;
	_ =	sdelay $0x1  }
0x10d: {  	v3 =	vperm.xlane v3, v2;
	_ =	sdelay $0x1  }
0x10e: {  	s7 =	simm.s32 $0xE100;
	v3 =	vadd.s32 v1, v3  }
0x10f: {  	[tilespmem:s7], [sflag:$0x2] =	stream.indirect_vreg.gather [hbm4b:s2+s3], $0x80, v4, vm0, $0xb8;
	[tilespmem:$0x10100] =	vst v63  }
0x110: {  	s18 =	simm.s32 $0xE900  }
0x111: {  	[tilespmem:s18], [sflag:$0x2] =	stream.indirect_vreg.gather [hbm4b:s4+s3], $0x80, v4, vm0, $0xb8;
	[tilespmem:$0x10100] =	vst v63  }
0x112: {  	s7 =	simm.s32 $0xF100  }
0x113: {  	[tilespmem:s7], [sflag:$0x2] =	stream.indirect_vreg.gather [hbm4b:s2+s3], $0x80, v3, vm0, $0xb8;
	[tilespmem:$0x10100] =	vst v63  }
0x114: {  	s18 =	simm.s32 $0xF900  }
0x115: {  	[tilespmem:s18], [sflag:$0x2] =	stream.indirect_vreg.gather [hbm4b:s4+s3], $0x80, v3, vm0, $0xb8;
	[tilespmem:$0x10100] =	vst v63  }
0x116: {  	_ =	swait.ge [sflag:s6], $0x8000  }
0x117: {  	[sflag:s6] =	ssyncset.done $0x0  }
0x118: {  	s23 =	simm.s32 $0x100;
	s7 =	rddreg [dreg:$0x6];
	[sflag:s6] =	ssyncadd.s32 $0xFFFF8000  }
0x119: {  	[hbm4b:s7+s3] =	stream.linear.scatter [tilespmem:s23], [sflag:$0x3], $0x8000, $0x38;
	[tilespmem:$0x10100] =	vst v63  }
0x11a: {  	_ =	swait.ge [sflag:s16], $0x8000  }
0x11b: {  	[sflag:s16] =	ssyncset.done $0x0  }
0x11c: {  	s23 =	rddreg [dreg:$0x7];
	[sflag:s16] =	ssyncadd.s32 $0xFFFF8000  }
0x11d: {  	[hbm4b:s23+s3] =	stream.linear.scatter [tilespmem:s14], [sflag:$0x4], $0x8000, $0x38;
	[tilespmem:$0x10100] =	vst v63  }
0x11e: {  	p0 =	sne.s32 s5, $0x1;
	_ =	swait.ge [sflag:s15], $0x8000  }
.Ltmp0:
0x11f: {  	[sflag:s15] =	ssyncset.done $0x0;
	(pc) =	sbr.rel @p0 .LBB2_1-.Ltmp0, $4  }
0x120: {  	[sflag:s15] =	ssyncadd.s32 $0xFFFF8000  }
0x121: {  	_ =	swait.ge [sflag:s17], $0x8000  }
0x122: {  	[sflag:s17] =	ssyncset.done $0x0  }
0x123: {  	s5 =	sadd.s32 $0xFFFFFFFF, s5;
	[sflag:s17] =	ssyncadd.s32 $0xFFFF8000  }
0x124: {  	_ =	sfence.sel $0x180000  }
0x125: {  	[bflag:$0x0] =	sbarrier.arrive $0xFFFF  }
0x126: {  	_ =	strace $0x9000004A  }
0x127: {  	s0 =	stileid.u32;
	[bflag:$0x2] =	sbarrier.arrive $0xFFFF  }
0x128: {  	p0 =	sne.s32 s0, $0x0;
	s0 =	rddreg [dreg:$0x2]  }
0x129: {  	s0 =	sadd.s32 @!p0 $0x100000, s0  }
0x12a: {  	[sflag:s0] =	ssyncadd.tile.s32 @!p0 $0x1;
	_ =	shalt  }
.Lfunc_end2:
_tile_overlayer_lowered:
.L_overlay_start_2:
0x12b: {  	(tag) =	ssettag $0x2  }
0x12c: {  	s0 =	rddreg [dreg:$0x0];
	s2 =	stileid.u32  }
0x12d: {  	s1 =	rddreg [dreg:$0x1];
	p0 =	sne.s32 s2, $0x0  }
0x12e: {  	s3 =	rddreg [dreg:$0x2];
	[bflag:$0x3] =	sbarrier.arrive $0xFFFF;
	s2 =	simm.s32 @!p0 $0x1C05  }
0x12f: {  	[timem:s3], [sflag:s2] =	dma.local @!p0 [hbm:s0], s1  }
0x130: {  	s0 =	simm.s32 @!p0 $0x5  }
0x131: {  	_ =	swait.ge @!p0 [sflag:s0], s1  }
0x132: {  	s1 =	ssub.s32 @!p0 $0x0, s1;
	[sflag:s0] =	ssyncset.done @!p0 $0x0  }
0x133: {  	[sflag:s0] =	ssyncadd.s32 @!p0 s1  }
0x134: {  	[bflag:$0x3] =	sbarrier.arrive $0xFFFF  }
0x135: {  	_ =	shalt  }

</sc_bundles>
